<compile_context>
chip_gen: v7x
topology: tpu7x:2x2x1
jax: 0.10.2.dev20260603
libtpu: 0.0.44.dev20260713+nightly
codegen_flags: <defaults>
</compile_context>

<pallas_src>
import functools

import jax
import jax.numpy as jnp
from jax import lax
from jax.experimental import pallas as pl
from jax.experimental.pallas import tpu as pltpu
from jax.experimental.pallas import tpu_sc as plsc

N = 10000
E = 320000
D = 128
NC, NS = 2, 16
NW = NC * NS
CHUNK = 128
RPT = 80
EC = NW * RPT
E_PAD = EC * CHUNK
NPAD = 10240
ROWS_PT = NPAD // NS
DD = 16
IB = 16

_MESH = plsc.VectorSubcoreMesh(
    core_axis_name="c", subcore_axis_name="s", num_cores=NC, num_subcores=NS)


def _zero_buf(buf, nrows, width):
    z = jnp.zeros((16,), jnp.float32)

    def body(r, _):
        for j in range(width // 16):
            buf[r, pl.ds(j * 16, 16)] = z
        return 0

    lax.fori_loop(0, nrows, body, 0)


@functools.partial(
    pl.kernel,
    out_type=jax.ShapeDtypeStruct((NC, NPAD, DD), jnp.float32),
    mesh=_MESH,
    scratch_types=[
        pltpu.VMEM_SHARED((NPAD, DD), jnp.float32),
        pltpu.VMEM((RPT, CHUNK), jnp.int32),
        pltpu.VMEM((CHUNK, DD), jnp.float32),
        pltpu.VMEM((CHUNK, DD), jnp.float32),
    ],
)
def _sc_deg(dst_h, out_h, acc_sh, didx, obuf, zbuf):
    cid = lax.axis_index("c")
    sid = lax.axis_index("s")
    wid = cid * NS + sid

    def fill(r, _):
        obuf[r, pl.ds(0, 16)] = jnp.full((16,), 0.0625, jnp.float32)
        zbuf[r, pl.ds(0, 16)] = jnp.zeros((16,), jnp.float32)
        return 0
    lax.fori_loop(0, CHUNK, fill, 0)

    for t in range(ROWS_PT // CHUNK):
        pltpu.sync_copy(zbuf, acc_sh.at[pl.ds(sid * ROWS_PT + t * CHUNK, CHUNK)])
    plsc.subcore_barrier()

    pltpu.sync_copy(dst_h.at[pl.ds(wid * RPT, RPT)], didx)

    def body(j, _):
        pltpu.sync_copy(obuf, acc_sh.at[didx.at[j]], add=True)
        return 0
    lax.fori_loop(0, RPT, body, 0)
    plsc.subcore_barrier()

    pltpu.sync_copy(acc_sh.at[pl.ds(sid * ROWS_PT, ROWS_PT)],
                    out_h.at[cid, pl.ds(sid * ROWS_PT, ROWS_PT)])


@functools.partial(
    pl.kernel,
    out_type=jax.ShapeDtypeStruct((NC, NPAD, D), jnp.float32),
    mesh=_MESH,
    scratch_types=[
        pltpu.VMEM_SHARED((NPAD, D), jnp.float32),
        pltpu.VMEM((IB, CHUNK), jnp.int32),
        pltpu.VMEM((IB, CHUNK), jnp.int32),
        pltpu.VMEM((2, CHUNK, D), jnp.float32),
        pltpu.SemaphoreType.DMA,
        pltpu.SemaphoreType.DMA,
    ],
)
def _sc_agg(table_h, src_h, dst_h, out_h, acc_sh, sidx, didx, rows, sem0, sem1):
    cid = lax.axis_index("c")
    sid = lax.axis_index("s")
    wid = cid * NS + sid
    sems = (sem0, sem1)

    _zero_buf(rows.at[0], CHUNK, D)
    for t in range(ROWS_PT // CHUNK):
        pltpu.sync_copy(rows.at[0], acc_sh.at[pl.ds(sid * ROWS_PT + t * CHUNK, CHUNK)])
    plsc.subcore_barrier()

    def block(t, _):
        base = wid * RPT + t * IB
        pltpu.sync_copy(src_h.at[pl.ds(base, IB)], sidx)
        pltpu.sync_copy(dst_h.at[pl.ds(base, IB)], didx)
        pltpu.async_copy(table_h.at[sidx.at[0]], rows.at[0], sem0)

        def body(i, _):
            for b in range(2):
                j = 2 * i + b
                pltpu.async_copy(table_h.at[sidx.at[j + 1]], rows.at[1 - b],
                                 sems[1 - b])
                pltpu.make_async_copy(table_h.at[sidx.at[j]], rows.at[b],
                                      sems[b]).wait()
                pltpu.sync_copy(rows.at[b], acc_sh.at[didx.at[j]], add=True)
            return 0

        lax.fori_loop(0, IB // 2 - 1, body, 0)
        pltpu.async_copy(table_h.at[sidx.at[IB - 1]], rows.at[1], sem1)
        pltpu.make_async_copy(table_h.at[sidx.at[IB - 2]], rows.at[0], sem0).wait()
        pltpu.sync_copy(rows.at[0], acc_sh.at[didx.at[IB - 2]], add=True)
        pltpu.make_async_copy(table_h.at[sidx.at[IB - 1]], rows.at[1], sem1).wait()
        pltpu.sync_copy(rows.at[1], acc_sh.at[didx.at[IB - 1]], add=True)
        return 0

    lax.fori_loop(0, RPT // IB, block, 0)
    plsc.subcore_barrier()

    pltpu.sync_copy(acc_sh.at[pl.ds(sid * ROWS_PT, ROWS_PT)],
                    out_h.at[cid, pl.ds(sid * ROWS_PT, ROWS_PT)])


def _dinv_col(deg_ref):
    s = jnp.sum(deg_ref[0] + deg_ref[1], axis=1)
    return lax.rsqrt(1.0 + s)[:, None]


def _tc_in_body(x_ref, deg_ref, w_ref, o_ref):
    h = jnp.dot(x_ref[...], w_ref[...], preferred_element_type=jnp.float32)
    o_ref[...] = h * _dinv_col(deg_ref)


def _tc_mid_body(acc_ref, hs_ref, deg_ref, b_ref, w_ref, o_ref):
    dinv = _dinv_col(deg_ref)
    z = (acc_ref[0] + acc_ref[1] + hs_ref[...]) * dinv + b_ref[...]
    z = jnp.maximum(z, 0.0)
    o_ref[...] = jnp.dot(z, w_ref[...], preferred_element_type=jnp.float32) * dinv


def _tc_out_body(acc_ref, hs_ref, deg_ref, b_ref, o_ref):
    dinv = _dinv_col(deg_ref)
    o_ref[...] = (acc_ref[0] + acc_ref[1] + hs_ref[...]) * dinv + b_ref[...]


_R = 2000
_fspec = pl.BlockSpec((_R, D), lambda i: (i, 0))
_aspec = pl.BlockSpec((NC, _R, D), lambda i: (0, i, 0))
_dspec = pl.BlockSpec((NC, _R, DD), lambda i: (0, i, 0))
_wspec = pl.BlockSpec((D, D), lambda i: (0, 0))
_bspec = pl.BlockSpec((1, D), lambda i: (0, 0))
_fout = jax.ShapeDtypeStruct((N, D), jnp.float32)


def _tc_in(x, degp, W1):
    return pl.pallas_call(
        _tc_in_body, grid=(N // _R,),
        in_specs=[_fspec, _dspec, _wspec], out_specs=_fspec, out_shape=_fout,
    )(x, degp, W1)


def _tc_mid(acc, hs, degp, b, W2):
    return pl.pallas_call(
        _tc_mid_body, grid=(N // _R,),
        in_specs=[_aspec, _fspec, _dspec, _bspec, _wspec],
        out_specs=_fspec, out_shape=_fout,
    )(acc, hs, degp, b, W2)


def _tc_out(acc, hs, degp, b):
    return pl.pallas_call(
        _tc_out_body, grid=(N // _R,),
        in_specs=[_aspec, _fspec, _dspec, _bspec],
        out_specs=_fspec, out_shape=_fout,
    )(acc, hs, degp, b)


def kernel(x, edge_index, W1, b1, W2, b2):
    src = edge_index[0].astype(jnp.int32)
    dst = edge_index[1].astype(jnp.int32)
    pad = E_PAD - E
    ar = jnp.arange(pad, dtype=jnp.int32)
    srcc = jnp.concatenate([src, ar % N]).reshape(EC, CHUNK)
    dstc = jnp.concatenate([dst, jnp.full((pad,), N, jnp.int32)]).reshape(EC, CHUNK)

    degp = _sc_deg(dstc)
    h1s = _tc_in(x, degp, W1)
    acc1 = _sc_agg(h1s, srcc, dstc)
    h2s = _tc_mid(acc1, h1s, degp, b1.reshape(1, D), W2)
    acc2 = _sc_agg(h2s, srcc, dstc)
    return _tc_out(acc2, h2s, degp, b2.reshape(1, D))

# --- scband reference (transcript-rebuilt; emitter-appended) ---
"""Pipeline reference for scband-gcn-1-21337397526794 (READ-ONLY COPY).

The authoritative reference and input builder live on the scoring server;
editing this copy changes nothing except your own understanding.
"""

import jax, jax.numpy as jnp
import numpy as np

N_NODES = 10000
N_EDGES = 320000
D_IN = 128
D_HID = 128
D_OUT = 128


def setup_inputs(seed: int = 0) -> dict:
    key = jax.random.key(seed)
    k1, k2, k3, k4, k5 = jax.random.split(key, 5)
    x = jax.random.normal(k1, (N_NODES, D_IN), dtype=jnp.float32)
    edge_index = jax.random.randint(k2, (2, N_EDGES), 0, N_NODES, dtype=jnp.int64)
    # GCNConv weights (glorot-ish scale) and zero biases, matching PyG defaults
    W1 = jax.random.normal(k3, (D_IN, D_HID), dtype=jnp.float32) * (1.0 / np.sqrt(D_IN))
    b1 = jnp.zeros((D_HID,), dtype=jnp.float32)
    W2 = jax.random.normal(k4, (D_HID, D_OUT), dtype=jnp.float32) * (1.0 / np.sqrt(D_HID))
    b2 = jnp.zeros((D_OUT,), dtype=jnp.float32)
    return {"x": x, "edge_index": edge_index, "W1": W1, "b1": b1, "W2": W2, "b2": b2}


def _gcn_conv(x, src, dst, ew, W, b, num_nodes):
    # x' = D^{-1/2} (A + I) D^{-1/2} (x W) + b   (PyG GCNConv semantics)
    deg = jnp.zeros((num_nodes,), dtype=x.dtype).at[dst].add(ew)
    dinv = jnp.where(deg > 0, jax.lax.rsqrt(deg), 0.0)
    norm = dinv[src] * ew * dinv[dst]
    h = x @ W
    msg = jnp.take(h, src, axis=0) * norm[:, None]
    out = jnp.zeros((num_nodes, h.shape[1]), dtype=h.dtype).at[dst].add(msg)
    return out + b


def reference(x, edge_index, W1, b1, W2, b2):
    num_nodes = x.shape[0]
    # add self-loops (GCNConv default add_self_loops=True), edge_weight=None -> ones
    loop = jnp.arange(num_nodes, dtype=edge_index.dtype)
    src = jnp.concatenate([edge_index[0], loop])
    dst = jnp.concatenate([edge_index[1], loop])
    ew = jnp.ones(src.shape[0], dtype=x.dtype)
    h = _gcn_conv(x, src, dst, ew, W1, b1, num_nodes)
    h = jax.nn.relu(h)
    out = _gcn_conv(h, src, dst, ew, W2, b2, num_nodes)
    return out

if __name__ == "__main__":
    import jax
    _d = setup_inputs()
    print(jax.jit(kernel)(*tuple(_d.values())))

</pallas_src>

<mosaic_0001>
#map = affine_map<(d0, d1) -> (0, 0)>
#map1 = affine_map<(d0, d1) -> (0, 0, 0)>
module attributes {stable_mosaic.version = 14 : i64} {
  func.func @_sc_agg(%arg0: i32, %arg1: i32, %arg2: memref<10000x128xf32, #tpu.memory_space<hbm>>, %arg3: memref<2560x128xi32, #tpu.memory_space<hbm>>, %arg4: memref<2560x128xi32, #tpu.memory_space<hbm>>, %arg5: memref<2x10240x128xf32, #tpu.memory_space<hbm>>, %arg6: memref<10240x128xf32, #tpu.memory_space<vmem_shared>>, %arg7: memref<16x128xi32, #tpu.memory_space<vmem>>, %arg8: memref<16x128xi32, #tpu.memory_space<vmem>>, %arg9: memref<2x128x128xf32, #tpu.memory_space<vmem>>, %arg10: memref<!tpu.dma_semaphore, #tpu.memory_space<semaphore_mem>>, %arg11: memref<!tpu.dma_semaphore, #tpu.memory_space<semaphore_mem>>) attributes {dimension_semantics = [#tpu.dimension_semantics<core_parallel>, #tpu.dimension_semantics<subcore_parallel>], iteration_bounds = array<i64: 2, 16>, scalar_prefetch = 0 : i64, scratch_operands = 6 : i64, tpu.core_type = #tpu.core_type<sc_vector_subcore>, window_params = [{transform_indices = #map}, {transform_indices = #map}, {transform_indices = #map}, {transform_indices = #map1}]} {
    %mul3A = arith.constant 16 : i32
    %mul3A_0 = arith.muli %arg0, %mul3A : i32
    %add3A = arith.addi %mul3A_0, %arg1 : i32
    %broadcast_in_dim3A = arith.constant 0.000000e+00 : f32
    %broadcast_in_dim3A_1 = vector.broadcast %broadcast_in_dim3A : f32 to vector<16xf32>
    %scan3A = arith.constant 0 : i32
    %scan3A_2 = arith.constant 0 : i32
    %scan3A_3 = arith.constant 0 : i32
    %scan3A_4 = arith.constant 128 : i32
    %scan3A_5 = arith.addi %scan3A_3, %scan3A_4 : i32
    %scan3A_6 = arith.constant 1 : i32
    %scan3A_7 = scf.for %scan3A_45 = %scan3A_3 to %scan3A_5 step %scan3A_6 iter_args(%scan3A_46 = %scan3A_2) -> (i32)  : i32 {
      %swap3A = arith.constant 0 : i32
      %swap3A_47 = arith.constant 0 : i32
      %swap3A_48 = tpu.memref_slice %arg9[%scan3A, %swap3A, %swap3A_47] : memref<2x128x128xf32, #tpu.memory_space<vmem>> -> memref<1x128x128xf32, #tpu.memory_space<vmem>>
      %swap3A_49 = tpu.memref_squeeze %swap3A_48 : memref<1x128x128xf32, #tpu.memory_space<vmem>> -> memref<128x128xf32, #tpu.memory_space<vmem>>
      %swap3A_50 = arith.index_cast %scan3A_45 : i32 to index
      %swap3A_51 = arith.constant 0 : index
      %swap3A_52 = tpu.vector_load %swap3A_49[%swap3A_50, %swap3A_51] {strides = array<i32>} : memref<128x128xf32, #tpu.memory_space<vmem>>, vector<1x16xf32>,
      %swap3A_53 = vector.shape_cast %swap3A_52 : vector<1x16xf32> to vector<16xf32>
      %swap3A_54 = vector.shape_cast %broadcast_in_dim3A_1 : vector<16xf32> to vector<1x16xf32>
      tpu.vector_store %swap3A_49[%swap3A_50, %swap3A_51], %swap3A_54 {strides = array<i32>} : memref<128x128xf32, #tpu.memory_space<vmem>>, vector<1x16xf32>,
      %swap3A_55 = arith.constant 0 : i32
      %swap3A_56 = arith.constant 0 : i32
      %swap3A_57 = tpu.memref_slice %arg9[%scan3A, %swap3A_55, %swap3A_56] : memref<2x128x128xf32, #tpu.memory_space<vmem>> -> memref<1x128x128xf32, #tpu.memory_space<vmem>>
      %swap3A_58 = tpu.memref_squeeze %swap3A_57 : memref<1x128x128xf32, #tpu.memory_space<vmem>> -> memref<128x128xf32, #tpu.memory_space<vmem>>
      %swap3A_59 = arith.index_cast %scan3A_45 : i32 to index
      %swap3A_60 = arith.constant 16 : index
      %swap3A_61 = tpu.vector_load %swap3A_58[%swap3A_59, %swap3A_60] {strides = array<i32>} : memref<128x128xf32, #tpu.memory_space<vmem>>, vector<1x16xf32>,
      %swap3A_62 = vector.shape_cast %swap3A_61 : vector<1x16xf32> to vector<16xf32>
      %swap3A_63 = vector.shape_cast %broadcast_in_dim3A_1 : vector<16xf32> to vector<1x16xf32>
      tpu.vector_store %swap3A_58[%swap3A_59, %swap3A_60], %swap3A_63 {strides = array<i32>} : memref<128x128xf32, #tpu.memory_space<vmem>>, vector<1x16xf32>,
      %swap3A_64 = arith.constant 0 : i32
      %swap3A_65 = arith.constant 0 : i32
      %swap3A_66 = tpu.memref_slice %arg9[%scan3A, %swap3A_64, %swap3A_65] : memref<2x128x128xf32, #tpu.memory_space<vmem>> -> memref<1x128x128xf32, #tpu.memory_space<vmem>>
      %swap3A_67 = tpu.memref_squeeze %swap3A_66 : memref<1x128x128xf32, #tpu.memory_space<vmem>> -> memref<128x128xf32, #tpu.memory_space<vmem>>
      %swap3A_68 = arith.index_cast %scan3A_45 : i32 to index
      %swap3A_69 = arith.constant 32 : index
      %swap3A_70 = tpu.vector_load %swap3A_67[%swap3A_68, %swap3A_69] {strides = array<i32>} : memref<128x128xf32, #tpu.memory_space<vmem>>, vector<1x16xf32>,
      %swap3A_71 = vector.shape_cast %swap3A_70 : vector<1x16xf32> to vector<16xf32>
      %swap3A_72 = vector.shape_cast %broadcast_in_dim3A_1 : vector<16xf32> to vector<1x16xf32>
      tpu.vector_store %swap3A_67[%swap3A_68, %swap3A_69], %swap3A_72 {strides = array<i32>} : memref<128x128xf32, #tpu.memory_space<vmem>>, vector<1x16xf32>,
      %swap3A_73 = arith.constant 0 : i32
      %swap3A_74 = arith.constant 0 : i32
      %swap3A_75 = tpu.memref_slice %arg9[%scan3A, %swap3A_73, %swap3A_74] : memref<2x128x128xf32, #tpu.memory_space<vmem>> -> memref<1x128x128xf32, #tpu.memory_space<vmem>>
      %swap3A_76 = tpu.memref_squeeze %swap3A_75 : memref<1x128x128xf32, #tpu.memory_space<vmem>> -> memref<128x128xf32, #tpu.memory_space<vmem>>
      %swap3A_77 = arith.index_cast %scan3A_45 : i32 to index
      %swap3A_78 = arith.constant 48 : index
      %swap3A_79 = tpu.vector_load %swap3A_76[%swap3A_77, %swap3A_78] {strides = array<i32>} : memref<128x128xf32, #tpu.memory_space<vmem>>, vector<1x16xf32>,
      %swap3A_80 = vector.shape_cast %swap3A_79 : vector<1x16xf32> to vector<16xf32>
      %swap3A_81 = vector.shape_cast %broadcast_in_dim3A_1 : vector<16xf32> to vector<1x16xf32>
      tpu.vector_store %swap3A_76[%swap3A_77, %swap3A_78], %swap3A_81 {strides = array<i32>} : memref<128x128xf32, #tpu.memory_space<vmem>>, vector<1x16xf32>,
      %swap3A_82 = arith.constant 0 : i32
      %swap3A_83 = arith.constant 0 : i32
      %swap3A_84 = tpu.memref_slice %arg9[%scan3A, %swap3A_82, %swap3A_83] : memref<2x128x128xf32, #tpu.memory_space<vmem>> -> memref<1x128x128xf32, #tpu.memory_space<vmem>>
      %swap3A_85 = tpu.memref_squeeze %swap3A_84 : memref<1x128x128xf32, #tpu.memory_space<vmem>> -> memref<128x128xf32, #tpu.memory_space<vmem>>
      %swap3A_86 = arith.index_cast %scan3A_45 : i32 to index
      %swap3A_87 = arith.constant 64 : index
      %swap3A_88 = tpu.vector_load %swap3A_85[%swap3A_86, %swap3A_87] {strides = array<i32>} : memref<128x128xf32, #tpu.memory_space<vmem>>, vector<1x16xf32>,
      %swap3A_89 = vector.shape_cast %swap3A_88 : vector<1x16xf32> to vector<16xf32>
      %swap3A_90 = vector.shape_cast %broadcast_in_dim3A_1 : vector<16xf32> to vector<1x16xf32>
      tpu.vector_store %swap3A_85[%swap3A_86, %swap3A_87], %swap3A_90 {strides = array<i32>} : memref<128x128xf32, #tpu.memory_space<vmem>>, vector<1x16xf32>,
      %swap3A_91 = arith.constant 0 : i32
      %swap3A_92 = arith.constant 0 : i32
      %swap3A_93 = tpu.memref_slice %arg9[%scan3A, %swap3A_91, %swap3A_92] : memref<2x128x128xf32, #tpu.memory_space<vmem>> -> memref<1x128x128xf32, #tpu.memory_space<vmem>>
      %swap3A_94 = tpu.memref_squeeze %swap3A_93 : memref<1x128x128xf32, #tpu.memory_space<vmem>> -> memref<128x128xf32, #tpu.memory_space<vmem>>
      %swap3A_95 = arith.index_cast %scan3A_45 : i32 to index
      %swap3A_96 = arith.constant 80 : index
      %swap3A_97 = tpu.vector_load %swap3A_94[%swap3A_95, %swap3A_96] {strides = array<i32>} : memref<128x128xf32, #tpu.memory_space<vmem>>, vector<1x16xf32>,
      %swap3A_98 = vector.shape_cast %swap3A_97 : vector<1x16xf32> to vector<16xf32>
      %swap3A_99 = vector.shape_cast %broadcast_in_dim3A_1 : vector<16xf32> to vector<1x16xf32>
      tpu.vector_store %swap3A_94[%swap3A_95, %swap3A_96], %swap3A_99 {strides = array<i32>} : memref<128x128xf32, #tpu.memory_space<vmem>>, vector<1x16xf32>,
      %swap3A_100 = arith.constant 0 : i32
      %swap3A_101 = arith.constant 0 : i32
      %swap3A_102 = tpu.memref_slice %arg9[%scan3A, %swap3A_100, %swap3A_101] : memref<2x128x128xf32, #tpu.memory_space<vmem>> -> memref<1x128x128xf32, #tpu.memory_space<vmem>>
      %swap3A_103 = tpu.memref_squeeze %swap3A_102 : memref<1x128x128xf32, #tpu.memory_space<vmem>> -> memref<128x128xf32, #tpu.memory_space<vmem>>
      %swap3A_104 = arith.index_cast %scan3A_45 : i32 to index
      %swap3A_105 = arith.constant 96 : index
      %swap3A_106 = tpu.vector_load %swap3A_103[%swap3A_104, %swap3A_105] {strides = array<i32>} : memref<128x128xf32, #tpu.memory_space<vmem>>, vector<1x16xf32>,
      %swap3A_107 = vector.shape_cast %swap3A_106 : vector<1x16xf32> to vector<16xf32>
      %swap3A_108 = vector.shape_cast %broadcast_in_dim3A_1 : vector<16xf32> to vector<1x16xf32>
      tpu.vector_store %swap3A_103[%swap3A_104, %swap3A_105], %swap3A_108 {strides = array<i32>} : memref<128x128xf32, #tpu.memory_space<vmem>>, vector<1x16xf32>,
      %swap3A_109 = arith.constant 0 : i32
      %swap3A_110 = arith.constant 0 : i32
      %swap3A_111 = tpu.memref_slice %arg9[%scan3A, %swap3A_109, %swap3A_110] : memref<2x128x128xf32, #tpu.memory_space<vmem>> -> memref<1x128x128xf32, #tpu.memory_space<vmem>>
      %swap3A_112 = tpu.memref_squeeze %swap3A_111 : memref<1x128x128xf32, #tpu.memory_space<vmem>> -> memref<128x128xf32, #tpu.memory_space<vmem>>
      %swap3A_113 = arith.index_cast %scan3A_45 : i32 to index
      %swap3A_114 = arith.constant 112 : index
      %swap3A_115 = tpu.vector_load %swap3A_112[%swap3A_113, %swap3A_114] {strides = array<i32>} : memref<128x128xf32, #tpu.memory_space<vmem>>, vector<1x16xf32>,
      %swap3A_116 = vector.shape_cast %swap3A_115 : vector<1x16xf32> to vector<16xf32>
      %swap3A_117 = vector.shape_cast %broadcast_in_dim3A_1 : vector<16xf32> to vector<1x16xf32>
      tpu.vector_store %swap3A_112[%swap3A_113, %swap3A_114], %swap3A_117 {strides = array<i32>} : memref<128x128xf32, #tpu.memory_space<vmem>>, vector<1x16xf32>,
      %scan3A_118 = arith.constant 0 : i32
      scf.yield %scan3A_118 : i32
    }
    %scan3A_8 = arith.constant 128 : i32
    %mul3A_9 = arith.constant 640 : i32
    %mul3A_10 = arith.muli %arg1, %mul3A_9 : i32
    %add3A_11 = arith.constant 0 : i32
    %add3A_12 = arith.addi %mul3A_10, %add3A_11 : i32
    %run_scoped3A = arith.constant 0 : i32
    "tpu.region"() ({
      %run_scoped3A_45 = tpu.sem_alloc : memref<!tpu.dma_semaphore, #tpu.memory_space<semaphore_mem>>
      %dma_start3A = arith.constant 0 : i32
      %dma_start3A_46 = arith.constant 0 : i32
      %dma_start3A_47 = tpu.memref_slice %arg9[%run_scoped3A, %dma_start3A, %dma_start3A_46] : memref<2x128x128xf32, #tpu.memory_space<vmem>> -> memref<1x128x128xf32, #tpu.memory_space<vmem>>
      %dma_start3A_48 = tpu.memref_squeeze %dma_start3A_47 : memref<1x128x128xf32, #tpu.memory_space<vmem>> -> memref<128x128xf32, #tpu.memory_space<vmem>>
      %dma_start3A_49 = arith.constant 0 : i32
      %dma_start3A_50 = tpu.memref_slice %arg6[%add3A_12, %dma_start3A_49] : memref<10240x128xf32, #tpu.memory_space<vmem_shared>> -> memref<128x128xf32, #tpu.memory_space<vmem_shared>>
      %dma_start3A_51 = arith.constant 0 : i32
      %dma_start3A_52 = tpu.memref_slice %arg6[%add3A_12, %dma_start3A_51] : memref<10240x128xf32, #tpu.memory_space<vmem_shared>> -> memref<128x128xf32, #tpu.memory_space<vmem_shared>>
      %dma_start3A_53 = arith.constant 0 : i32
      %dma_start3A_54 = arith.constant 0 : i32
      %dma_start3A_55 = tpu.memref_slice %arg9[%run_scoped3A, %dma_start3A_53, %dma_start3A_54] : memref<2x128x128xf32, #tpu.memory_space<vmem>> -> memref<1x128x128xf32, #tpu.memory_space<vmem>>
      %dma_start3A_56 = tpu.memref_squeeze %dma_start3A_55 : memref<1x128x128xf32, #tpu.memory_space<vmem>> -> memref<128x128xf32, #tpu.memory_space<vmem>>
      tpu.enqueue_dma source(%dma_start3A_56 : memref<128x128xf32, #tpu.memory_space<vmem>>) target(%dma_start3A_52 : memref<128x128xf32, #tpu.memory_space<vmem_shared>>) target_semaphore(%run_scoped3A_45 : memref<!tpu.dma_semaphore, #tpu.memory_space<semaphore_mem>>)
      %dma_wait3A = arith.constant 0 : i32
      %dma_wait3A_57 = arith.constant 0 : i32
      %dma_wait3A_58 = tpu.memref_slice %arg9[%run_scoped3A, %dma_wait3A, %dma_wait3A_57] : memref<2x128x128xf32, #tpu.memory_space<vmem>> -> memref<1x128x128xf32, #tpu.memory_space<vmem>>
      %dma_wait3A_59 = tpu.memref_squeeze %dma_wait3A_58 : memref<1x128x128xf32, #tpu.memory_space<vmem>> -> memref<128x128xf32, #tpu.memory_space<vmem>>
      %dma_wait3A_60 = arith.constant 0 : i32
      %dma_wait3A_61 = tpu.memref_slice %arg6[%add3A_12, %dma_wait3A_60] : memref<10240x128xf32, #tpu.memory_space<vmem_shared>> -> memref<128x128xf32, #tpu.memory_space<vmem_shared>>
      %dma_wait3A_62 = arith.constant 0 : i32
      %dma_wait3A_63 = tpu.memref_slice %arg6[%add3A_12, %dma_wait3A_62] : memref<10240x128xf32, #tpu.memory_space<vmem_shared>> -> memref<128x128xf32, #tpu.memory_space<vmem_shared>>
      %dma_wait3A_64 = arith.constant 0 : i32
      %dma_wait3A_65 = arith.constant 0 : i32
      %dma_wait3A_66 = tpu.memref_slice %arg9[%run_scoped3A, %dma_wait3A_64, %dma_wait3A_65] : memref<2x128x128xf32, #tpu.memory_space<vmem>> -> memref<1x128x128xf32, #tpu.memory_space<vmem>>
      %dma_wait3A_67 = tpu.memref_squeeze %dma_wait3A_66 : memref<1x128x128xf32, #tpu.memory_space<vmem>> -> memref<128x128xf32, #tpu.memory_space<vmem>>
      tpu.wait_dma2 semaphore(%run_scoped3A_45 : memref<!tpu.dma_semaphore, #tpu.memory_space<semaphore_mem>>) src(%dma_wait3A_67 : memref<128x128xf32, #tpu.memory_space<vmem>>) dst(%dma_wait3A_63 : memref<128x128xf32, #tpu.memory_space<vmem_shared>>)
      tpu.yield
    }) : () -> ()
    %mul3A_13 = arith.constant 640 : i32
    %mul3A_14 = arith.muli %arg1, %mul3A_13 : i32
    %add3A_15 = arith.constant 128 : i32
    %add3A_16 = arith.addi %mul3A_14, %add3A_15 : i32
    %run_scoped3A_17 = arith.constant 0 : i32
    "tpu.region"() ({
      %run_scoped3A_45 = tpu.sem_alloc : memref<!tpu.dma_semaphore, #tpu.memory_space<semaphore_mem>>
      %dma_start3A = arith.constant 0 : i32
      %dma_start3A_46 = arith.constant 0 : i32
      %dma_start3A_47 = tpu.memref_slice %arg9[%run_scoped3A_17, %dma_start3A, %dma_start3A_46] : memref<2x128x128xf32, #tpu.memory_space<vmem>> -> memref<1x128x128xf32, #tpu.memory_space<vmem>>
      %dma_start3A_48 = tpu.memref_squeeze %dma_start3A_47 : memref<1x128x128xf32, #tpu.memory_space<vmem>> -> memref<128x128xf32, #tpu.memory_space<vmem>>
      %dma_start3A_49 = arith.constant 0 : i32
      %dma_start3A_50 = tpu.memref_slice %arg6[%add3A_16, %dma_start3A_49] : memref<10240x128xf32, #tpu.memory_space<vmem_shared>> -> memref<128x128xf32, #tpu.memory_space<vmem_shared>>
      %dma_start3A_51 = arith.constant 0 : i32
      %dma_start3A_52 = tpu.memref_slice %arg6[%add3A_16, %dma_start3A_51] : memref<10240x128xf32, #tpu.memory_space<vmem_shared>> -> memref<128x128xf32, #tpu.memory_space<vmem_shared>>
      %dma_start3A_53 = arith.constant 0 : i32
      %dma_start3A_54 = arith.constant 0 : i32
      %dma_start3A_55 = tpu.memref_slice %arg9[%run_scoped3A_17, %dma_start3A_53, %dma_start3A_54] : memref<2x128x128xf32, #tpu.memory_space<vmem>> -> memref<1x128x128xf32, #tpu.memory_space<vmem>>
      %dma_start3A_56 = tpu.memref_squeeze %dma_start3A_55 : memref<1x128x128xf32, #tpu.memory_space<vmem>> -> memref<128x128xf32, #tpu.memory_space<vmem>>
      tpu.enqueue_dma source(%dma_start3A_56 : memref<128x128xf32, #tpu.memory_space<vmem>>) target(%dma_start3A_52 : memref<128x128xf32, #tpu.memory_space<vmem_shared>>) target_semaphore(%run_scoped3A_45 : memref<!tpu.dma_semaphore, #tpu.memory_space<semaphore_mem>>)
      %dma_wait3A = arith.constant 0 : i32
      %dma_wait3A_57 = arith.constant 0 : i32
      %dma_wait3A_58 = tpu.memref_slice %arg9[%run_scoped3A_17, %dma_wait3A, %dma_wait3A_57] : memref<2x128x128xf32, #tpu.memory_space<vmem>> -> memref<1x128x128xf32, #tpu.memory_space<vmem>>
      %dma_wait3A_59 = tpu.memref_squeeze %dma_wait3A_58 : memref<1x128x128xf32, #tpu.memory_space<vmem>> -> memref<128x128xf32, #tpu.memory_space<vmem>>
      %dma_wait3A_60 = arith.constant 0 : i32
      %dma_wait3A_61 = tpu.memref_slice %arg6[%add3A_16, %dma_wait3A_60] : memref<10240x128xf32, #tpu.memory_space<vmem_shared>> -> memref<128x128xf32, #tpu.memory_space<vmem_shared>>
      %dma_wait3A_62 = arith.constant 0 : i32
      %dma_wait3A_63 = tpu.memref_slice %arg6[%add3A_16, %dma_wait3A_62] : memref<10240x128xf32, #tpu.memory_space<vmem_shared>> -> memref<128x128xf32, #tpu.memory_space<vmem_shared>>
      %dma_wait3A_64 = arith.constant 0 : i32
      %dma_wait3A_65 = arith.constant 0 : i32
      %dma_wait3A_66 = tpu.memref_slice %arg9[%run_scoped3A_17, %dma_wait3A_64, %dma_wait3A_65] : memref<2x128x128xf32, #tpu.memory_space<vmem>> -> memref<1x128x128xf32, #tpu.memory_space<vmem>>
      %dma_wait3A_67 = tpu.memref_squeeze %dma_wait3A_66 : memref<1x128x128xf32, #tpu.memory_space<vmem>> -> memref<128x128xf32, #tpu.memory_space<vmem>>
      tpu.wait_dma2 semaphore(%run_scoped3A_45 : memref<!tpu.dma_semaphore, #tpu.memory_space<semaphore_mem>>) src(%dma_wait3A_67 : memref<128x128xf32, #tpu.memory_space<vmem>>) dst(%dma_wait3A_63 : memref<128x128xf32, #tpu.memory_space<vmem_shared>>)
      tpu.yield
    }) : () -> ()
    %mul3A_18 = arith.constant 640 : i32
    %mul3A_19 = arith.muli %arg1, %mul3A_18 : i32
    %add3A_20 = arith.constant 256 : i32
    %add3A_21 = arith.addi %mul3A_19, %add3A_20 : i32
    %run_scoped3A_22 = arith.constant 0 : i32
    "tpu.region"() ({
      %run_scoped3A_45 = tpu.sem_alloc : memref<!tpu.dma_semaphore, #tpu.memory_space<semaphore_mem>>
      %dma_start3A = arith.constant 0 : i32
      %dma_start3A_46 = arith.constant 0 : i32
      %dma_start3A_47 = tpu.memref_slice %arg9[%run_scoped3A_22, %dma_start3A, %dma_start3A_46] : memref<2x128x128xf32, #tpu.memory_space<vmem>> -> memref<1x128x128xf32, #tpu.memory_space<vmem>>
      %dma_start3A_48 = tpu.memref_squeeze %dma_start3A_47 : memref<1x128x128xf32, #tpu.memory_space<vmem>> -> memref<128x128xf32, #tpu.memory_space<vmem>>
      %dma_start3A_49 = arith.constant 0 : i32
      %dma_start3A_50 = tpu.memref_slice %arg6[%add3A_21, %dma_start3A_49] : memref<10240x128xf32, #tpu.memory_space<vmem_shared>> -> memref<128x128xf32, #tpu.memory_space<vmem_shared>>
      %dma_start3A_51 = arith.constant 0 : i32
      %dma_start3A_52 = tpu.memref_slice %arg6[%add3A_21, %dma_start3A_51] : memref<10240x128xf32, #tpu.memory_space<vmem_shared>> -> memref<128x128xf32, #tpu.memory_space<vmem_shared>>
      %dma_start3A_53 = arith.constant 0 : i32
      %dma_start3A_54 = arith.constant 0 : i32
      %dma_start3A_55 = tpu.memref_slice %arg9[%run_scoped3A_22, %dma_start3A_53, %dma_start3A_54] : memref<2x128x128xf32, #tpu.memory_space<vmem>> -> memref<1x128x128xf32, #tpu.memory_space<vmem>>
      %dma_start3A_56 = tpu.memref_squeeze %dma_start3A_55 : memref<1x128x128xf32, #tpu.memory_space<vmem>> -> memref<128x128xf32, #tpu.memory_space<vmem>>
      tpu.enqueue_dma source(%dma_start3A_56 : memref<128x128xf32, #tpu.memory_space<vmem>>) target(%dma_start3A_52 : memref<128x128xf32, #tpu.memory_space<vmem_shared>>) target_semaphore(%run_scoped3A_45 : memref<!tpu.dma_semaphore, #tpu.memory_space<semaphore_mem>>)
      %dma_wait3A = arith.constant 0 : i32
      %dma_wait3A_57 = arith.constant 0 : i32
      %dma_wait3A_58 = tpu.memref_slice %arg9[%run_scoped3A_22, %dma_wait3A, %dma_wait3A_57] : memref<2x128x128xf32, #tpu.memory_space<vmem>> -> memref<1x128x128xf32, #tpu.memory_space<vmem>>
      %dma_wait3A_59 = tpu.memref_squeeze %dma_wait3A_58 : memref<1x128x128xf32, #tpu.memory_space<vmem>> -> memref<128x128xf32, #tpu.memory_space<vmem>>
      %dma_wait3A_60 = arith.constant 0 : i32
      %dma_wait3A_61 = tpu.memref_slice %arg6[%add3A_21, %dma_wait3A_60] : memref<10240x128xf32, #tpu.memory_space<vmem_shared>> -> memref<128x128xf32, #tpu.memory_space<vmem_shared>>
      %dma_wait3A_62 = arith.constant 0 : i32
      %dma_wait3A_63 = tpu.memref_slice %arg6[%add3A_21, %dma_wait3A_62] : memref<10240x128xf32, #tpu.memory_space<vmem_shared>> -> memref<128x128xf32, #tpu.memory_space<vmem_shared>>
      %dma_wait3A_64 = arith.constant 0 : i32
      %dma_wait3A_65 = arith.constant 0 : i32
      %dma_wait3A_66 = tpu.memref_slice %arg9[%run_scoped3A_22, %dma_wait3A_64, %dma_wait3A_65] : memref<2x128x128xf32, #tpu.memory_space<vmem>> -> memref<1x128x128xf32, #tpu.memory_space<vmem>>
      %dma_wait3A_67 = tpu.memref_squeeze %dma_wait3A_66 : memref<1x128x128xf32, #tpu.memory_space<vmem>> -> memref<128x128xf32, #tpu.memory_space<vmem>>
      tpu.wait_dma2 semaphore(%run_scoped3A_45 : memref<!tpu.dma_semaphore, #tpu.memory_space<semaphore_mem>>) src(%dma_wait3A_67 : memref<128x128xf32, #tpu.memory_space<vmem>>) dst(%dma_wait3A_63 : memref<128x128xf32, #tpu.memory_space<vmem_shared>>)
      tpu.yield
    }) : () -> ()
    %mul3A_23 = arith.constant 640 : i32
    %mul3A_24 = arith.muli %arg1, %mul3A_23 : i32
    %add3A_25 = arith.constant 384 : i32
    %add3A_26 = arith.addi %mul3A_24, %add3A_25 : i32
    %run_scoped3A_27 = arith.constant 0 : i32
    "tpu.region"() ({
      %run_scoped3A_45 = tpu.sem_alloc : memref<!tpu.dma_semaphore, #tpu.memory_space<semaphore_mem>>
      %dma_start3A = arith.constant 0 : i32
      %dma_start3A_46 = arith.constant 0 : i32
      %dma_start3A_47 = tpu.memref_slice %arg9[%run_scoped3A_27, %dma_start3A, %dma_start3A_46] : memref<2x128x128xf32, #tpu.memory_space<vmem>> -> memref<1x128x128xf32, #tpu.memory_space<vmem>>
      %dma_start3A_48 = tpu.memref_squeeze %dma_start3A_47 : memref<1x128x128xf32, #tpu.memory_space<vmem>> -> memref<128x128xf32, #tpu.memory_space<vmem>>
      %dma_start3A_49 = arith.constant 0 : i32
      %dma_start3A_50 = tpu.memref_slice %arg6[%add3A_26, %dma_start3A_49] : memref<10240x128xf32, #tpu.memory_space<vmem_shared>> -> memref<128x128xf32, #tpu.memory_space<vmem_shared>>
      %dma_start3A_51 = arith.constant 0 : i32
      %dma_start3A_52 = tpu.memref_slice %arg6[%add3A_26, %dma_start3A_51] : memref<10240x128xf32, #tpu.memory_space<vmem_shared>> -> memref<128x128xf32, #tpu.memory_space<vmem_shared>>
      %dma_start3A_53 = arith.constant 0 : i32
      %dma_start3A_54 = arith.constant 0 : i32
      %dma_start3A_55 = tpu.memref_slice %arg9[%run_scoped3A_27, %dma_start3A_53, %dma_start3A_54] : memref<2x128x128xf32, #tpu.memory_space<vmem>> -> memref<1x128x128xf32, #tpu.memory_space<vmem>>
      %dma_start3A_56 = tpu.memref_squeeze %dma_start3A_55 : memref<1x128x128xf32, #tpu.memory_space<vmem>> -> memref<128x128xf32, #tpu.memory_space<vmem>>
      tpu.enqueue_dma source(%dma_start3A_56 : memref<128x128xf32, #tpu.memory_space<vmem>>) target(%dma_start3A_52 : memref<128x128xf32, #tpu.memory_space<vmem_shared>>) target_semaphore(%run_scoped3A_45 : memref<!tpu.dma_semaphore, #tpu.memory_space<semaphore_mem>>)
      %dma_wait3A = arith.constant 0 : i32
      %dma_wait3A_57 = arith.constant 0 : i32
      %dma_wait3A_58 = tpu.memref_slice %arg9[%run_scoped3A_27, %dma_wait3A, %dma_wait3A_57] : memref<2x128x128xf32, #tpu.memory_space<vmem>> -> memref<1x128x128xf32, #tpu.memory_space<vmem>>
      %dma_wait3A_59 = tpu.memref_squeeze %dma_wait3A_58 : memref<1x128x128xf32, #tpu.memory_space<vmem>> -> memref<128x128xf32, #tpu.memory_space<vmem>>
      %dma_wait3A_60 = arith.constant 0 : i32
      %dma_wait3A_61 = tpu.memref_slice %arg6[%add3A_26, %dma_wait3A_60] : memref<10240x128xf32, #tpu.memory_space<vmem_shared>> -> memref<128x128xf32, #tpu.memory_space<vmem_shared>>
      %dma_wait3A_62 = arith.constant 0 : i32
      %dma_wait3A_63 = tpu.memref_slice %arg6[%add3A_26, %dma_wait3A_62] : memref<10240x128xf32, #tpu.memory_space<vmem_shared>> -> memref<128x128xf32, #tpu.memory_space<vmem_shared>>
      %dma_wait3A_64 = arith.constant 0 : i32
      %dma_wait3A_65 = arith.constant 0 : i32
      %dma_wait3A_66 = tpu.memref_slice %arg9[%run_scoped3A_27, %dma_wait3A_64, %dma_wait3A_65] : memref<2x128x128xf32, #tpu.memory_space<vmem>> -> memref<1x128x128xf32, #tpu.memory_space<vmem>>
      %dma_wait3A_67 = tpu.memref_squeeze %dma_wait3A_66 : memref<1x128x128xf32, #tpu.memory_space<vmem>> -> memref<128x128xf32, #tpu.memory_space<vmem>>
      tpu.wait_dma2 semaphore(%run_scoped3A_45 : memref<!tpu.dma_semaphore, #tpu.memory_space<semaphore_mem>>) src(%dma_wait3A_67 : memref<128x128xf32, #tpu.memory_space<vmem>>) dst(%dma_wait3A_63 : memref<128x128xf32, #tpu.memory_space<vmem_shared>>)
      tpu.yield
    }) : () -> ()
    %mul3A_28 = arith.constant 640 : i32
    %mul3A_29 = arith.muli %arg1, %mul3A_28 : i32
    %add3A_30 = arith.constant 512 : i32
    %add3A_31 = arith.addi %mul3A_29, %add3A_30 : i32
    %run_scoped3A_32 = arith.constant 0 : i32
    "tpu.region"() ({
      %run_scoped3A_45 = tpu.sem_alloc : memref<!tpu.dma_semaphore, #tpu.memory_space<semaphore_mem>>
      %dma_start3A = arith.constant 0 : i32
      %dma_start3A_46 = arith.constant 0 : i32
      %dma_start3A_47 = tpu.memref_slice %arg9[%run_scoped3A_32, %dma_start3A, %dma_start3A_46] : memref<2x128x128xf32, #tpu.memory_space<vmem>> -> memref<1x128x128xf32, #tpu.memory_space<vmem>>
      %dma_start3A_48 = tpu.memref_squeeze %dma_start3A_47 : memref<1x128x128xf32, #tpu.memory_space<vmem>> -> memref<128x128xf32, #tpu.memory_space<vmem>>
      %dma_start3A_49 = arith.constant 0 : i32
      %dma_start3A_50 = tpu.memref_slice %arg6[%add3A_31, %dma_start3A_49] : memref<10240x128xf32, #tpu.memory_space<vmem_shared>> -> memref<128x128xf32, #tpu.memory_space<vmem_shared>>
      %dma_start3A_51 = arith.constant 0 : i32
      %dma_start3A_52 = tpu.memref_slice %arg6[%add3A_31, %dma_start3A_51] : memref<10240x128xf32, #tpu.memory_space<vmem_shared>> -> memref<128x128xf32, #tpu.memory_space<vmem_shared>>
      %dma_start3A_53 = arith.constant 0 : i32
      %dma_start3A_54 = arith.constant 0 : i32
      %dma_start3A_55 = tpu.memref_slice %arg9[%run_scoped3A_32, %dma_start3A_53, %dma_start3A_54] : memref<2x128x128xf32, #tpu.memory_space<vmem>> -> memref<1x128x128xf32, #tpu.memory_space<vmem>>
      %dma_start3A_56 = tpu.memref_squeeze %dma_start3A_55 : memref<1x128x128xf32, #tpu.memory_space<vmem>> -> memref<128x128xf32, #tpu.memory_space<vmem>>
      tpu.enqueue_dma source(%dma_start3A_56 : memref<128x128xf32, #tpu.memory_space<vmem>>) target(%dma_start3A_52 : memref<128x128xf32, #tpu.memory_space<vmem_shared>>) target_semaphore(%run_scoped3A_45 : memref<!tpu.dma_semaphore, #tpu.memory_space<semaphore_mem>>)
      %dma_wait3A = arith.constant 0 : i32
      %dma_wait3A_57 = arith.constant 0 : i32
      %dma_wait3A_58 = tpu.memref_slice %arg9[%run_scoped3A_32, %dma_wait3A, %dma_wait3A_57] : memref<2x128x128xf32, #tpu.memory_space<vmem>> -> memref<1x128x128xf32, #tpu.memory_space<vmem>>
      %dma_wait3A_59 = tpu.memref_squeeze %dma_wait3A_58 : memref<1x128x128xf32, #tpu.memory_space<vmem>> -> memref<128x128xf32, #tpu.memory_space<vmem>>
      %dma_wait3A_60 = arith.constant 0 : i32
      %dma_wait3A_61 = tpu.memref_slice %arg6[%add3A_31, %dma_wait3A_60] : memref<10240x128xf32, #tpu.memory_space<vmem_shared>> -> memref<128x128xf32, #tpu.memory_space<vmem_shared>>
      %dma_wait3A_62 = arith.constant 0 : i32
      %dma_wait3A_63 = tpu.memref_slice %arg6[%add3A_31, %dma_wait3A_62] : memref<10240x128xf32, #tpu.memory_space<vmem_shared>> -> memref<128x128xf32, #tpu.memory_space<vmem_shared>>
      %dma_wait3A_64 = arith.constant 0 : i32
      %dma_wait3A_65 = arith.constant 0 : i32
      %dma_wait3A_66 = tpu.memref_slice %arg9[%run_scoped3A_32, %dma_wait3A_64, %dma_wait3A_65] : memref<2x128x128xf32, #tpu.memory_space<vmem>> -> memref<1x128x128xf32, #tpu.memory_space<vmem>>
      %dma_wait3A_67 = tpu.memref_squeeze %dma_wait3A_66 : memref<1x128x128xf32, #tpu.memory_space<vmem>> -> memref<128x128xf32, #tpu.memory_space<vmem>>
      tpu.wait_dma2 semaphore(%run_scoped3A_45 : memref<!tpu.dma_semaphore, #tpu.memory_space<semaphore_mem>>) src(%dma_wait3A_67 : memref<128x128xf32, #tpu.memory_space<vmem>>) dst(%dma_wait3A_63 : memref<128x128xf32, #tpu.memory_space<vmem_shared>>)
      tpu.yield
    }) : () -> ()
    %barrier3A = arith.constant 0 : index
    tpu.barrier barrier_id(%barrier3A)
    %scan3A_33 = arith.constant 0 : i32
    %scan3A_34 = arith.constant 0 : i32
    %scan3A_35 = arith.constant 5 : i32
    %scan3A_36 = arith.addi %scan3A_34, %scan3A_35 : i32
    %scan3A_37 = arith.constant 1 : i32
    %scan3A_38 = scf.for %scan3A_45 = %scan3A_34 to %scan3A_36 step %scan3A_37 iter_args(%scan3A_46 = %scan3A_33) -> (i32)  : i32 {
      %mul3A_47 = arith.constant 80 : i32
      %mul3A_48 = arith.muli %add3A, %mul3A_47 : i32
      %mul3A_49 = arith.constant 16 : i32
      %mul3A_50 = arith.muli %scan3A_45, %mul3A_49 : i32
      %add3A_51 = arith.addi %mul3A_48, %mul3A_50 : i32
      "tpu.region"() ({
        %run_scoped3A_110 = tpu.sem_alloc : memref<!tpu.dma_semaphore, #tpu.memory_space<semaphore_mem>>
        %dma_start3A_111 = arith.constant 0 : i32
        %dma_start3A_112 = tpu.memref_slice %arg3[%add3A_51, %dma_start3A_111] : memref<2560x128xi32, #tpu.memory_space<hbm>> -> memref<16x128xi32, #tpu.memory_space<hbm>>
        %dma_start3A_113 = arith.constant 0 : i32
        %dma_start3A_114 = tpu.memref_slice %arg3[%add3A_51, %dma_start3A_113] : memref<2560x128xi32, #tpu.memory_space<hbm>> -> memref<16x128xi32, #tpu.memory_space<hbm>>
        tpu.enqueue_dma source(%dma_start3A_114 : memref<16x128xi32, #tpu.memory_space<hbm>>) target(%arg7 : memref<16x128xi32, #tpu.memory_space<vmem>>) target_semaphore(%run_scoped3A_110 : memref<!tpu.dma_semaphore, #tpu.memory_space<semaphore_mem>>)
        %dma_wait3A_115 = arith.constant 0 : i32
        %dma_wait3A_116 = tpu.memref_slice %arg3[%add3A_51, %dma_wait3A_115] : memref<2560x128xi32, #tpu.memory_space<hbm>> -> memref<16x128xi32, #tpu.memory_space<hbm>>
        %dma_wait3A_117 = arith.constant 0 : i32
        %dma_wait3A_118 = tpu.memref_slice %arg3[%add3A_51, %dma_wait3A_117] : memref<2560x128xi32, #tpu.memory_space<hbm>> -> memref<16x128xi32, #tpu.memory_space<hbm>>
        tpu.wait_dma2 semaphore(%run_scoped3A_110 : memref<!tpu.dma_semaphore, #tpu.memory_space<semaphore_mem>>) src(%dma_wait3A_118 : memref<16x128xi32, #tpu.memory_space<hbm>>) dst(%arg7 : memref<16x128xi32, #tpu.memory_space<vmem>>)
        tpu.yield
      }) : () -> ()
      "tpu.region"() ({
        %run_scoped3A_110 = tpu.sem_alloc : memref<!tpu.dma_semaphore, #tpu.memory_space<semaphore_mem>>
        %dma_start3A_111 = arith.constant 0 : i32
        %dma_start3A_112 = tpu.memref_slice %arg4[%add3A_51, %dma_start3A_111] : memref<2560x128xi32, #tpu.memory_space<hbm>> -> memref<16x128xi32, #tpu.memory_space<hbm>>
        %dma_start3A_113 = arith.constant 0 : i32
        %dma_start3A_114 = tpu.memref_slice %arg4[%add3A_51, %dma_start3A_113] : memref<2560x128xi32, #tpu.memory_space<hbm>> -> memref<16x128xi32, #tpu.memory_space<hbm>>
        tpu.enqueue_dma source(%dma_start3A_114 : memref<16x128xi32, #tpu.memory_space<hbm>>) target(%arg8 : memref<16x128xi32, #tpu.memory_space<vmem>>) target_semaphore(%run_scoped3A_110 : memref<!tpu.dma_semaphore, #tpu.memory_space<semaphore_mem>>)
        %dma_wait3A_115 = arith.constant 0 : i32
        %dma_wait3A_116 = tpu.memref_slice %arg4[%add3A_51, %dma_wait3A_115] : memref<2560x128xi32, #tpu.memory_space<hbm>> -> memref<16x128xi32, #tpu.memory_space<hbm>>
        %dma_wait3A_117 = arith.constant 0 : i32
        %dma_wait3A_118 = tpu.memref_slice %arg4[%add3A_51, %dma_wait3A_117] : memref<2560x128xi32, #tpu.memory_space<hbm>> -> memref<16x128xi32, #tpu.memory_space<hbm>>
        tpu.wait_dma2 semaphore(%run_scoped3A_110 : memref<!tpu.dma_semaphore, #tpu.memory_space<semaphore_mem>>) src(%dma_wait3A_118 : memref<16x128xi32, #tpu.memory_space<hbm>>) dst(%arg8 : memref<16x128xi32, #tpu.memory_space<vmem>>)
        tpu.yield
      }) : () -> ()
      %dma_start3A = arith.constant 0 : i32
      %dma_start3A_52 = arith.constant 0 : i32
      %dma_start3A_53 = arith.constant 0 : i32
      %dma_start3A_54 = arith.constant 0 : i32
      %dma_start3A_55 = tpu.memref_slice %arg9[%dma_start3A_52, %dma_start3A_53, %dma_start3A_54] : memref<2x128x128xf32, #tpu.memory_space<vmem>> -> memref<1x128x128xf32, #tpu.memory_space<vmem>>
      %dma_start3A_56 = tpu.memref_squeeze %dma_start3A_55 : memref<1x128x128xf32, #tpu.memory_space<vmem>> -> memref<128x128xf32, #tpu.memory_space<vmem>>
      %dma_start3A_57 = arith.constant 0 : i32
      %dma_start3A_58 = tpu.memref_slice %arg7[%dma_start3A, %dma_start3A_57] : memref<16x128xi32, #tpu.memory_space<vmem>> -> memref<1x128xi32, #tpu.memory_space<vmem>>
      %dma_start3A_59 = tpu.memref_squeeze %dma_start3A_58 : memref<1x128xi32, #tpu.memory_space<vmem>> -> memref<128xi32, #tpu.memory_space<vmem>>
      %dma_start3A_60 = arith.constant 0 : i32
      %dma_start3A_61 = arith.constant 0 : i32
      %dma_start3A_62 = tpu.memref_slice %arg2[%dma_start3A_60, %dma_start3A_61] : memref<10000x128xf32, #tpu.memory_space<hbm>> -> memref<10000x128xf32, #tpu.memory_space<hbm>>
      tpu.enqueue_indirect_dma source(%dma_start3A_62 : memref<10000x128xf32, #tpu.memory_space<hbm>>) target(%dma_start3A_56 : memref<128x128xf32, #tpu.memory_space<vmem>>) offsets(%dma_start3A_59 : memref<128xi32, #tpu.memory_space<vmem>>) semaphore(%arg10 : memref<!tpu.dma_semaphore, #tpu.memory_space<semaphore_mem>>)
      %scan3A_63 = arith.constant 0 : i32
      %scan3A_64 = arith.constant 0 : i32
      %scan3A_65 = arith.constant 7 : i32
      %scan3A_66 = arith.addi %scan3A_64, %scan3A_65 : i32
      %scan3A_67 = arith.constant 1 : i32
      %scan3A_68 = scf.for %scan3A_110 = %scan3A_64 to %scan3A_66 step %scan3A_67 iter_args(%scan3A_111 = %scan3A_63) -> (i32)  : i32 {
        %mul3A_112 = arith.constant 2 : i32
        %mul3A_113 = arith.muli %mul3A_112, %scan3A_110 : i32
        %add3A_114 = arith.constant 0 : i32
        %add3A_115 = arith.addi %mul3A_113, %add3A_114 : i32
        %add3A_116 = arith.constant 1 : i32
        %add3A_117 = arith.addi %add3A_115, %add3A_116 : i32
        %dma_start3A_118 = arith.constant 1 : i32
        %dma_start3A_119 = arith.constant 0 : i32
        %dma_start3A_120 = arith.constant 0 : i32
        %dma_start3A_121 = tpu.memref_slice %arg9[%dma_start3A_118, %dma_start3A_119, %dma_start3A_120] : memref<2x128x128xf32, #tpu.memory_space<vmem>> -> memref<1x128x128xf32, #tpu.memory_space<vmem>>
        %dma_start3A_122 = tpu.memref_squeeze %dma_start3A_121 : memref<1x128x128xf32, #tpu.memory_space<vmem>> -> memref<128x128xf32, #tpu.memory_space<vmem>>
        %dma_start3A_123 = arith.constant 0 : i32
        %dma_start3A_124 = tpu.memref_slice %arg7[%add3A_117, %dma_start3A_123] : memref<16x128xi32, #tpu.memory_space<vmem>> -> memref<1x128xi32, #tpu.memory_space<vmem>>
        %dma_start3A_125 = tpu.memref_squeeze %dma_start3A_124 : memref<1x128xi32, #tpu.memory_space<vmem>> -> memref<128xi32, #tpu.memory_space<vmem>>
        %dma_start3A_126 = arith.constant 0 : i32
        %dma_start3A_127 = arith.constant 0 : i32
        %dma_start3A_128 = tpu.memref_slice %arg2[%dma_start3A_126, %dma_start3A_127] : memref<10000x128xf32, #tpu.memory_space<hbm>> -> memref<10000x128xf32, #tpu.memory_space<hbm>>
        tpu.enqueue_indirect_dma source(%dma_start3A_128 : memref<10000x128xf32, #tpu.memory_space<hbm>>) target(%dma_start3A_122 : memref<128x128xf32, #tpu.memory_space<vmem>>) offsets(%dma_start3A_125 : memref<128xi32, #tpu.memory_space<vmem>>) semaphore(%arg11 : memref<!tpu.dma_semaphore, #tpu.memory_space<semaphore_mem>>)
        %dma_wait3A_129 = arith.constant 0 : i32
        %dma_wait3A_130 = arith.constant 0 : i32
        %dma_wait3A_131 = arith.constant 0 : i32
        %dma_wait3A_132 = tpu.memref_slice %arg9[%dma_wait3A_129, %dma_wait3A_130, %dma_wait3A_131] : memref<2x128x128xf32, #tpu.memory_space<vmem>> -> memref<1x128x128xf32, #tpu.memory_space<vmem>>
        %dma_wait3A_133 = tpu.memref_squeeze %dma_wait3A_132 : memref<1x128x128xf32, #tpu.memory_space<vmem>> -> memref<128x128xf32, #tpu.memory_space<vmem>>
        %dma_wait3A_134 = arith.constant 0 : i32
        %dma_wait3A_135 = tpu.memref_slice %arg7[%add3A_115, %dma_wait3A_134] : memref<16x128xi32, #tpu.memory_space<vmem>> -> memref<1x128xi32, #tpu.memory_space<vmem>>
        %dma_wait3A_136 = tpu.memref_squeeze %dma_wait3A_135 : memref<1x128xi32, #tpu.memory_space<vmem>> -> memref<128xi32, #tpu.memory_space<vmem>>
        %dma_wait3A_137 = arith.constant 0 : i32
        %dma_wait3A_138 = arith.constant 0 : i32
        %dma_wait3A_139 = tpu.memref_slice %arg2[%dma_wait3A_137, %dma_wait3A_138] : memref<10000x128xf32, #tpu.memory_space<hbm>> -> memref<10000x128xf32, #tpu.memory_space<hbm>>
        tpu.wait_indirect_dma semaphore(%arg10 : memref<!tpu.dma_semaphore, #tpu.memory_space<semaphore_mem>>) src(%dma_wait3A_139 : memref<10000x128xf32, #tpu.memory_space<hbm>>) dst(%dma_wait3A_133 : memref<128x128xf32, #tpu.memory_space<vmem>>)
        %run_scoped3A_140 = arith.constant 0 : i32
        "tpu.region"() ({
          %run_scoped3A_171 = tpu.sem_alloc : memref<!tpu.dma_semaphore, #tpu.memory_space<semaphore_mem>>
          %dma_start3A_172 = arith.constant 0 : i32
          %dma_start3A_173 = arith.constant 0 : i32
          %dma_start3A_174 = tpu.memref_slice %arg9[%run_scoped3A_140, %dma_start3A_172, %dma_start3A_173] : memref<2x128x128xf32, #tpu.memory_space<vmem>> -> memref<1x128x128xf32, #tpu.memory_space<vmem>>
          %dma_start3A_175 = tpu.memref_squeeze %dma_start3A_174 : memref<1x128x128xf32, #tpu.memory_space<vmem>> -> memref<128x128xf32, #tpu.memory_space<vmem>>
          %dma_start3A_176 = arith.constant 0 : i32
          %dma_start3A_177 = tpu.memref_slice %arg8[%add3A_115, %dma_start3A_176] : memref<16x128xi32, #tpu.memory_space<vmem>> -> memref<1x128xi32, #tpu.memory_space<vmem>>
          %dma_start3A_178 = tpu.memref_squeeze %dma_start3A_177 : memref<1x128xi32, #tpu.memory_space<vmem>> -> memref<128xi32, #tpu.memory_space<vmem>>
          %dma_start3A_179 = arith.constant 0 : i32
          %dma_start3A_180 = arith.constant 0 : i32
          %dma_start3A_181 = tpu.memref_slice %arg6[%dma_start3A_179, %dma_start3A_180] : memref<10240x128xf32, #tpu.memory_space<vmem_shared>> -> memref<10240x128xf32, #tpu.memory_space<vmem_shared>>
          tpu.enqueue_indirect_dma source(%dma_start3A_175 : memref<128x128xf32, #tpu.memory_space<vmem>>) target(%dma_start3A_181 : memref<10240x128xf32, #tpu.memory_space<vmem_shared>>) offsets(%dma_start3A_178 : memref<128xi32, #tpu.memory_space<vmem>>) semaphore(%run_scoped3A_171 : memref<!tpu.dma_semaphore, #tpu.memory_space<semaphore_mem>>) {add = true}
          %dma_wait3A_182 = arith.constant 0 : i32
          %dma_wait3A_183 = arith.constant 0 : i32
          %dma_wait3A_184 = tpu.memref_slice %arg9[%run_scoped3A_140, %dma_wait3A_182, %dma_wait3A_183] : memref<2x128x128xf32, #tpu.memory_space<vmem>> -> memref<1x128x128xf32, #tpu.memory_space<vmem>>
          %dma_wait3A_185 = tpu.memref_squeeze %dma_wait3A_184 : memref<1x128x128xf32, #tpu.memory_space<vmem>> -> memref<128x128xf32, #tpu.memory_space<vmem>>
          %dma_wait3A_186 = arith.constant 0 : i32
          %dma_wait3A_187 = tpu.memref_slice %arg8[%add3A_115, %dma_wait3A_186] : memref<16x128xi32, #tpu.memory_space<vmem>> -> memref<1x128xi32, #tpu.memory_space<vmem>>
          %dma_wait3A_188 = tpu.memref_squeeze %dma_wait3A_187 : memref<1x128xi32, #tpu.memory_space<vmem>> -> memref<128xi32, #tpu.memory_space<vmem>>
          %dma_wait3A_189 = arith.constant 0 : i32
          %dma_wait3A_190 = arith.constant 0 : i32
          %dma_wait3A_191 = tpu.memref_slice %arg6[%dma_wait3A_189, %dma_wait3A_190] : memref<10240x128xf32, #tpu.memory_space<vmem_shared>> -> memref<10240x128xf32, #tpu.memory_space<vmem_shared>>
          tpu.wait_indirect_dma semaphore(%run_scoped3A_171 : memref<!tpu.dma_semaphore, #tpu.memory_space<semaphore_mem>>) src(%dma_wait3A_185 : memref<128x128xf32, #tpu.memory_space<vmem>>) dst(%dma_wait3A_191 : memref<10240x128xf32, #tpu.memory_space<vmem_shared>>)
          tpu.yield
        }) : () -> ()
        %mul3A_141 = arith.constant 2 : i32
        %mul3A_142 = arith.muli %mul3A_141, %scan3A_110 : i32
        %add3A_143 = arith.constant 1 : i32
        %add3A_144 = arith.addi %mul3A_142, %add3A_143 : i32
        %add3A_145 = arith.constant 1 : i32
        %add3A_146 = arith.addi %add3A_144, %add3A_145 : i32
        %dma_start3A_147 = arith.constant 0 : i32
        %dma_start3A_148 = arith.constant 0 : i32
        %dma_start3A_149 = arith.constant 0 : i32
        %dma_start3A_150 = tpu.memref_slice %arg9[%dma_start3A_147, %dma_start3A_148, %dma_start3A_149] : memref<2x128x128xf32, #tpu.memory_space<vmem>> -> memref<1x128x128xf32, #tpu.memory_space<vmem>>
        %dma_start3A_151 = tpu.memref_squeeze %dma_start3A_150 : memref<1x128x128xf32, #tpu.memory_space<vmem>> -> memref<128x128xf32, #tpu.memory_space<vmem>>
        %dma_start3A_152 = arith.constant 0 : i32
        %dma_start3A_153 = tpu.memref_slice %arg7[%add3A_146, %dma_start3A_152] : memref<16x128xi32, #tpu.memory_space<vmem>> -> memref<1x128xi32, #tpu.memory_space<vmem>>
        %dma_start3A_154 = tpu.memref_squeeze %dma_start3A_153 : memref<1x128xi32, #tpu.memory_space<vmem>> -> memref<128xi32, #tpu.memory_space<vmem>>
        %dma_start3A_155 = arith.constant 0 : i32
        %dma_start3A_156 = arith.constant 0 : i32
        %dma_start3A_157 = tpu.memref_slice %arg2[%dma_start3A_155, %dma_start3A_156] : memref<10000x128xf32, #tpu.memory_space<hbm>> -> memref<10000x128xf32, #tpu.memory_space<hbm>>
        tpu.enqueue_indirect_dma source(%dma_start3A_157 : memref<10000x128xf32, #tpu.memory_space<hbm>>) target(%dma_start3A_151 : memref<128x128xf32, #tpu.memory_space<vmem>>) offsets(%dma_start3A_154 : memref<128xi32, #tpu.memory_space<vmem>>) semaphore(%arg10 : memref<!tpu.dma_semaphore, #tpu.memory_space<semaphore_mem>>)
        %dma_wait3A_158 = arith.constant 1 : i32
        %dma_wait3A_159 = arith.constant 0 : i32
        %dma_wait3A_160 = arith.constant 0 : i32
        %dma_wait3A_161 = tpu.memref_slice %arg9[%dma_wait3A_158, %dma_wait3A_159, %dma_wait3A_160] : memref<2x128x128xf32, #tpu.memory_space<vmem>> -> memref<1x128x128xf32, #tpu.memory_space<vmem>>
        %dma_wait3A_162 = tpu.memref_squeeze %dma_wait3A_161 : memref<1x128x128xf32, #tpu.memory_space<vmem>> -> memref<128x128xf32, #tpu.memory_space<vmem>>
        %dma_wait3A_163 = arith.constant 0 : i32
        %dma_wait3A_164 = tpu.memref_slice %arg7[%add3A_144, %dma_wait3A_163] : memref<16x128xi32, #tpu.memory_space<vmem>> -> memref<1x128xi32, #tpu.memory_space<vmem>>
        %dma_wait3A_165 = tpu.memref_squeeze %dma_wait3A_164 : memref<1x128xi32, #tpu.memory_space<vmem>> -> memref<128xi32, #tpu.memory_space<vmem>>
        %dma_wait3A_166 = arith.constant 0 : i32
        %dma_wait3A_167 = arith.constant 0 : i32
        %dma_wait3A_168 = tpu.memref_slice %arg2[%dma_wait3A_166, %dma_wait3A_167] : memref<10000x128xf32, #tpu.memory_space<hbm>> -> memref<10000x128xf32, #tpu.memory_space<hbm>>
        tpu.wait_indirect_dma semaphore(%arg11 : memref<!tpu.dma_semaphore, #tpu.memory_space<semaphore_mem>>) src(%dma_wait3A_168 : memref<10000x128xf32, #tpu.memory_space<hbm>>) dst(%dma_wait3A_162 : memref<128x128xf32, #tpu.memory_space<vmem>>)
        %run_scoped3A_169 = arith.constant 1 : i32
        "tpu.region"() ({
          %run_scoped3A_171 = tpu.sem_alloc : memref<!tpu.dma_semaphore, #tpu.memory_space<semaphore_mem>>
          %dma_start3A_172 = arith.constant 0 : i32
          %dma_start3A_173 = arith.constant 0 : i32
          %dma_start3A_174 = tpu.memref_slice %arg9[%run_scoped3A_169, %dma_start3A_172, %dma_start3A_173] : memref<2x128x128xf32, #tpu.memory_space<vmem>> -> memref<1x128x128xf32, #tpu.memory_space<vmem>>
          %dma_start3A_175 = tpu.memref_squeeze %dma_start3A_174 : memref<1x128x128xf32, #tpu.memory_space<vmem>> -> memref<128x128xf32, #tpu.memory_space<vmem>>
          %dma_start3A_176 = arith.constant 0 : i32
          %dma_start3A_177 = tpu.memref_slice %arg8[%add3A_144, %dma_start3A_176] : memref<16x128xi32, #tpu.memory_space<vmem>> -> memref<1x128xi32, #tpu.memory_space<vmem>>
          %dma_start3A_178 = tpu.memref_squeeze %dma_start3A_177 : memref<1x128xi32, #tpu.memory_space<vmem>> -> memref<128xi32, #tpu.memory_space<vmem>>
          %dma_start3A_179 = arith.constant 0 : i32
          %dma_start3A_180 = arith.constant 0 : i32
          %dma_start3A_181 = tpu.memref_slice %arg6[%dma_start3A_179, %dma_start3A_180] : memref<10240x128xf32, #tpu.memory_space<vmem_shared>> -> memref<10240x128xf32, #tpu.memory_space<vmem_shared>>
          tpu.enqueue_indirect_dma source(%dma_start3A_175 : memref<128x128xf32, #tpu.memory_space<vmem>>) target(%dma_start3A_181 : memref<10240x128xf32, #tpu.memory_space<vmem_shared>>) offsets(%dma_start3A_178 : memref<128xi32, #tpu.memory_space<vmem>>) semaphore(%run_scoped3A_171 : memref<!tpu.dma_semaphore, #tpu.memory_space<semaphore_mem>>) {add = true}
          %dma_wait3A_182 = arith.constant 0 : i32
          %dma_wait3A_183 = arith.constant 0 : i32
          %dma_wait3A_184 = tpu.memref_slice %arg9[%run_scoped3A_169, %dma_wait3A_182, %dma_wait3A_183] : memref<2x128x128xf32, #tpu.memory_space<vmem>> -> memref<1x128x128xf32, #tpu.memory_space<vmem>>
          %dma_wait3A_185 = tpu.memref_squeeze %dma_wait3A_184 : memref<1x128x128xf32, #tpu.memory_space<vmem>> -> memref<128x128xf32, #tpu.memory_space<vmem>>
          %dma_wait3A_186 = arith.constant 0 : i32
          %dma_wait3A_187 = tpu.memref_slice %arg8[%add3A_144, %dma_wait3A_186] : memref<16x128xi32, #tpu.memory_space<vmem>> -> memref<1x128xi32, #tpu.memory_space<vmem>>
          %dma_wait3A_188 = tpu.memref_squeeze %dma_wait3A_187 : memref<1x128xi32, #tpu.memory_space<vmem>> -> memref<128xi32, #tpu.memory_space<vmem>>
          %dma_wait3A_189 = arith.constant 0 : i32
          %dma_wait3A_190 = arith.constant 0 : i32
          %dma_wait3A_191 = tpu.memref_slice %arg6[%dma_wait3A_189, %dma_wait3A_190] : memref<10240x128xf32, #tpu.memory_space<vmem_shared>> -> memref<10240x128xf32, #tpu.memory_space<vmem_shared>>
          tpu.wait_indirect_dma semaphore(%run_scoped3A_171 : memref<!tpu.dma_semaphore, #tpu.memory_space<semaphore_mem>>) src(%dma_wait3A_185 : memref<128x128xf32, #tpu.memory_space<vmem>>) dst(%dma_wait3A_191 : memref<10240x128xf32, #tpu.memory_space<vmem_shared>>)
          tpu.yield
        }) : () -> ()
        %scan3A_170 = arith.constant 0 : i32
        scf.yield %scan3A_170 : i32
      }
      %scan3A_69 = arith.constant 7 : i32
      %dma_start3A_70 = arith.constant 15 : i32
      %dma_start3A_71 = arith.constant 1 : i32
      %dma_start3A_72 = arith.constant 0 : i32
      %dma_start3A_73 = arith.constant 0 : i32
      %dma_start3A_74 = tpu.memref_slice %arg9[%dma_start3A_71, %dma_start3A_72, %dma_start3A_73] : memref<2x128x128xf32, #tpu.memory_space<vmem>> -> memref<1x128x128xf32, #tpu.memory_space<vmem>>
      %dma_start3A_75 = tpu.memref_squeeze %dma_start3A_74 : memref<1x128x128xf32, #tpu.memory_space<vmem>> -> memref<128x128xf32, #tpu.memory_space<vmem>>
      %dma_start3A_76 = arith.constant 0 : i32
      %dma_start3A_77 = tpu.memref_slice %arg7[%dma_start3A_70, %dma_start3A_76] : memref<16x128xi32, #tpu.memory_space<vmem>> -> memref<1x128xi32, #tpu.memory_space<vmem>>
      %dma_start3A_78 = tpu.memref_squeeze %dma_start3A_77 : memref<1x128xi32, #tpu.memory_space<vmem>> -> memref<128xi32, #tpu.memory_space<vmem>>
      %dma_start3A_79 = arith.constant 0 : i32
      %dma_start3A_80 = arith.constant 0 : i32
      %dma_start3A_81 = tpu.memref_slice %arg2[%dma_start3A_79, %dma_start3A_80] : memref<10000x128xf32, #tpu.memory_space<hbm>> -> memref<10000x128xf32, #tpu.memory_space<hbm>>
      tpu.enqueue_indirect_dma source(%dma_start3A_81 : memref<10000x128xf32, #tpu.memory_space<hbm>>) target(%dma_start3A_75 : memref<128x128xf32, #tpu.memory_space<vmem>>) offsets(%dma_start3A_78 : memref<128xi32, #tpu.memory_space<vmem>>) semaphore(%arg11 : memref<!tpu.dma_semaphore, #tpu.memory_space<semaphore_mem>>)
      %dma_wait3A = arith.constant 14 : i32
      %dma_wait3A_82 = arith.constant 0 : i32
      %dma_wait3A_83 = arith.constant 0 : i32
      %dma_wait3A_84 = arith.constant 0 : i32
      %dma_wait3A_85 = tpu.memref_slice %arg9[%dma_wait3A_82, %dma_wait3A_83, %dma_wait3A_84] : memref<2x128x128xf32, #tpu.memory_space<vmem>> -> memref<1x128x128xf32, #tpu.memory_space<vmem>>
      %dma_wait3A_86 = tpu.memref_squeeze %dma_wait3A_85 : memref<1x128x128xf32, #tpu.memory_space<vmem>> -> memref<128x128xf32, #tpu.memory_space<vmem>>
      %dma_wait3A_87 = arith.constant 0 : i32
      %dma_wait3A_88 = tpu.memref_slice %arg7[%dma_wait3A, %dma_wait3A_87] : memref<16x128xi32, #tpu.memory_space<vmem>> -> memref<1x128xi32, #tpu.memory_space<vmem>>
      %dma_wait3A_89 = tpu.memref_squeeze %dma_wait3A_88 : memref<1x128xi32, #tpu.memory_space<vmem>> -> memref<128xi32, #tpu.memory_space<vmem>>
      %dma_wait3A_90 = arith.constant 0 : i32
      %dma_wait3A_91 = arith.constant 0 : i32
      %dma_wait3A_92 = tpu.memref_slice %arg2[%dma_wait3A_90, %dma_wait3A_91] : memref<10000x128xf32, #tpu.memory_space<hbm>> -> memref<10000x128xf32, #tpu.memory_space<hbm>>
      tpu.wait_indirect_dma semaphore(%arg10 : memref<!tpu.dma_semaphore, #tpu.memory_space<semaphore_mem>>) src(%dma_wait3A_92 : memref<10000x128xf32, #tpu.memory_space<hbm>>) dst(%dma_wait3A_86 : memref<128x128xf32, #tpu.memory_space<vmem>>)
      %run_scoped3A_93 = arith.constant 0 : i32
      %run_scoped3A_94 = arith.constant 14 : i32
      "tpu.region"() ({
        %run_scoped3A_110 = tpu.sem_alloc : memref<!tpu.dma_semaphore, #tpu.memory_space<semaphore_mem>>
        %dma_start3A_111 = arith.constant 0 : i32
        %dma_start3A_112 = arith.constant 0 : i32
        %dma_start3A_113 = tpu.memref_slice %arg9[%run_scoped3A_93, %dma_start3A_111, %dma_start3A_112] : memref<2x128x128xf32, #tpu.memory_space<vmem>> -> memref<1x128x128xf32, #tpu.memory_space<vmem>>
        %dma_start3A_114 = tpu.memref_squeeze %dma_start3A_113 : memref<1x128x128xf32, #tpu.memory_space<vmem>> -> memref<128x128xf32, #tpu.memory_space<vmem>>
        %dma_start3A_115 = arith.constant 0 : i32
        %dma_start3A_116 = tpu.memref_slice %arg8[%run_scoped3A_94, %dma_start3A_115] : memref<16x128xi32, #tpu.memory_space<vmem>> -> memref<1x128xi32, #tpu.memory_space<vmem>>
        %dma_start3A_117 = tpu.memref_squeeze %dma_start3A_116 : memref<1x128xi32, #tpu.memory_space<vmem>> -> memref<128xi32, #tpu.memory_space<vmem>>
        %dma_start3A_118 = arith.constant 0 : i32
        %dma_start3A_119 = arith.constant 0 : i32
        %dma_start3A_120 = tpu.memref_slice %arg6[%dma_start3A_118, %dma_start3A_119] : memref<10240x128xf32, #tpu.memory_space<vmem_shared>> -> memref<10240x128xf32, #tpu.memory_space<vmem_shared>>
        tpu.enqueue_indirect_dma source(%dma_start3A_114 : memref<128x128xf32, #tpu.memory_space<vmem>>) target(%dma_start3A_120 : memref<10240x128xf32, #tpu.memory_space<vmem_shared>>) offsets(%dma_start3A_117 : memref<128xi32, #tpu.memory_space<vmem>>) semaphore(%run_scoped3A_110 : memref<!tpu.dma_semaphore, #tpu.memory_space<semaphore_mem>>) {add = true}
        %dma_wait3A_121 = arith.constant 0 : i32
        %dma_wait3A_122 = arith.constant 0 : i32
        %dma_wait3A_123 = tpu.memref_slice %arg9[%run_scoped3A_93, %dma_wait3A_121, %dma_wait3A_122] : memref<2x128x128xf32, #tpu.memory_space<vmem>> -> memref<1x128x128xf32, #tpu.memory_space<vmem>>
        %dma_wait3A_124 = tpu.memref_squeeze %dma_wait3A_123 : memref<1x128x128xf32, #tpu.memory_space<vmem>> -> memref<128x128xf32, #tpu.memory_space<vmem>>
        %dma_wait3A_125 = arith.constant 0 : i32
        %dma_wait3A_126 = tpu.memref_slice %arg8[%run_scoped3A_94, %dma_wait3A_125] : memref<16x128xi32, #tpu.memory_space<vmem>> -> memref<1x128xi32, #tpu.memory_space<vmem>>
        %dma_wait3A_127 = tpu.memref_squeeze %dma_wait3A_126 : memref<1x128xi32, #tpu.memory_space<vmem>> -> memref<128xi32, #tpu.memory_space<vmem>>
        %dma_wait3A_128 = arith.constant 0 : i32
        %dma_wait3A_129 = arith.constant 0 : i32
        %dma_wait3A_130 = tpu.memref_slice %arg6[%dma_wait3A_128, %dma_wait3A_129] : memref<10240x128xf32, #tpu.memory_space<vmem_shared>> -> memref<10240x128xf32, #tpu.memory_space<vmem_shared>>
        tpu.wait_indirect_dma semaphore(%run_scoped3A_110 : memref<!tpu.dma_semaphore, #tpu.memory_space<semaphore_mem>>) src(%dma_wait3A_124 : memref<128x128xf32, #tpu.memory_space<vmem>>) dst(%dma_wait3A_130 : memref<10240x128xf32, #tpu.memory_space<vmem_shared>>)
        tpu.yield
      }) : () -> ()
      %dma_wait3A_95 = arith.constant 15 : i32
      %dma_wait3A_96 = arith.constant 1 : i32
      %dma_wait3A_97 = arith.constant 0 : i32
      %dma_wait3A_98 = arith.constant 0 : i32
      %dma_wait3A_99 = tpu.memref_slice %arg9[%dma_wait3A_96, %dma_wait3A_97, %dma_wait3A_98] : memref<2x128x128xf32, #tpu.memory_space<vmem>> -> memref<1x128x128xf32, #tpu.memory_space<vmem>>
      %dma_wait3A_100 = tpu.memref_squeeze %dma_wait3A_99 : memref<1x128x128xf32, #tpu.memory_space<vmem>> -> memref<128x128xf32, #tpu.memory_space<vmem>>
      %dma_wait3A_101 = arith.constant 0 : i32
      %dma_wait3A_102 = tpu.memref_slice %arg7[%dma_wait3A_95, %dma_wait3A_101] : memref<16x128xi32, #tpu.memory_space<vmem>> -> memref<1x128xi32, #tpu.memory_space<vmem>>
      %dma_wait3A_103 = tpu.memref_squeeze %dma_wait3A_102 : memref<1x128xi32, #tpu.memory_space<vmem>> -> memref<128xi32, #tpu.memory_space<vmem>>
      %dma_wait3A_104 = arith.constant 0 : i32
      %dma_wait3A_105 = arith.constant 0 : i32
      %dma_wait3A_106 = tpu.memref_slice %arg2[%dma_wait3A_104, %dma_wait3A_105] : memref<10000x128xf32, #tpu.memory_space<hbm>> -> memref<10000x128xf32, #tpu.memory_space<hbm>>
      tpu.wait_indirect_dma semaphore(%arg11 : memref<!tpu.dma_semaphore, #tpu.memory_space<semaphore_mem>>) src(%dma_wait3A_106 : memref<10000x128xf32, #tpu.memory_space<hbm>>) dst(%dma_wait3A_100 : memref<128x128xf32, #tpu.memory_space<vmem>>)
      %run_scoped3A_107 = arith.constant 1 : i32
      %run_scoped3A_108 = arith.constant 15 : i32
      "tpu.region"() ({
        %run_scoped3A_110 = tpu.sem_alloc : memref<!tpu.dma_semaphore, #tpu.memory_space<semaphore_mem>>
        %dma_start3A_111 = arith.constant 0 : i32
        %dma_start3A_112 = arith.constant 0 : i32
        %dma_start3A_113 = tpu.memref_slice %arg9[%run_scoped3A_107, %dma_start3A_111, %dma_start3A_112] : memref<2x128x128xf32, #tpu.memory_space<vmem>> -> memref<1x128x128xf32, #tpu.memory_space<vmem>>
        %dma_start3A_114 = tpu.memref_squeeze %dma_start3A_113 : memref<1x128x128xf32, #tpu.memory_space<vmem>> -> memref<128x128xf32, #tpu.memory_space<vmem>>
        %dma_start3A_115 = arith.constant 0 : i32
        %dma_start3A_116 = tpu.memref_slice %arg8[%run_scoped3A_108, %dma_start3A_115] : memref<16x128xi32, #tpu.memory_space<vmem>> -> memref<1x128xi32, #tpu.memory_space<vmem>>
        %dma_start3A_117 = tpu.memref_squeeze %dma_start3A_116 : memref<1x128xi32, #tpu.memory_space<vmem>> -> memref<128xi32, #tpu.memory_space<vmem>>
        %dma_start3A_118 = arith.constant 0 : i32
        %dma_start3A_119 = arith.constant 0 : i32
        %dma_start3A_120 = tpu.memref_slice %arg6[%dma_start3A_118, %dma_start3A_119] : memref<10240x128xf32, #tpu.memory_space<vmem_shared>> -> memref<10240x128xf32, #tpu.memory_space<vmem_shared>>
        tpu.enqueue_indirect_dma source(%dma_start3A_114 : memref<128x128xf32, #tpu.memory_space<vmem>>) target(%dma_start3A_120 : memref<10240x128xf32, #tpu.memory_space<vmem_shared>>) offsets(%dma_start3A_117 : memref<128xi32, #tpu.memory_space<vmem>>) semaphore(%run_scoped3A_110 : memref<!tpu.dma_semaphore, #tpu.memory_space<semaphore_mem>>) {add = true}
        %dma_wait3A_121 = arith.constant 0 : i32
        %dma_wait3A_122 = arith.constant 0 : i32
        %dma_wait3A_123 = tpu.memref_slice %arg9[%run_scoped3A_107, %dma_wait3A_121, %dma_wait3A_122] : memref<2x128x128xf32, #tpu.memory_space<vmem>> -> memref<1x128x128xf32, #tpu.memory_space<vmem>>
        %dma_wait3A_124 = tpu.memref_squeeze %dma_wait3A_123 : memref<1x128x128xf32, #tpu.memory_space<vmem>> -> memref<128x128xf32, #tpu.memory_space<vmem>>
        %dma_wait3A_125 = arith.constant 0 : i32
        %dma_wait3A_126 = tpu.memref_slice %arg8[%run_scoped3A_108, %dma_wait3A_125] : memref<16x128xi32, #tpu.memory_space<vmem>> -> memref<1x128xi32, #tpu.memory_space<vmem>>
        %dma_wait3A_127 = tpu.memref_squeeze %dma_wait3A_126 : memref<1x128xi32, #tpu.memory_space<vmem>> -> memref<128xi32, #tpu.memory_space<vmem>>
        %dma_wait3A_128 = arith.constant 0 : i32
        %dma_wait3A_129 = arith.constant 0 : i32
        %dma_wait3A_130 = tpu.memref_slice %arg6[%dma_wait3A_128, %dma_wait3A_129] : memref<10240x128xf32, #tpu.memory_space<vmem_shared>> -> memref<10240x128xf32, #tpu.memory_space<vmem_shared>>
        tpu.wait_indirect_dma semaphore(%run_scoped3A_110 : memref<!tpu.dma_semaphore, #tpu.memory_space<semaphore_mem>>) src(%dma_wait3A_124 : memref<128x128xf32, #tpu.memory_space<vmem>>) dst(%dma_wait3A_130 : memref<10240x128xf32, #tpu.memory_space<vmem_shared>>)
        tpu.yield
      }) : () -> ()
      %scan3A_109 = arith.constant 0 : i32
      scf.yield %scan3A_109 : i32
    }
    %scan3A_39 = arith.constant 5 : i32
    %barrier3A_40 = arith.constant 0 : index
    tpu.barrier barrier_id(%barrier3A_40)
    %mul3A_41 = arith.constant 640 : i32
    %mul3A_42 = arith.muli %arg1, %mul3A_41 : i32
    %mul3A_43 = arith.constant 640 : i32
    %mul3A_44 = arith.muli %arg1, %mul3A_43 : i32
    "tpu.region"() ({
      %run_scoped3A_45 = tpu.sem_alloc : memref<!tpu.dma_semaphore, #tpu.memory_space<semaphore_mem>>
      %dma_start3A = arith.constant 0 : i32
      %dma_start3A_46 = tpu.memref_slice %arg5[%arg0, %mul3A_44, %dma_start3A] : memref<2x10240x128xf32, #tpu.memory_space<hbm>> -> memref<1x640x128xf32, #tpu.memory_space<hbm>>
      %dma_start3A_47 = tpu.memref_squeeze %dma_start3A_46 : memref<1x640x128xf32, #tpu.memory_space<hbm>> -> memref<640x128xf32, #tpu.memory_space<hbm>>
      %dma_start3A_48 = arith.constant 0 : i32
      %dma_start3A_49 = tpu.memref_slice %arg6[%mul3A_42, %dma_start3A_48] : memref<10240x128xf32, #tpu.memory_space<vmem_shared>> -> memref<640x128xf32, #tpu.memory_space<vmem_shared>>
      tpu.enqueue_dma source(%dma_start3A_49 : memref<640x128xf32, #tpu.memory_space<vmem_shared>>) target(%dma_start3A_47 : memref<640x128xf32, #tpu.memory_space<hbm>>) target_semaphore(%run_scoped3A_45 : memref<!tpu.dma_semaphore, #tpu.memory_space<semaphore_mem>>)
      %dma_wait3A = arith.constant 0 : i32
      %dma_wait3A_50 = tpu.memref_slice %arg5[%arg0, %mul3A_44, %dma_wait3A] : memref<2x10240x128xf32, #tpu.memory_space<hbm>> -> memref<1x640x128xf32, #tpu.memory_space<hbm>>
      %dma_wait3A_51 = tpu.memref_squeeze %dma_wait3A_50 : memref<1x640x128xf32, #tpu.memory_space<hbm>> -> memref<640x128xf32, #tpu.memory_space<hbm>>
      %dma_wait3A_52 = arith.constant 0 : i32
      %dma_wait3A_53 = tpu.memref_slice %arg6[%mul3A_42, %dma_wait3A_52] : memref<10240x128xf32, #tpu.memory_space<vmem_shared>> -> memref<640x128xf32, #tpu.memory_space<vmem_shared>>
      tpu.wait_dma2 semaphore(%run_scoped3A_45 : memref<!tpu.dma_semaphore, #tpu.memory_space<semaphore_mem>>) src(%dma_wait3A_53 : memref<640x128xf32, #tpu.memory_space<vmem_shared>>) dst(%dma_wait3A_51 : memref<640x128xf32, #tpu.memory_space<hbm>>)
      tpu.yield
    }) : () -> ()
    return
  }
}

#map = affine_map<(d0, d1) -> (0, 0)>
#map1 = affine_map<(d0, d1) -> (0, 0, 0)>
module attributes {stable_mosaic.version = 14 : i64} {
  func.func @_sc_agg(%arg0: i32, %arg1: i32, %arg2: memref<10000x128xf32, #tpu.memory_space<hbm>>, %arg3: memref<2560x128xi32, #tpu.memory_space<hbm>>, %arg4: memref<2560x128xi32, #tpu.memory_space<hbm>>, %arg5: memref<2x10240x128xf32, #tpu.memory_space<hbm>>, %arg6: memref<10240x128xf32, #tpu.memory_space<vmem_shared>>, %arg7: memref<16x128xi32, #tpu.memory_space<vmem>>, %arg8: memref<16x128xi32, #tpu.memory_space<vmem>>, %arg9: memref<2x128x128xf32, #tpu.memory_space<vmem>>, %arg10: memref<!tpu.dma_semaphore, #tpu.memory_space<semaphore_mem>>, %arg11: memref<!tpu.dma_semaphore, #tpu.memory_space<semaphore_mem>>) attributes {dimension_semantics = [#tpu.dimension_semantics<core_parallel>, #tpu.dimension_semantics<subcore_parallel>], iteration_bounds = array<i64: 2, 16>, scalar_prefetch = 0 : i64, scratch_operands = 6 : i64, tpu.core_type = #tpu.core_type<sc_vector_subcore>, window_params = [{transform_indices = #map}, {transform_indices = #map}, {transform_indices = #map}, {transform_indices = #map1}]} {
    %mul3A = arith.constant 16 : i32
    %mul3A_0 = arith.muli %arg0, %mul3A : i32
    %add3A = arith.addi %mul3A_0, %arg1 : i32
    %broadcast_in_dim3A = arith.constant 0.000000e+00 : f32
    %broadcast_in_dim3A_1 = vector.broadcast %broadcast_in_dim3A : f32 to vector<16xf32>
    %scan3A = arith.constant 0 : i32
    %scan3A_2 = arith.constant 0 : i32
    %scan3A_3 = arith.constant 0 : i32
    %scan3A_4 = arith.constant 128 : i32
    %scan3A_5 = arith.addi %scan3A_3, %scan3A_4 : i32
    %scan3A_6 = arith.constant 1 : i32
    %scan3A_7 = scf.for %scan3A_45 = %scan3A_3 to %scan3A_5 step %scan3A_6 iter_args(%scan3A_46 = %scan3A_2) -> (i32)  : i32 {
      %swap3A = arith.constant 0 : i32
      %swap3A_47 = arith.constant 0 : i32
      %swap3A_48 = tpu.memref_slice %arg9[%scan3A, %swap3A, %swap3A_47] : memref<2x128x128xf32, #tpu.memory_space<vmem>> -> memref<1x128x128xf32, #tpu.memory_space<vmem>>
      %swap3A_49 = tpu.memref_squeeze %swap3A_48 : memref<1x128x128xf32, #tpu.memory_space<vmem>> -> memref<128x128xf32, #tpu.memory_space<vmem>>
      %swap3A_50 = arith.index_cast %scan3A_45 : i32 to index
      %swap3A_51 = arith.constant 0 : index
      %swap3A_52 = tpu.vector_load %swap3A_49[%swap3A_50, %swap3A_51] {strides = array<i32>} : memref<128x128xf32, #tpu.memory_space<vmem>>, vector<1x16xf32>,
      %swap3A_53 = vector.shape_cast %swap3A_52 : vector<1x16xf32> to vector<16xf32>
      %swap3A_54 = vector.shape_cast %broadcast_in_dim3A_1 : vector<16xf32> to vector<1x16xf32>
      tpu.vector_store %swap3A_49[%swap3A_50, %swap3A_51], %swap3A_54 {strides = array<i32>} : memref<128x128xf32, #tpu.memory_space<vmem>>, vector<1x16xf32>,
      %swap3A_55 = arith.constant 0 : i32
      %swap3A_56 = arith.constant 0 : i32
      %swap3A_57 = tpu.memref_slice %arg9[%scan3A, %swap3A_55, %swap3A_56] : memref<2x128x128xf32, #tpu.memory_space<vmem>> -> memref<1x128x128xf32, #tpu.memory_space<vmem>>
      %swap3A_58 = tpu.memref_squeeze %swap3A_57 : memref<1x128x128xf32, #tpu.memory_space<vmem>> -> memref<128x128xf32, #tpu.memory_space<vmem>>
      %swap3A_59 = arith.index_cast %scan3A_45 : i32 to index
      %swap3A_60 = arith.constant 16 : index
      %swap3A_61 = tpu.vector_load %swap3A_58[%swap3A_59, %swap3A_60] {strides = array<i32>} : memref<128x128xf32, #tpu.memory_space<vmem>>, vector<1x16xf32>,
      %swap3A_62 = vector.shape_cast %swap3A_61 : vector<1x16xf32> to vector<16xf32>
      %swap3A_63 = vector.shape_cast %broadcast_in_dim3A_1 : vector<16xf32> to vector<1x16xf32>
      tpu.vector_store %swap3A_58[%swap3A_59, %swap3A_60], %swap3A_63 {strides = array<i32>} : memref<128x128xf32, #tpu.memory_space<vmem>>, vector<1x16xf32>,
      %swap3A_64 = arith.constant 0 : i32
      %swap3A_65 = arith.constant 0 : i32
      %swap3A_66 = tpu.memref_slice %arg9[%scan3A, %swap3A_64, %swap3A_65] : memref<2x128x128xf32, #tpu.memory_space<vmem>> -> memref<1x128x128xf32, #tpu.memory_space<vmem>>
      %swap3A_67 = tpu.memref_squeeze %swap3A_66 : memref<1x128x128xf32, #tpu.memory_space<vmem>> -> memref<128x128xf32, #tpu.memory_space<vmem>>
      %swap3A_68 = arith.index_cast %scan3A_45 : i32 to index
      %swap3A_69 = arith.constant 32 : index
      %swap3A_70 = tpu.vector_load %swap3A_67[%swap3A_68, %swap3A_69] {strides = array<i32>} : memref<128x128xf32, #tpu.memory_space<vmem>>, vector<1x16xf32>,
      %swap3A_71 = vector.shape_cast %swap3A_70 : vector<1x16xf32> to vector<16xf32>
      %swap3A_72 = vector.shape_cast %broadcast_in_dim3A_1 : vector<16xf32> to vector<1x16xf32>
      tpu.vector_store %swap3A_67[%swap3A_68, %swap3A_69], %swap3A_72 {strides = array<i32>} : memref<128x128xf32, #tpu.memory_space<vmem>>, vector<1x16xf32>,
      %swap3A_73 = arith.constant 0 : i32
      %swap3A_74 = arith.constant 0 : i32
      %swap3A_75 = tpu.memref_slice %arg9[%scan3A, %swap3A_73, %swap3A_74] : memref<2x128x128xf32, #tpu.memory_space<vmem>> -> memref<1x128x128xf32, #tpu.memory_space<vmem>>
      %swap3A_76 = tpu.memref_squeeze %swap3A_75 : memref<1x128x128xf32, #tpu.memory_space<vmem>> -> memref<128x128xf32, #tpu.memory_space<vmem>>
      %swap3A_77 = arith.index_cast %scan3A_45 : i32 to index
      %swap3A_78 = arith.constant 48 : index
      %swap3A_79 = tpu.vector_load %swap3A_76[%swap3A_77, %swap3A_78] {strides = array<i32>} : memref<128x128xf32, #tpu.memory_space<vmem>>, vector<1x16xf32>,
      %swap3A_80 = vector.shape_cast %swap3A_79 : vector<1x16xf32> to vector<16xf32>
      %swap3A_81 = vector.shape_cast %broadcast_in_dim3A_1 : vector<16xf32> to vector<1x16xf32>
      tpu.vector_store %swap3A_76[%swap3A_77, %swap3A_78], %swap3A_81 {strides = array<i32>} : memref<128x128xf32, #tpu.memory_space<vmem>>, vector<1x16xf32>,
      %swap3A_82 = arith.constant 0 : i32
      %swap3A_83 = arith.constant 0 : i32
      %swap3A_84 = tpu.memref_slice %arg9[%scan3A, %swap3A_82, %swap3A_83] : memref<2x128x128xf32, #tpu.memory_space<vmem>> -> memref<1x128x128xf32, #tpu.memory_space<vmem>>
      %swap3A_85 = tpu.memref_squeeze %swap3A_84 : memref<1x128x128xf32, #tpu.memory_space<vmem>> -> memref<128x128xf32, #tpu.memory_space<vmem>>
      %swap3A_86 = arith.index_cast %scan3A_45 : i32 to index
      %swap3A_87 = arith.constant 64 : index
      %swap3A_88 = tpu.vector_load %swap3A_85[%swap3A_86, %swap3A_87] {strides = array<i32>} : memref<128x128xf32, #tpu.memory_space<vmem>>, vector<1x16xf32>,
      %swap3A_89 = vector.shape_cast %swap3A_88 : vector<1x16xf32> to vector<16xf32>
      %swap3A_90 = vector.shape_cast %broadcast_in_dim3A_1 : vector<16xf32> to vector<1x16xf32>
      tpu.vector_store %swap3A_85[%swap3A_86, %swap3A_87], %swap3A_90 {strides = array<i32>} : memref<128x128xf32, #tpu.memory_space<vmem>>, vector<1x16xf32>,
      %swap3A_91 = arith.constant 0 : i32
      %swap3A_92 = arith.constant 0 : i32
      %swap3A_93 = tpu.memref_slice %arg9[%scan3A, %swap3A_91, %swap3A_92] : memref<2x128x128xf32, #tpu.memory_space<vmem>> -> memref<1x128x128xf32, #tpu.memory_space<vmem>>
      %swap3A_94 = tpu.memref_squeeze %swap3A_93 : memref<1x128x128xf32, #tpu.memory_space<vmem>> -> memref<128x128xf32, #tpu.memory_space<vmem>>
      %swap3A_95 = arith.index_cast %scan3A_45 : i32 to index
      %swap3A_96 = arith.constant 80 : index
      %swap3A_97 = tpu.vector_load %swap3A_94[%swap3A_95, %swap3A_96] {strides = array<i32>} : memref<128x128xf32, #tpu.memory_space<vmem>>, vector<1x16xf32>,
      %swap3A_98 = vector.shape_cast %swap3A_97 : vector<1x16xf32> to vector<16xf32>
      %swap3A_99 = vector.shape_cast %broadcast_in_dim3A_1 : vector<16xf32> to vector<1x16xf32>
      tpu.vector_store %swap3A_94[%swap3A_95, %swap3A_96], %swap3A_99 {strides = array<i32>} : memref<128x128xf32, #tpu.memory_space<vmem>>, vector<1x16xf32>,
      %swap3A_100 = arith.constant 0 : i32
      %swap3A_101 = arith.constant 0 : i32
      %swap3A_102 = tpu.memref_slice %arg9[%scan3A, %swap3A_100, %swap3A_101] : memref<2x128x128xf32, #tpu.memory_space<vmem>> -> memref<1x128x128xf32, #tpu.memory_space<vmem>>
      %swap3A_103 = tpu.memref_squeeze %swap3A_102 : memref<1x128x128xf32, #tpu.memory_space<vmem>> -> memref<128x128xf32, #tpu.memory_space<vmem>>
      %swap3A_104 = arith.index_cast %scan3A_45 : i32 to index
      %swap3A_105 = arith.constant 96 : index
      %swap3A_106 = tpu.vector_load %swap3A_103[%swap3A_104, %swap3A_105] {strides = array<i32>} : memref<128x128xf32, #tpu.memory_space<vmem>>, vector<1x16xf32>,
      %swap3A_107 = vector.shape_cast %swap3A_106 : vector<1x16xf32> to vector<16xf32>
      %swap3A_108 = vector.shape_cast %broadcast_in_dim3A_1 : vector<16xf32> to vector<1x16xf32>
      tpu.vector_store %swap3A_103[%swap3A_104, %swap3A_105], %swap3A_108 {strides = array<i32>} : memref<128x128xf32, #tpu.memory_space<vmem>>, vector<1x16xf32>,
      %swap3A_109 = arith.constant 0 : i32
      %swap3A_110 = arith.constant 0 : i32
      %swap3A_111 = tpu.memref_slice %arg9[%scan3A, %swap3A_109, %swap3A_110] : memref<2x128x128xf32, #tpu.memory_space<vmem>> -> memref<1x128x128xf32, #tpu.memory_space<vmem>>
      %swap3A_112 = tpu.memref_squeeze %swap3A_111 : memref<1x128x128xf32, #tpu.memory_space<vmem>> -> memref<128x128xf32, #tpu.memory_space<vmem>>
      %swap3A_113 = arith.index_cast %scan3A_45 : i32 to index
      %swap3A_114 = arith.constant 112 : index
      %swap3A_115 = tpu.vector_load %swap3A_112[%swap3A_113, %swap3A_114] {strides = array<i32>} : memref<128x128xf32, #tpu.memory_space<vmem>>, vector<1x16xf32>,
      %swap3A_116 = vector.shape_cast %swap3A_115 : vector<1x16xf32> to vector<16xf32>
      %swap3A_117 = vector.shape_cast %broadcast_in_dim3A_1 : vector<16xf32> to vector<1x16xf32>
      tpu.vector_store %swap3A_112[%swap3A_113, %swap3A_114], %swap3A_117 {strides = array<i32>} : memref<128x128xf32, #tpu.memory_space<vmem>>, vector<1x16xf32>,
      %scan3A_118 = arith.constant 0 : i32
      scf.yield %scan3A_118 : i32
    }
    %scan3A_8 = arith.constant 128 : i32
    %mul3A_9 = arith.constant 640 : i32
    %mul3A_10 = arith.muli %arg1, %mul3A_9 : i32
    %add3A_11 = arith.constant 0 : i32
    %add3A_12 = arith.addi %mul3A_10, %add3A_11 : i32
    %run_scoped3A = arith.constant 0 : i32
    "tpu.region"() ({
      %run_scoped3A_45 = tpu.sem_alloc : memref<!tpu.dma_semaphore, #tpu.memory_space<semaphore_mem>>
      %dma_start3A = arith.constant 0 : i32
      %dma_start3A_46 = arith.constant 0 : i32
      %dma_start3A_47 = tpu.memref_slice %arg9[%run_scoped3A, %dma_start3A, %dma_start3A_46] : memref<2x128x128xf32, #tpu.memory_space<vmem>> -> memref<1x128x128xf32, #tpu.memory_space<vmem>>
      %dma_start3A_48 = tpu.memref_squeeze %dma_start3A_47 : memref<1x128x128xf32, #tpu.memory_space<vmem>> -> memref<128x128xf32, #tpu.memory_space<vmem>>
      %dma_start3A_49 = arith.constant 0 : i32
      %dma_start3A_50 = tpu.memref_slice %arg6[%add3A_12, %dma_start3A_49] : memref<10240x128xf32, #tpu.memory_space<vmem_shared>> -> memref<128x128xf32, #tpu.memory_space<vmem_shared>>
      %dma_start3A_51 = arith.constant 0 : i32
      %dma_start3A_52 = tpu.memref_slice %arg6[%add3A_12, %dma_start3A_51] : memref<10240x128xf32, #tpu.memory_space<vmem_shared>> -> memref<128x128xf32, #tpu.memory_space<vmem_shared>>
      %dma_start3A_53 = arith.constant 0 : i32
      %dma_start3A_54 = arith.constant 0 : i32
      %dma_start3A_55 = tpu.memref_slice %arg9[%run_scoped3A, %dma_start3A_53, %dma_start3A_54] : memref<2x128x128xf32, #tpu.memory_space<vmem>> -> memref<1x128x128xf32, #tpu.memory_space<vmem>>
      %dma_start3A_56 = tpu.memref_squeeze %dma_start3A_55 : memref<1x128x128xf32, #tpu.memory_space<vmem>> -> memref<128x128xf32, #tpu.memory_space<vmem>>
      tpu.enqueue_dma source(%dma_start3A_56 : memref<128x128xf32, #tpu.memory_space<vmem>>) target(%dma_start3A_52 : memref<128x128xf32, #tpu.memory_space<vmem_shared>>) target_semaphore(%run_scoped3A_45 : memref<!tpu.dma_semaphore, #tpu.memory_space<semaphore_mem>>)
      %dma_wait3A = arith.constant 0 : i32
      %dma_wait3A_57 = arith.constant 0 : i32
      %dma_wait3A_58 = tpu.memref_slice %arg9[%run_scoped3A, %dma_wait3A, %dma_wait3A_57] : memref<2x128x128xf32, #tpu.memory_space<vmem>> -> memref<1x128x128xf32, #tpu.memory_space<vmem>>
      %dma_wait3A_59 = tpu.memref_squeeze %dma_wait3A_58 : memref<1x128x128xf32, #tpu.memory_space<vmem>> -> memref<128x128xf32, #tpu.memory_space<vmem>>
      %dma_wait3A_60 = arith.constant 0 : i32
      %dma_wait3A_61 = tpu.memref_slice %arg6[%add3A_12, %dma_wait3A_60] : memref<10240x128xf32, #tpu.memory_space<vmem_shared>> -> memref<128x128xf32, #tpu.memory_space<vmem_shared>>
      %dma_wait3A_62 = arith.constant 0 : i32
      %dma_wait3A_63 = tpu.memref_slice %arg6[%add3A_12, %dma_wait3A_62] : memref<10240x128xf32, #tpu.memory_space<vmem_shared>> -> memref<128x128xf32, #tpu.memory_space<vmem_shared>>
      %dma_wait3A_64 = arith.constant 0 : i32
      %dma_wait3A_65 = arith.constant 0 : i32
      %dma_wait3A_66 = tpu.memref_slice %arg9[%run_scoped3A, %dma_wait3A_64, %dma_wait3A_65] : memref<2x128x128xf32, #tpu.memory_space<vmem>> -> memref<1x128x128xf32, #tpu.memory_space<vmem>>
      %dma_wait3A_67 = tpu.memref_squeeze %dma_wait3A_66 : memref<1x128x128xf32, #tpu.memory_space<vmem>> -> memref<128x128xf32, #tpu.memory_space<vmem>>
      tpu.wait_dma2 semaphore(%run_scoped3A_45 : memref<!tpu.dma_semaphore, #tpu.memory_space<semaphore_mem>>) src(%dma_wait3A_67 : memref<128x128xf32, #tpu.memory_space<vmem>>) dst(%dma_wait3A_63 : memref<128x128xf32, #tpu.memory_space<vmem_shared>>)
      tpu.yield
    }) : () -> ()
    %mul3A_13 = arith.constant 640 : i32
    %mul3A_14 = arith.muli %arg1, %mul3A_13 : i32
    %add3A_15 = arith.constant 128 : i32
    %add3A_16 = arith.addi %mul3A_14, %add3A_15 : i32
    %run_scoped3A_17 = arith.constant 0 : i32
    "tpu.region"() ({
      %run_scoped3A_45 = tpu.sem_alloc : memref<!tpu.dma_semaphore, #tpu.memory_space<semaphore_mem>>
      %dma_start3A = arith.constant 0 : i32
      %dma_start3A_46 = arith.constant 0 : i32
      %dma_start3A_47 = tpu.memref_slice %arg9[%run_scoped3A_17, %dma_start3A, %dma_start3A_46] : memref<2x128x128xf32, #tpu.memory_space<vmem>> -> memref<1x128x128xf32, #tpu.memory_space<vmem>>
      %dma_start3A_48 = tpu.memref_squeeze %dma_start3A_47 : memref<1x128x128xf32, #tpu.memory_space<vmem>> -> memref<128x128xf32, #tpu.memory_space<vmem>>
      %dma_start3A_49 = arith.constant 0 : i32
      %dma_start3A_50 = tpu.memref_slice %arg6[%add3A_16, %dma_start3A_49] : memref<10240x128xf32, #tpu.memory_space<vmem_shared>> -> memref<128x128xf32, #tpu.memory_space<vmem_shared>>
      %dma_start3A_51 = arith.constant 0 : i32
      %dma_start3A_52 = tpu.memref_slice %arg6[%add3A_16, %dma_start3A_51] : memref<10240x128xf32, #tpu.memory_space<vmem_shared>> -> memref<128x128xf32, #tpu.memory_space<vmem_shared>>
      %dma_start3A_53 = arith.constant 0 : i32
      %dma_start3A_54 = arith.constant 0 : i32
      %dma_start3A_55 = tpu.memref_slice %arg9[%run_scoped3A_17, %dma_start3A_53, %dma_start3A_54] : memref<2x128x128xf32, #tpu.memory_space<vmem>> -> memref<1x128x128xf32, #tpu.memory_space<vmem>>
      %dma_start3A_56 = tpu.memref_squeeze %dma_start3A_55 : memref<1x128x128xf32, #tpu.memory_space<vmem>> -> memref<128x128xf32, #tpu.memory_space<vmem>>
      tpu.enqueue_dma source(%dma_start3A_56 : memref<128x128xf32, #tpu.memory_space<vmem>>) target(%dma_start3A_52 : memref<128x128xf32, #tpu.memory_space<vmem_shared>>) target_semaphore(%run_scoped3A_45 : memref<!tpu.dma_semaphore, #tpu.memory_space<semaphore_mem>>)
      %dma_wait3A = arith.constant 0 : i32
      %dma_wait3A_57 = arith.constant 0 : i32
      %dma_wait3A_58 = tpu.memref_slice %arg9[%run_scoped3A_17, %dma_wait3A, %dma_wait3A_57] : memref<2x128x128xf32, #tpu.memory_space<vmem>> -> memref<1x128x128xf32, #tpu.memory_space<vmem>>
      %dma_wait3A_59 = tpu.memref_squeeze %dma_wait3A_58 : memref<1x128x128xf32, #tpu.memory_space<vmem>> -> memref<128x128xf32, #tpu.memory_space<vmem>>
      %dma_wait3A_60 = arith.constant 0 : i32
      %dma_wait3A_61 = tpu.memref_slice %arg6[%add3A_16, %dma_wait3A_60] : memref<10240x128xf32, #tpu.memory_space<vmem_shared>> -> memref<128x128xf32, #tpu.memory_space<vmem_shared>>
      %dma_wait3A_62 = arith.constant 0 : i32
      %dma_wait3A_63 = tpu.memref_slice %arg6[%add3A_16, %dma_wait3A_62] : memref<10240x128xf32, #tpu.memory_space<vmem_shared>> -> memref<128x128xf32, #tpu.memory_space<vmem_shared>>
      %dma_wait3A_64 = arith.constant 0 : i32
      %dma_wait3A_65 = arith.constant 0 : i32
      %dma_wait3A_66 = tpu.memref_slice %arg9[%run_scoped3A_17, %dma_wait3A_64, %dma_wait3A_65] : memref<2x128x128xf32, #tpu.memory_space<vmem>> -> memref<1x128x128xf32, #tpu.memory_space<vmem>>
      %dma_wait3A_67 = tpu.memref_squeeze %dma_wait3A_66 : memref<1x128x128xf32, #tpu.memory_space<vmem>> -> memref<128x128xf32, #tpu.memory_space<vmem>>
      tpu.wait_dma2 semaphore(%run_scoped3A_45 : memref<!tpu.dma_semaphore, #tpu.memory_space<semaphore_mem>>) src(%dma_wait3A_67 : memref<128x128xf32, #tpu.memory_space<vmem>>) dst(%dma_wait3A_63 : memref<128x128xf32, #tpu.memory_space<vmem_shared>>)
      tpu.yield
    }) : () -> ()
    %mul3A_18 = arith.constant 640 : i32
    %mul3A_19 = arith.muli %arg1, %mul3A_18 : i32
    %add3A_20 = arith.constant 256 : i32
    %add3A_21 = arith.addi %mul3A_19, %add3A_20 : i32
    %run_scoped3A_22 = arith.constant 0 : i32
    "tpu.region"() ({
      %run_scoped3A_45 = tpu.sem_alloc : memref<!tpu.dma_semaphore, #tpu.memory_space<semaphore_mem>>
      %dma_start3A = arith.constant 0 : i32
      %dma_start3A_46 = arith.constant 0 : i32
      %dma_start3A_47 = tpu.memref_slice %arg9[%run_scoped3A_22, %dma_start3A, %dma_start3A_46] : memref<2x128x128xf32, #tpu.memory_space<vmem>> -> memref<1x128x128xf32, #tpu.memory_space<vmem>>
      %dma_start3A_48 = tpu.memref_squeeze %dma_start3A_47 : memref<1x128x128xf32, #tpu.memory_space<vmem>> -> memref<128x128xf32, #tpu.memory_space<vmem>>
      %dma_start3A_49 = arith.constant 0 : i32
      %dma_start3A_50 = tpu.memref_slice %arg6[%add3A_21, %dma_start3A_49] : memref<10240x128xf32, #tpu.memory_space<vmem_shared>> -> memref<128x128xf32, #tpu.memory_space<vmem_shared>>
      %dma_start3A_51 = arith.constant 0 : i32
      %dma_start3A_52 = tpu.memref_slice %arg6[%add3A_21, %dma_start3A_51] : memref<10240x128xf32, #tpu.memory_space<vmem_shared>> -> memref<128x128xf32, #tpu.memory_space<vmem_shared>>
      %dma_start3A_53 = arith.constant 0 : i32
      %dma_start3A_54 = arith.constant 0 : i32
      %dma_start3A_55 = tpu.memref_slice %arg9[%run_scoped3A_22, %dma_start3A_53, %dma_start3A_54] : memref<2x128x128xf32, #tpu.memory_space<vmem>> -> memref<1x128x128xf32, #tpu.memory_space<vmem>>
      %dma_start3A_56 = tpu.memref_squeeze %dma_start3A_55 : memref<1x128x128xf32, #tpu.memory_space<vmem>> -> memref<128x128xf32, #tpu.memory_space<vmem>>
      tpu.enqueue_dma source(%dma_start3A_56 : memref<128x128xf32, #tpu.memory_space<vmem>>) target(%dma_start3A_52 : memref<128x128xf32, #tpu.memory_space<vmem_shared>>) target_semaphore(%run_scoped3A_45 : memref<!tpu.dma_semaphore, #tpu.memory_space<semaphore_mem>>)
      %dma_wait3A = arith.constant 0 : i32
      %dma_wait3A_57 = arith.constant 0 : i32
      %dma_wait3A_58 = tpu.memref_slice %arg9[%run_scoped3A_22, %dma_wait3A, %dma_wait3A_57] : memref<2x128x128xf32, #tpu.memory_space<vmem>> -> memref<1x128x128xf32, #tpu.memory_space<vmem>>
      %dma_wait3A_59 = tpu.memref_squeeze %dma_wait3A_58 : memref<1x128x128xf32, #tpu.memory_space<vmem>> -> memref<128x128xf32, #tpu.memory_space<vmem>>
      %dma_wait3A_60 = arith.constant 0 : i32
      %dma_wait3A_61 = tpu.memref_slice %arg6[%add3A_21, %dma_wait3A_60] : memref<10240x128xf32, #tpu.memory_space<vmem_shared>> -> memref<128x128xf32, #tpu.memory_space<vmem_shared>>
      %dma_wait3A_62 = arith.constant 0 : i32
      %dma_wait3A_63 = tpu.memref_slice %arg6[%add3A_21, %dma_wait3A_62] : memref<10240x128xf32, #tpu.memory_space<vmem_shared>> -> memref<128x128xf32, #tpu.memory_space<vmem_shared>>
      %dma_wait3A_64 = arith.constant 0 : i32
      %dma_wait3A_65 = arith.constant 0 : i32
      %dma_wait3A_66 = tpu.memref_slice %arg9[%run_scoped3A_22, %dma_wait3A_64, %dma_wait3A_65] : memref<2x128x128xf32, #tpu.memory_space<vmem>> -> memref<1x128x128xf32, #tpu.memory_space<vmem>>
      %dma_wait3A_67 = tpu.memref_squeeze %dma_wait3A_66 : memref<1x128x128xf32, #tpu.memory_space<vmem>> -> memref<128x128xf32, #tpu.memory_space<vmem>>
      tpu.wait_dma2 semaphore(%run_scoped3A_45 : memref<!tpu.dma_semaphore, #tpu.memory_space<semaphore_mem>>) src(%dma_wait3A_67 : memref<128x128xf32, #tpu.memory_space<vmem>>) dst(%dma_wait3A_63 : memref<128x128xf32, #tpu.memory_space<vmem_shared>>)
      tpu.yield
    }) : () -> ()
    %mul3A_23 = arith.constant 640 : i32
    %mul3A_24 = arith.muli %arg1, %mul3A_23 : i32
    %add3A_25 = arith.constant 384 : i32
    %add3A_26 = arith.addi %mul3A_24, %add3A_25 : i32
    %run_scoped3A_27 = arith.constant 0 : i32
    "tpu.region"() ({
      %run_scoped3A_45 = tpu.sem_alloc : memref<!tpu.dma_semaphore, #tpu.memory_space<semaphore_mem>>
      %dma_start3A = arith.constant 0 : i32
      %dma_start3A_46 = arith.constant 0 : i32
      %dma_start3A_47 = tpu.memref_slice %arg9[%run_scoped3A_27, %dma_start3A, %dma_start3A_46] : memref<2x128x128xf32, #tpu.memory_space<vmem>> -> memref<1x128x128xf32, #tpu.memory_space<vmem>>
      %dma_start3A_48 = tpu.memref_squeeze %dma_start3A_47 : memref<1x128x128xf32, #tpu.memory_space<vmem>> -> memref<128x128xf32, #tpu.memory_space<vmem>>
      %dma_start3A_49 = arith.constant 0 : i32
      %dma_start3A_50 = tpu.memref_slice %arg6[%add3A_26, %dma_start3A_49] : memref<10240x128xf32, #tpu.memory_space<vmem_shared>> -> memref<128x128xf32, #tpu.memory_space<vmem_shared>>
      %dma_start3A_51 = arith.constant 0 : i32
      %dma_start3A_52 = tpu.memref_slice %arg6[%add3A_26, %dma_start3A_51] : memref<10240x128xf32, #tpu.memory_space<vmem_shared>> -> memref<128x128xf32, #tpu.memory_space<vmem_shared>>
      %dma_start3A_53 = arith.constant 0 : i32
      %dma_start3A_54 = arith.constant 0 : i32
      %dma_start3A_55 = tpu.memref_slice %arg9[%run_scoped3A_27, %dma_start3A_53, %dma_start3A_54] : memref<2x128x128xf32, #tpu.memory_space<vmem>> -> memref<1x128x128xf32, #tpu.memory_space<vmem>>
      %dma_start3A_56 = tpu.memref_squeeze %dma_start3A_55 : memref<1x128x128xf32, #tpu.memory_space<vmem>> -> memref<128x128xf32, #tpu.memory_space<vmem>>
      tpu.enqueue_dma source(%dma_start3A_56 : memref<128x128xf32, #tpu.memory_space<vmem>>) target(%dma_start3A_52 : memref<128x128xf32, #tpu.memory_space<vmem_shared>>) target_semaphore(%run_scoped3A_45 : memref<!tpu.dma_semaphore, #tpu.memory_space<semaphore_mem>>)
      %dma_wait3A = arith.constant 0 : i32
      %dma_wait3A_57 = arith.constant 0 : i32
      %dma_wait3A_58 = tpu.memref_slice %arg9[%run_scoped3A_27, %dma_wait3A, %dma_wait3A_57] : memref<2x128x128xf32, #tpu.memory_space<vmem>> -> memref<1x128x128xf32, #tpu.memory_space<vmem>>
      %dma_wait3A_59 = tpu.memref_squeeze %dma_wait3A_58 : memref<1x128x128xf32, #tpu.memory_space<vmem>> -> memref<128x128xf32, #tpu.memory_space<vmem>>
      %dma_wait3A_60 = arith.constant 0 : i32
      %dma_wait3A_61 = tpu.memref_slice %arg6[%add3A_26, %dma_wait3A_60] : memref<10240x128xf32, #tpu.memory_space<vmem_shared>> -> memref<128x128xf32, #tpu.memory_space<vmem_shared>>
      %dma_wait3A_62 = arith.constant 0 : i32
      %dma_wait3A_63 = tpu.memref_slice %arg6[%add3A_26, %dma_wait3A_62] : memref<10240x128xf32, #tpu.memory_space<vmem_shared>> -> memref<128x128xf32, #tpu.memory_space<vmem_shared>>
      %dma_wait3A_64 = arith.constant 0 : i32
      %dma_wait3A_65 = arith.constant 0 : i32
      %dma_wait3A_66 = tpu.memref_slice %arg9[%run_scoped3A_27, %dma_wait3A_64, %dma_wait3A_65] : memref<2x128x128xf32, #tpu.memory_space<vmem>> -> memref<1x128x128xf32, #tpu.memory_space<vmem>>
      %dma_wait3A_67 = tpu.memref_squeeze %dma_wait3A_66 : memref<1x128x128xf32, #tpu.memory_space<vmem>> -> memref<128x128xf32, #tpu.memory_space<vmem>>
      tpu.wait_dma2 semaphore(%run_scoped3A_45 : memref<!tpu.dma_semaphore, #tpu.memory_space<semaphore_mem>>) src(%dma_wait3A_67 : memref<128x128xf32, #tpu.memory_space<vmem>>) dst(%dma_wait3A_63 : memref<128x128xf32, #tpu.memory_space<vmem_shared>>)
      tpu.yield
    }) : () -> ()
    %mul3A_28 = arith.constant 640 : i32
    %mul3A_29 = arith.muli %arg1, %mul3A_28 : i32
    %add3A_30 = arith.constant 512 : i32
    %add3A_31 = arith.addi %mul3A_29, %add3A_30 : i32
    %run_scoped3A_32 = arith.constant 0 : i32
    "tpu.region"() ({
      %run_scoped3A_45 = tpu.sem_alloc : memref<!tpu.dma_semaphore, #tpu.memory_space<semaphore_mem>>
      %dma_start3A = arith.constant 0 : i32
      %dma_start3A_46 = arith.constant 0 : i32
      %dma_start3A_47 = tpu.memref_slice %arg9[%run_scoped3A_32, %dma_start3A, %dma_start3A_46] : memref<2x128x128xf32, #tpu.memory_space<vmem>> -> memref<1x128x128xf32, #tpu.memory_space<vmem>>
      %dma_start3A_48 = tpu.memref_squeeze %dma_start3A_47 : memref<1x128x128xf32, #tpu.memory_space<vmem>> -> memref<128x128xf32, #tpu.memory_space<vmem>>
      %dma_start3A_49 = arith.constant 0 : i32
      %dma_start3A_50 = tpu.memref_slice %arg6[%add3A_31, %dma_start3A_49] : memref<10240x128xf32, #tpu.memory_space<vmem_shared>> -> memref<128x128xf32, #tpu.memory_space<vmem_shared>>
      %dma_start3A_51 = arith.constant 0 : i32
      %dma_start3A_52 = tpu.memref_slice %arg6[%add3A_31, %dma_start3A_51] : memref<10240x128xf32, #tpu.memory_space<vmem_shared>> -> memref<128x128xf32, #tpu.memory_space<vmem_shared>>
      %dma_start3A_53 = arith.constant 0 : i32
      %dma_start3A_54 = arith.constant 0 : i32
      %dma_start3A_55 = tpu.memref_slice %arg9[%run_scoped3A_32, %dma_start3A_53, %dma_start3A_54] : memref<2x128x128xf32, #tpu.memory_space<vmem>> -> memref<1x128x128xf32, #tpu.memory_space<vmem>>
      %dma_start3A_56 = tpu.memref_squeeze %dma_start3A_55 : memref<1x128x128xf32, #tpu.memory_space<vmem>> -> memref<128x128xf32, #tpu.memory_space<vmem>>
      tpu.enqueue_dma source(%dma_start3A_56 : memref<128x128xf32, #tpu.memory_space<vmem>>) target(%dma_start3A_52 : memref<128x128xf32, #tpu.memory_space<vmem_shared>>) target_semaphore(%run_scoped3A_45 : memref<!tpu.dma_semaphore, #tpu.memory_space<semaphore_mem>>)
      %dma_wait3A = arith.constant 0 : i32
      %dma_wait3A_57 = arith.constant 0 : i32
      %dma_wait3A_58 = tpu.memref_slice %arg9[%run_scoped3A_32, %dma_wait3A, %dma_wait3A_57] : memref<2x128x128xf32, #tpu.memory_space<vmem>> -> memref<1x128x128xf32, #tpu.memory_space<vmem>>
      %dma_wait3A_59 = tpu.memref_squeeze %dma_wait3A_58 : memref<1x128x128xf32, #tpu.memory_space<vmem>> -> memref<128x128xf32, #tpu.memory_space<vmem>>
      %dma_wait3A_60 = arith.constant 0 : i32
      %dma_wait3A_61 = tpu.memref_slice %arg6[%add3A_31, %dma_wait3A_60] : memref<10240x128xf32, #tpu.memory_space<vmem_shared>> -> memref<128x128xf32, #tpu.memory_space<vmem_shared>>
      %dma_wait3A_62 = arith.constant 0 : i32
      %dma_wait3A_63 = tpu.memref_slice %arg6[%add3A_31, %dma_wait3A_62] : memref<10240x128xf32, #tpu.memory_space<vmem_shared>> -> memref<128x128xf32, #tpu.memory_space<vmem_shared>>
      %dma_wait3A_64 = arith.constant 0 : i32
      %dma_wait3A_65 = arith.constant 0 : i32
      %dma_wait3A_66 = tpu.memref_slice %arg9[%run_scoped3A_32, %dma_wait3A_64, %dma_wait3A_65] : memref<2x128x128xf32, #tpu.memory_space<vmem>> -> memref<1x128x128xf32, #tpu.memory_space<vmem>>
      %dma_wait3A_67 = tpu.memref_squeeze %dma_wait3A_66 : memref<1x128x128xf32, #tpu.memory_space<vmem>> -> memref<128x128xf32, #tpu.memory_space<vmem>>
      tpu.wait_dma2 semaphore(%run_scoped3A_45 : memref<!tpu.dma_semaphore, #tpu.memory_space<semaphore_mem>>) src(%dma_wait3A_67 : memref<128x128xf32, #tpu.memory_space<vmem>>) dst(%dma_wait3A_63 : memref<128x128xf32, #tpu.memory_space<vmem_shared>>)
      tpu.yield
    }) : () -> ()
    %barrier3A = arith.constant 0 : index
    tpu.barrier barrier_id(%barrier3A)
    %scan3A_33 = arith.constant 0 : i32
    %scan3A_34 = arith.constant 0 : i32
    %scan3A_35 = arith.constant 5 : i32
    %scan3A_36 = arith.addi %scan3A_34, %scan3A_35 : i32
    %scan3A_37 = arith.constant 1 : i32
    %scan3A_38 = scf.for %scan3A_45 = %scan3A_34 to %scan3A_36 step %scan3A_37 iter_args(%scan3A_46 = %scan3A_33) -> (i32)  : i32 {
      %mul3A_47 = arith.constant 80 : i32
      %mul3A_48 = arith.muli %add3A, %mul3A_47 : i32
      %mul3A_49 = arith.constant 16 : i32
      %mul3A_50 = arith.muli %scan3A_45, %mul3A_49 : i32
      %add3A_51 = arith.addi %mul3A_48, %mul3A_50 : i32
      "tpu.region"() ({
        %run_scoped3A_110 = tpu.sem_alloc : memref<!tpu.dma_semaphore, #tpu.memory_space<semaphore_mem>>
        %dma_start3A_111 = arith.constant 0 : i32
        %dma_start3A_112 = tpu.memref_slice %arg3[%add3A_51, %dma_start3A_111] : memref<2560x128xi32, #tpu.memory_space<hbm>> -> memref<16x128xi32, #tpu.memory_space<hbm>>
        %dma_start3A_113 = arith.constant 0 : i32
        %dma_start3A_114 = tpu.memref_slice %arg3[%add3A_51, %dma_start3A_113] : memref<2560x128xi32, #tpu.memory_space<hbm>> -> memref<16x128xi32, #tpu.memory_space<hbm>>
        tpu.enqueue_dma source(%dma_start3A_114 : memref<16x128xi32, #tpu.memory_space<hbm>>) target(%arg7 : memref<16x128xi32, #tpu.memory_space<vmem>>) target_semaphore(%run_scoped3A_110 : memref<!tpu.dma_semaphore, #tpu.memory_space<semaphore_mem>>)
        %dma_wait3A_115 = arith.constant 0 : i32
        %dma_wait3A_116 = tpu.memref_slice %arg3[%add3A_51, %dma_wait3A_115] : memref<2560x128xi32, #tpu.memory_space<hbm>> -> memref<16x128xi32, #tpu.memory_space<hbm>>
        %dma_wait3A_117 = arith.constant 0 : i32
        %dma_wait3A_118 = tpu.memref_slice %arg3[%add3A_51, %dma_wait3A_117] : memref<2560x128xi32, #tpu.memory_space<hbm>> -> memref<16x128xi32, #tpu.memory_space<hbm>>
        tpu.wait_dma2 semaphore(%run_scoped3A_110 : memref<!tpu.dma_semaphore, #tpu.memory_space<semaphore_mem>>) src(%dma_wait3A_118 : memref<16x128xi32, #tpu.memory_space<hbm>>) dst(%arg7 : memref<16x128xi32, #tpu.memory_space<vmem>>)
        tpu.yield
      }) : () -> ()
      "tpu.region"() ({
        %run_scoped3A_110 = tpu.sem_alloc : memref<!tpu.dma_semaphore, #tpu.memory_space<semaphore_mem>>
        %dma_start3A_111 = arith.constant 0 : i32
        %dma_start3A_112 = tpu.memref_slice %arg4[%add3A_51, %dma_start3A_111] : memref<2560x128xi32, #tpu.memory_space<hbm>> -> memref<16x128xi32, #tpu.memory_space<hbm>>
        %dma_start3A_113 = arith.constant 0 : i32
        %dma_start3A_114 = tpu.memref_slice %arg4[%add3A_51, %dma_start3A_113] : memref<2560x128xi32, #tpu.memory_space<hbm>> -> memref<16x128xi32, #tpu.memory_space<hbm>>
        tpu.enqueue_dma source(%dma_start3A_114 : memref<16x128xi32, #tpu.memory_space<hbm>>) target(%arg8 : memref<16x128xi32, #tpu.memory_space<vmem>>) target_semaphore(%run_scoped3A_110 : memref<!tpu.dma_semaphore, #tpu.memory_space<semaphore_mem>>)
        %dma_wait3A_115 = arith.constant 0 : i32
        %dma_wait3A_116 = tpu.memref_slice %arg4[%add3A_51, %dma_wait3A_115] : memref<2560x128xi32, #tpu.memory_space<hbm>> -> memref<16x128xi32, #tpu.memory_space<hbm>>
        %dma_wait3A_117 = arith.constant 0 : i32
        %dma_wait3A_118 = tpu.memref_slice %arg4[%add3A_51, %dma_wait3A_117] : memref<2560x128xi32, #tpu.memory_space<hbm>> -> memref<16x128xi32, #tpu.memory_space<hbm>>
        tpu.wait_dma2 semaphore(%run_scoped3A_110 : memref<!tpu.dma_semaphore, #tpu.memory_space<semaphore_mem>>) src(%dma_wait3A_118 : memref<16x128xi32, #tpu.memory_space<hbm>>) dst(%arg8 : memref<16x128xi32, #tpu.memory_space<vmem>>)
        tpu.yield
      }) : () -> ()
      %dma_start3A = arith.constant 0 : i32
      %dma_start3A_52 = arith.constant 0 : i32
      %dma_start3A_53 = arith.constant 0 : i32
      %dma_start3A_54 = arith.constant 0 : i32
      %dma_start3A_55 = tpu.memref_slice %arg9[%dma_start3A_52, %dma_start3A_53, %dma_start3A_54] : memref<2x128x128xf32, #tpu.memory_space<vmem>> -> memref<1x128x128xf32, #tpu.memory_space<vmem>>
      %dma_start3A_56 = tpu.memref_squeeze %dma_start3A_55 : memref<1x128x128xf32, #tpu.memory_space<vmem>> -> memref<128x128xf32, #tpu.memory_space<vmem>>
      %dma_start3A_57 = arith.constant 0 : i32
      %dma_start3A_58 = tpu.memref_slice %arg7[%dma_start3A, %dma_start3A_57] : memref<16x128xi32, #tpu.memory_space<vmem>> -> memref<1x128xi32, #tpu.memory_space<vmem>>
      %dma_start3A_59 = tpu.memref_squeeze %dma_start3A_58 : memref<1x128xi32, #tpu.memory_space<vmem>> -> memref<128xi32, #tpu.memory_space<vmem>>
      %dma_start3A_60 = arith.constant 0 : i32
      %dma_start3A_61 = arith.constant 0 : i32
      %dma_start3A_62 = tpu.memref_slice %arg2[%dma_start3A_60, %dma_start3A_61] : memref<10000x128xf32, #tpu.memory_space<hbm>> -> memref<10000x128xf32, #tpu.memory_space<hbm>>
      tpu.enqueue_indirect_dma source(%dma_start3A_62 : memref<10000x128xf32, #tpu.memory_space<hbm>>) target(%dma_start3A_56 : memref<128x128xf32, #tpu.memory_space<vmem>>) offsets(%dma_start3A_59 : memref<128xi32, #tpu.memory_space<vmem>>) semaphore(%arg10 : memref<!tpu.dma_semaphore, #tpu.memory_space<semaphore_mem>>)
      %scan3A_63 = arith.constant 0 : i32
      %scan3A_64 = arith.constant 0 : i32
      %scan3A_65 = arith.constant 7 : i32
      %scan3A_66 = arith.addi %scan3A_64, %scan3A_65 : i32
      %scan3A_67 = arith.constant 1 : i32
      %scan3A_68 = scf.for %scan3A_110 = %scan3A_64 to %scan3A_66 step %scan3A_67 iter_args(%scan3A_111 = %scan3A_63) -> (i32)  : i32 {
        %mul3A_112 = arith.constant 2 : i32
        %mul3A_113 = arith.muli %mul3A_112, %scan3A_110 : i32
        %add3A_114 = arith.constant 0 : i32
        %add3A_115 = arith.addi %mul3A_113, %add3A_114 : i32
        %add3A_116 = arith.constant 1 : i32
        %add3A_117 = arith.addi %add3A_115, %add3A_116 : i32
        %dma_start3A_118 = arith.constant 1 : i32
        %dma_start3A_119 = arith.constant 0 : i32
        %dma_start3A_120 = arith.constant 0 : i32
        %dma_start3A_121 = tpu.memref_slice %arg9[%dma_start3A_118, %dma_start3A_119, %dma_start3A_120] : memref<2x128x128xf32, #tpu.memory_space<vmem>> -> memref<1x128x128xf32, #tpu.memory_space<vmem>>
        %dma_start3A_122 = tpu.memref_squeeze %dma_start3A_121 : memref<1x128x128xf32, #tpu.memory_space<vmem>> -> memref<128x128xf32, #tpu.memory_space<vmem>>
        %dma_start3A_123 = arith.constant 0 : i32
        %dma_start3A_124 = tpu.memref_slice %arg7[%add3A_117, %dma_start3A_123] : memref<16x128xi32, #tpu.memory_space<vmem>> -> memref<1x128xi32, #tpu.memory_space<vmem>>
        %dma_start3A_125 = tpu.memref_squeeze %dma_start3A_124 : memref<1x128xi32, #tpu.memory_space<vmem>> -> memref<128xi32, #tpu.memory_space<vmem>>
        %dma_start3A_126 = arith.constant 0 : i32
        %dma_start3A_127 = arith.constant 0 : i32
        %dma_start3A_128 = tpu.memref_slice %arg2[%dma_start3A_126, %dma_start3A_127] : memref<10000x128xf32, #tpu.memory_space<hbm>> -> memref<10000x128xf32, #tpu.memory_space<hbm>>
        tpu.enqueue_indirect_dma source(%dma_start3A_128 : memref<10000x128xf32, #tpu.memory_space<hbm>>) target(%dma_start3A_122 : memref<128x128xf32, #tpu.memory_space<vmem>>) offsets(%dma_start3A_125 : memref<128xi32, #tpu.memory_space<vmem>>) semaphore(%arg11 : memref<!tpu.dma_semaphore, #tpu.memory_space<semaphore_mem>>)
        %dma_wait3A_129 = arith.constant 0 : i32
        %dma_wait3A_130 = arith.constant 0 : i32
        %dma_wait3A_131 = arith.constant 0 : i32
        %dma_wait3A_132 = tpu.memref_slice %arg9[%dma_wait3A_129, %dma_wait3A_130, %dma_wait3A_131] : memref<2x128x128xf32, #tpu.memory_space<vmem>> -> memref<1x128x128xf32, #tpu.memory_space<vmem>>
        %dma_wait3A_133 = tpu.memref_squeeze %dma_wait3A_132 : memref<1x128x128xf32, #tpu.memory_space<vmem>> -> memref<128x128xf32, #tpu.memory_space<vmem>>
        %dma_wait3A_134 = arith.constant 0 : i32
        %dma_wait3A_135 = tpu.memref_slice %arg7[%add3A_115, %dma_wait3A_134] : memref<16x128xi32, #tpu.memory_space<vmem>> -> memref<1x128xi32, #tpu.memory_space<vmem>>
        %dma_wait3A_136 = tpu.memref_squeeze %dma_wait3A_135 : memref<1x128xi32, #tpu.memory_space<vmem>> -> memref<128xi32, #tpu.memory_space<vmem>>
        %dma_wait3A_137 = arith.constant 0 : i32
        %dma_wait3A_138 = arith.constant 0 : i32
        %dma_wait3A_139 = tpu.memref_slice %arg2[%dma_wait3A_137, %dma_wait3A_138] : memref<10000x128xf32, #tpu.memory_space<hbm>> -> memref<10000x128xf32, #tpu.memory_space<hbm>>
        tpu.wait_indirect_dma semaphore(%arg10 : memref<!tpu.dma_semaphore, #tpu.memory_space<semaphore_mem>>) src(%dma_wait3A_139 : memref<10000x128xf32, #tpu.memory_space<hbm>>) dst(%dma_wait3A_133 : memref<128x128xf32, #tpu.memory_space<vmem>>)
        %run_scoped3A_140 = arith.constant 0 : i32
        "tpu.region"() ({
          %run_scoped3A_171 = tpu.sem_alloc : memref<!tpu.dma_semaphore, #tpu.memory_space<semaphore_mem>>
          %dma_start3A_172 = arith.constant 0 : i32
          %dma_start3A_173 = arith.constant 0 : i32
          %dma_start3A_174 = tpu.memref_slice %arg9[%run_scoped3A_140, %dma_start3A_172, %dma_start3A_173] : memref<2x128x128xf32, #tpu.memory_space<vmem>> -> memref<1x128x128xf32, #tpu.memory_space<vmem>>
          %dma_start3A_175 = tpu.memref_squeeze %dma_start3A_174 : memref<1x128x128xf32, #tpu.memory_space<vmem>> -> memref<128x128xf32, #tpu.memory_space<vmem>>
          %dma_start3A_176 = arith.constant 0 : i32
          %dma_start3A_177 = tpu.memref_slice %arg8[%add3A_115, %dma_start3A_176] : memref<16x128xi32, #tpu.memory_space<vmem>> -> memref<1x128xi32, #tpu.memory_space<vmem>>
          %dma_start3A_178 = tpu.memref_squeeze %dma_start3A_177 : memref<1x128xi32, #tpu.memory_space<vmem>> -> memref<128xi32, #tpu.memory_space<vmem>>
          %dma_start3A_179 = arith.constant 0 : i32
          %dma_start3A_180 = arith.constant 0 : i32
          %dma_start3A_181 = tpu.memref_slice %arg6[%dma_start3A_179, %dma_start3A_180] : memref<10240x128xf32, #tpu.memory_space<vmem_shared>> -> memref<10240x128xf32, #tpu.memory_space<vmem_shared>>
          tpu.enqueue_indirect_dma source(%dma_start3A_175 : memref<128x128xf32, #tpu.memory_space<vmem>>) target(%dma_start3A_181 : memref<10240x128xf32, #tpu.memory_space<vmem_shared>>) offsets(%dma_start3A_178 : memref<128xi32, #tpu.memory_space<vmem>>) semaphore(%run_scoped3A_171 : memref<!tpu.dma_semaphore, #tpu.memory_space<semaphore_mem>>) {add = true}
          %dma_wait3A_182 = arith.constant 0 : i32
          %dma_wait3A_183 = arith.constant 0 : i32
          %dma_wait3A_184 = tpu.memref_slice %arg9[%run_scoped3A_140, %dma_wait3A_182, %dma_wait3A_183] : memref<2x128x128xf32, #tpu.memory_space<vmem>> -> memref<1x128x128xf32, #tpu.memory_space<vmem>>
          %dma_wait3A_185 = tpu.memref_squeeze %dma_wait3A_184 : memref<1x128x128xf32, #tpu.memory_space<vmem>> -> memref<128x128xf32, #tpu.memory_space<vmem>>
          %dma_wait3A_186 = arith.constant 0 : i32
          %dma_wait3A_187 = tpu.memref_slice %arg8[%add3A_115, %dma_wait3A_186] : memref<16x128xi32, #tpu.memory_space<vmem>> -> memref<1x128xi32, #tpu.memory_space<vmem>>
          %dma_wait3A_188 = tpu.memref_squeeze %dma_wait3A_187 : memref<1x128xi32, #tpu.memory_space<vmem>> -> memref<128xi32, #tpu.memory_space<vmem>>
          %dma_wait3A_189 = arith.constant 0 : i32
          %dma_wait3A_190 = arith.constant 0 : i32
          %dma_wait3A_191 = tpu.memref_slice %arg6[%dma_wait3A_189, %dma_wait3A_190] : memref<10240x128xf32, #tpu.memory_space<vmem_shared>> -> memref<10240x128xf32, #tpu.memory_space<vmem_shared>>
          tpu.wait_indirect_dma semaphore(%run_scoped3A_171 : memref<!tpu.dma_semaphore, #tpu.memory_space<semaphore_mem>>) src(%dma_wait3A_185 : memref<128x128xf32, #tpu.memory_space<vmem>>) dst(%dma_wait3A_191 : memref<10240x128xf32, #tpu.memory_space<vmem_shared>>)
          tpu.yield
        }) : () -> ()
        %mul3A_141 = arith.constant 2 : i32
        %mul3A_142 = arith.muli %mul3A_141, %scan3A_110 : i32
        %add3A_143 = arith.constant 1 : i32
        %add3A_144 = arith.addi %mul3A_142, %add3A_143 : i32
        %add3A_145 = arith.constant 1 : i32
        %add3A_146 = arith.addi %add3A_144, %add3A_145 : i32
        %dma_start3A_147 = arith.constant 0 : i32
        %dma_start3A_148 = arith.constant 0 : i32
        %dma_start3A_149 = arith.constant 0 : i32
        %dma_start3A_150 = tpu.memref_slice %arg9[%dma_start3A_147, %dma_start3A_148, %dma_start3A_149] : memref<2x128x128xf32, #tpu.memory_space<vmem>> -> memref<1x128x128xf32, #tpu.memory_space<vmem>>
        %dma_start3A_151 = tpu.memref_squeeze %dma_start3A_150 : memref<1x128x128xf32, #tpu.memory_space<vmem>> -> memref<128x128xf32, #tpu.memory_space<vmem>>
        %dma_start3A_152 = arith.constant 0 : i32
        %dma_start3A_153 = tpu.memref_slice %arg7[%add3A_146, %dma_start3A_152] : memref<16x128xi32, #tpu.memory_space<vmem>> -> memref<1x128xi32, #tpu.memory_space<vmem>>
        %dma_start3A_154 = tpu.memref_squeeze %dma_start3A_153 : memref<1x128xi32, #tpu.memory_space<vmem>> -> memref<128xi32, #tpu.memory_space<vmem>>
        %dma_start3A_155 = arith.constant 0 : i32
        %dma_start3A_156 = arith.constant 0 : i32
        %dma_start3A_157 = tpu.memref_slice %arg2[%dma_start3A_155, %dma_start3A_156] : memref<10000x128xf32, #tpu.memory_space<hbm>> -> memref<10000x128xf32, #tpu.memory_space<hbm>>
        tpu.enqueue_indirect_dma source(%dma_start3A_157 : memref<10000x128xf32, #tpu.memory_space<hbm>>) target(%dma_start3A_151 : memref<128x128xf32, #tpu.memory_space<vmem>>) offsets(%dma_start3A_154 : memref<128xi32, #tpu.memory_space<vmem>>) semaphore(%arg10 : memref<!tpu.dma_semaphore, #tpu.memory_space<semaphore_mem>>)
        %dma_wait3A_158 = arith.constant 1 : i32
        %dma_wait3A_159 = arith.constant 0 : i32
        %dma_wait3A_160 = arith.constant 0 : i32
        %dma_wait3A_161 = tpu.memref_slice %arg9[%dma_wait3A_158, %dma_wait3A_159, %dma_wait3A_160] : memref<2x128x128xf32, #tpu.memory_space<vmem>> -> memref<1x128x128xf32, #tpu.memory_space<vmem>>
        %dma_wait3A_162 = tpu.memref_squeeze %dma_wait3A_161 : memref<1x128x128xf32, #tpu.memory_space<vmem>> -> memref<128x128xf32, #tpu.memory_space<vmem>>
        %dma_wait3A_163 = arith.constant 0 : i32
        %dma_wait3A_164 = tpu.memref_slice %arg7[%add3A_144, %dma_wait3A_163] : memref<16x128xi32, #tpu.memory_space<vmem>> -> memref<1x128xi32, #tpu.memory_space<vmem>>
        %dma_wait3A_165 = tpu.memref_squeeze %dma_wait3A_164 : memref<1x128xi32, #tpu.memory_space<vmem>> -> memref<128xi32, #tpu.memory_space<vmem>>
        %dma_wait3A_166 = arith.constant 0 : i32
        %dma_wait3A_167 = arith.constant 0 : i32
        %dma_wait3A_168 = tpu.memref_slice %arg2[%dma_wait3A_166, %dma_wait3A_167] : memref<10000x128xf32, #tpu.memory_space<hbm>> -> memref<10000x128xf32, #tpu.memory_space<hbm>>
        tpu.wait_indirect_dma semaphore(%arg11 : memref<!tpu.dma_semaphore, #tpu.memory_space<semaphore_mem>>) src(%dma_wait3A_168 : memref<10000x128xf32, #tpu.memory_space<hbm>>) dst(%dma_wait3A_162 : memref<128x128xf32, #tpu.memory_space<vmem>>)
        %run_scoped3A_169 = arith.constant 1 : i32
        "tpu.region"() ({
          %run_scoped3A_171 = tpu.sem_alloc : memref<!tpu.dma_semaphore, #tpu.memory_space<semaphore_mem>>
          %dma_start3A_172 = arith.constant 0 : i32
          %dma_start3A_173 = arith.constant 0 : i32
          %dma_start3A_174 = tpu.memref_slice %arg9[%run_scoped3A_169, %dma_start3A_172, %dma_start3A_173] : memref<2x128x128xf32, #tpu.memory_space<vmem>> -> memref<1x128x128xf32, #tpu.memory_space<vmem>>
          %dma_start3A_175 = tpu.memref_squeeze %dma_start3A_174 : memref<1x128x128xf32, #tpu.memory_space<vmem>> -> memref<128x128xf32, #tpu.memory_space<vmem>>
          %dma_start3A_176 = arith.constant 0 : i32
          %dma_start3A_177 = tpu.memref_slice %arg8[%add3A_144, %dma_start3A_176] : memref<16x128xi32, #tpu.memory_space<vmem>> -> memref<1x128xi32, #tpu.memory_space<vmem>>
          %dma_start3A_178 = tpu.memref_squeeze %dma_start3A_177 : memref<1x128xi32, #tpu.memory_space<vmem>> -> memref<128xi32, #tpu.memory_space<vmem>>
          %dma_start3A_179 = arith.constant 0 : i32
          %dma_start3A_180 = arith.constant 0 : i32
          %dma_start3A_181 = tpu.memref_slice %arg6[%dma_start3A_179, %dma_start3A_180] : memref<10240x128xf32, #tpu.memory_space<vmem_shared>> -> memref<10240x128xf32, #tpu.memory_space<vmem_shared>>
          tpu.enqueue_indirect_dma source(%dma_start3A_175 : memref<128x128xf32, #tpu.memory_space<vmem>>) target(%dma_start3A_181 : memref<10240x128xf32, #tpu.memory_space<vmem_shared>>) offsets(%dma_start3A_178 : memref<128xi32, #tpu.memory_space<vmem>>) semaphore(%run_scoped3A_171 : memref<!tpu.dma_semaphore, #tpu.memory_space<semaphore_mem>>) {add = true}
          %dma_wait3A_182 = arith.constant 0 : i32
          %dma_wait3A_183 = arith.constant 0 : i32
          %dma_wait3A_184 = tpu.memref_slice %arg9[%run_scoped3A_169, %dma_wait3A_182, %dma_wait3A_183] : memref<2x128x128xf32, #tpu.memory_space<vmem>> -> memref<1x128x128xf32, #tpu.memory_space<vmem>>
          %dma_wait3A_185 = tpu.memref_squeeze %dma_wait3A_184 : memref<1x128x128xf32, #tpu.memory_space<vmem>> -> memref<128x128xf32, #tpu.memory_space<vmem>>
          %dma_wait3A_186 = arith.constant 0 : i32
          %dma_wait3A_187 = tpu.memref_slice %arg8[%add3A_144, %dma_wait3A_186] : memref<16x128xi32, #tpu.memory_space<vmem>> -> memref<1x128xi32, #tpu.memory_space<vmem>>
          %dma_wait3A_188 = tpu.memref_squeeze %dma_wait3A_187 : memref<1x128xi32, #tpu.memory_space<vmem>> -> memref<128xi32, #tpu.memory_space<vmem>>
          %dma_wait3A_189 = arith.constant 0 : i32
          %dma_wait3A_190 = arith.constant 0 : i32
          %dma_wait3A_191 = tpu.memref_slice %arg6[%dma_wait3A_189, %dma_wait3A_190] : memref<10240x128xf32, #tpu.memory_space<vmem_shared>> -> memref<10240x128xf32, #tpu.memory_space<vmem_shared>>
          tpu.wait_indirect_dma semaphore(%run_scoped3A_171 : memref<!tpu.dma_semaphore, #tpu.memory_space<semaphore_mem>>) src(%dma_wait3A_185 : memref<128x128xf32, #tpu.memory_space<vmem>>) dst(%dma_wait3A_191 : memref<10240x128xf32, #tpu.memory_space<vmem_shared>>)
          tpu.yield
        }) : () -> ()
        %scan3A_170 = arith.constant 0 : i32
        scf.yield %scan3A_170 : i32
      }
      %scan3A_69 = arith.constant 7 : i32
      %dma_start3A_70 = arith.constant 15 : i32
      %dma_start3A_71 = arith.constant 1 : i32
      %dma_start3A_72 = arith.constant 0 : i32
      %dma_start3A_73 = arith.constant 0 : i32
      %dma_start3A_74 = tpu.memref_slice %arg9[%dma_start3A_71, %dma_start3A_72, %dma_start3A_73] : memref<2x128x128xf32, #tpu.memory_space<vmem>> -> memref<1x128x128xf32, #tpu.memory_space<vmem>>
      %dma_start3A_75 = tpu.memref_squeeze %dma_start3A_74 : memref<1x128x128xf32, #tpu.memory_space<vmem>> -> memref<128x128xf32, #tpu.memory_space<vmem>>
      %dma_start3A_76 = arith.constant 0 : i32
      %dma_start3A_77 = tpu.memref_slice %arg7[%dma_start3A_70, %dma_start3A_76] : memref<16x128xi32, #tpu.memory_space<vmem>> -> memref<1x128xi32, #tpu.memory_space<vmem>>
      %dma_start3A_78 = tpu.memref_squeeze %dma_start3A_77 : memref<1x128xi32, #tpu.memory_space<vmem>> -> memref<128xi32, #tpu.memory_space<vmem>>
      %dma_start3A_79 = arith.constant 0 : i32
      %dma_start3A_80 = arith.constant 0 : i32
      %dma_start3A_81 = tpu.memref_slice %arg2[%dma_start3A_79, %dma_start3A_80] : memref<10000x128xf32, #tpu.memory_space<hbm>> -> memref<10000x128xf32, #tpu.memory_space<hbm>>
      tpu.enqueue_indirect_dma source(%dma_start3A_81 : memref<10000x128xf32, #tpu.memory_space<hbm>>) target(%dma_start3A_75 : memref<128x128xf32, #tpu.memory_space<vmem>>) offsets(%dma_start3A_78 : memref<128xi32, #tpu.memory_space<vmem>>) semaphore(%arg11 : memref<!tpu.dma_semaphore, #tpu.memory_space<semaphore_mem>>)
      %dma_wait3A = arith.constant 14 : i32
      %dma_wait3A_82 = arith.constant 0 : i32
      %dma_wait3A_83 = arith.constant 0 : i32
      %dma_wait3A_84 = arith.constant 0 : i32
      %dma_wait3A_85 = tpu.memref_slice %arg9[%dma_wait3A_82, %dma_wait3A_83, %dma_wait3A_84] : memref<2x128x128xf32, #tpu.memory_space<vmem>> -> memref<1x128x128xf32, #tpu.memory_space<vmem>>
      %dma_wait3A_86 = tpu.memref_squeeze %dma_wait3A_85 : memref<1x128x128xf32, #tpu.memory_space<vmem>> -> memref<128x128xf32, #tpu.memory_space<vmem>>
      %dma_wait3A_87 = arith.constant 0 : i32
      %dma_wait3A_88 = tpu.memref_slice %arg7[%dma_wait3A, %dma_wait3A_87] : memref<16x128xi32, #tpu.memory_space<vmem>> -> memref<1x128xi32, #tpu.memory_space<vmem>>
      %dma_wait3A_89 = tpu.memref_squeeze %dma_wait3A_88 : memref<1x128xi32, #tpu.memory_space<vmem>> -> memref<128xi32, #tpu.memory_space<vmem>>
      %dma_wait3A_90 = arith.constant 0 : i32
      %dma_wait3A_91 = arith.constant 0 : i32
      %dma_wait3A_92 = tpu.memref_slice %arg2[%dma_wait3A_90, %dma_wait3A_91] : memref<10000x128xf32, #tpu.memory_space<hbm>> -> memref<10000x128xf32, #tpu.memory_space<hbm>>
      tpu.wait_indirect_dma semaphore(%arg10 : memref<!tpu.dma_semaphore, #tpu.memory_space<semaphore_mem>>) src(%dma_wait3A_92 : memref<10000x128xf32, #tpu.memory_space<hbm>>) dst(%dma_wait3A_86 : memref<128x128xf32, #tpu.memory_space<vmem>>)
      %run_scoped3A_93 = arith.constant 0 : i32
      %run_scoped3A_94 = arith.constant 14 : i32
      "tpu.region"() ({
        %run_scoped3A_110 = tpu.sem_alloc : memref<!tpu.dma_semaphore, #tpu.memory_space<semaphore_mem>>
        %dma_start3A_111 = arith.constant 0 : i32
        %dma_start3A_112 = arith.constant 0 : i32
        %dma_start3A_113 = tpu.memref_slice %arg9[%run_scoped3A_93, %dma_start3A_111, %dma_start3A_112] : memref<2x128x128xf32, #tpu.memory_space<vmem>> -> memref<1x128x128xf32, #tpu.memory_space<vmem>>
        %dma_start3A_114 = tpu.memref_squeeze %dma_start3A_113 : memref<1x128x128xf32, #tpu.memory_space<vmem>> -> memref<128x128xf32, #tpu.memory_space<vmem>>
        %dma_start3A_115 = arith.constant 0 : i32
        %dma_start3A_116 = tpu.memref_slice %arg8[%run_scoped3A_94, %dma_start3A_115] : memref<16x128xi32, #tpu.memory_space<vmem>> -> memref<1x128xi32, #tpu.memory_space<vmem>>
        %dma_start3A_117 = tpu.memref_squeeze %dma_start3A_116 : memref<1x128xi32, #tpu.memory_space<vmem>> -> memref<128xi32, #tpu.memory_space<vmem>>
        %dma_start3A_118 = arith.constant 0 : i32
        %dma_start3A_119 = arith.constant 0 : i32
        %dma_start3A_120 = tpu.memref_slice %arg6[%dma_start3A_118, %dma_start3A_119] : memref<10240x128xf32, #tpu.memory_space<vmem_shared>> -> memref<10240x128xf32, #tpu.memory_space<vmem_shared>>
        tpu.enqueue_indirect_dma source(%dma_start3A_114 : memref<128x128xf32, #tpu.memory_space<vmem>>) target(%dma_start3A_120 : memref<10240x128xf32, #tpu.memory_space<vmem_shared>>) offsets(%dma_start3A_117 : memref<128xi32, #tpu.memory_space<vmem>>) semaphore(%run_scoped3A_110 : memref<!tpu.dma_semaphore, #tpu.memory_space<semaphore_mem>>) {add = true}
        %dma_wait3A_121 = arith.constant 0 : i32
        %dma_wait3A_122 = arith.constant 0 : i32
        %dma_wait3A_123 = tpu.memref_slice %arg9[%run_scoped3A_93, %dma_wait3A_121, %dma_wait3A_122] : memref<2x128x128xf32, #tpu.memory_space<vmem>> -> memref<1x128x128xf32, #tpu.memory_space<vmem>>
        %dma_wait3A_124 = tpu.memref_squeeze %dma_wait3A_123 : memref<1x128x128xf32, #tpu.memory_space<vmem>> -> memref<128x128xf32, #tpu.memory_space<vmem>>
        %dma_wait3A_125 = arith.constant 0 : i32
        %dma_wait3A_126 = tpu.memref_slice %arg8[%run_scoped3A_94, %dma_wait3A_125] : memref<16x128xi32, #tpu.memory_space<vmem>> -> memref<1x128xi32, #tpu.memory_space<vmem>>
        %dma_wait3A_127 = tpu.memref_squeeze %dma_wait3A_126 : memref<1x128xi32, #tpu.memory_space<vmem>> -> memref<128xi32, #tpu.memory_space<vmem>>
        %dma_wait3A_128 = arith.constant 0 : i32
        %dma_wait3A_129 = arith.constant 0 : i32
        %dma_wait3A_130 = tpu.memref_slice %arg6[%dma_wait3A_128, %dma_wait3A_129] : memref<10240x128xf32, #tpu.memory_space<vmem_shared>> -> memref<10240x128xf32, #tpu.memory_space<vmem_shared>>
        tpu.wait_indirect_dma semaphore(%run_scoped3A_110 : memref<!tpu.dma_semaphore, #tpu.memory_space<semaphore_mem>>) src(%dma_wait3A_124 : memref<128x128xf32, #tpu.memory_space<vmem>>) dst(%dma_wait3A_130 : memref<10240x128xf32, #tpu.memory_space<vmem_shared>>)
        tpu.yield
      }) : () -> ()
      %dma_wait3A_95 = arith.constant 15 : i32
      %dma_wait3A_96 = arith.constant 1 : i32
      %dma_wait3A_97 = arith.constant 0 : i32
      %dma_wait3A_98 = arith.constant 0 : i32
      %dma_wait3A_99 = tpu.memref_slice %arg9[%dma_wait3A_96, %dma_wait3A_97, %dma_wait3A_98] : memref<2x128x128xf32, #tpu.memory_space<vmem>> -> memref<1x128x128xf32, #tpu.memory_space<vmem>>
      %dma_wait3A_100 = tpu.memref_squeeze %dma_wait3A_99 : memref<1x128x128xf32, #tpu.memory_space<vmem>> -> memref<128x128xf32, #tpu.memory_space<vmem>>
      %dma_wait3A_101 = arith.constant 0 : i32
      %dma_wait3A_102 = tpu.memref_slice %arg7[%dma_wait3A_95, %dma_wait3A_101] : memref<16x128xi32, #tpu.memory_space<vmem>> -> memref<1x128xi32, #tpu.memory_space<vmem>>
      %dma_wait3A_103 = tpu.memref_squeeze %dma_wait3A_102 : memref<1x128xi32, #tpu.memory_space<vmem>> -> memref<128xi32, #tpu.memory_space<vmem>>
      %dma_wait3A_104 = arith.constant 0 : i32
      %dma_wait3A_105 = arith.constant 0 : i32
      %dma_wait3A_106 = tpu.memref_slice %arg2[%dma_wait3A_104, %dma_wait3A_105] : memref<10000x128xf32, #tpu.memory_space<hbm>> -> memref<10000x128xf32, #tpu.memory_space<hbm>>
      tpu.wait_indirect_dma semaphore(%arg11 : memref<!tpu.dma_semaphore, #tpu.memory_space<semaphore_mem>>) src(%dma_wait3A_106 : memref<10000x128xf32, #tpu.memory_space<hbm>>) dst(%dma_wait3A_100 : memref<128x128xf32, #tpu.memory_space<vmem>>)
      %run_scoped3A_107 = arith.constant 1 : i32
      %run_scoped3A_108 = arith.constant 15 : i32
      "tpu.region"() ({
        %run_scoped3A_110 = tpu.sem_alloc : memref<!tpu.dma_semaphore, #tpu.memory_space<semaphore_mem>>
        %dma_start3A_111 = arith.constant 0 : i32
        %dma_start3A_112 = arith.constant 0 : i32
        %dma_start3A_113 = tpu.memref_slice %arg9[%run_scoped3A_107, %dma_start3A_111, %dma_start3A_112] : memref<2x128x128xf32, #tpu.memory_space<vmem>> -> memref<1x128x128xf32, #tpu.memory_space<vmem>>
        %dma_start3A_114 = tpu.memref_squeeze %dma_start3A_113 : memref<1x128x128xf32, #tpu.memory_space<vmem>> -> memref<128x128xf32, #tpu.memory_space<vmem>>
        %dma_start3A_115 = arith.constant 0 : i32
        %dma_start3A_116 = tpu.memref_slice %arg8[%run_scoped3A_108, %dma_start3A_115] : memref<16x128xi32, #tpu.memory_space<vmem>> -> memref<1x128xi32, #tpu.memory_space<vmem>>
        %dma_start3A_117 = tpu.memref_squeeze %dma_start3A_116 : memref<1x128xi32, #tpu.memory_space<vmem>> -> memref<128xi32, #tpu.memory_space<vmem>>
        %dma_start3A_118 = arith.constant 0 : i32
        %dma_start3A_119 = arith.constant 0 : i32
        %dma_start3A_120 = tpu.memref_slice %arg6[%dma_start3A_118, %dma_start3A_119] : memref<10240x128xf32, #tpu.memory_space<vmem_shared>> -> memref<10240x128xf32, #tpu.memory_space<vmem_shared>>
        tpu.enqueue_indirect_dma source(%dma_start3A_114 : memref<128x128xf32, #tpu.memory_space<vmem>>) target(%dma_start3A_120 : memref<10240x128xf32, #tpu.memory_space<vmem_shared>>) offsets(%dma_start3A_117 : memref<128xi32, #tpu.memory_space<vmem>>) semaphore(%run_scoped3A_110 : memref<!tpu.dma_semaphore, #tpu.memory_space<semaphore_mem>>) {add = true}
        %dma_wait3A_121 = arith.constant 0 : i32
        %dma_wait3A_122 = arith.constant 0 : i32
        %dma_wait3A_123 = tpu.memref_slice %arg9[%run_scoped3A_107, %dma_wait3A_121, %dma_wait3A_122] : memref<2x128x128xf32, #tpu.memory_space<vmem>> -> memref<1x128x128xf32, #tpu.memory_space<vmem>>
        %dma_wait3A_124 = tpu.memref_squeeze %dma_wait3A_123 : memref<1x128x128xf32, #tpu.memory_space<vmem>> -> memref<128x128xf32, #tpu.memory_space<vmem>>
        %dma_wait3A_125 = arith.constant 0 : i32
        %dma_wait3A_126 = tpu.memref_slice %arg8[%run_scoped3A_108, %dma_wait3A_125] : memref<16x128xi32, #tpu.memory_space<vmem>> -> memref<1x128xi32, #tpu.memory_space<vmem>>
        %dma_wait3A_127 = tpu.memref_squeeze %dma_wait3A_126 : memref<1x128xi32, #tpu.memory_space<vmem>> -> memref<128xi32, #tpu.memory_space<vmem>>
        %dma_wait3A_128 = arith.constant 0 : i32
        %dma_wait3A_129 = arith.constant 0 : i32
        %dma_wait3A_130 = tpu.memref_slice %arg6[%dma_wait3A_128, %dma_wait3A_129] : memref<10240x128xf32, #tpu.memory_space<vmem_shared>> -> memref<10240x128xf32, #tpu.memory_space<vmem_shared>>
        tpu.wait_indirect_dma semaphore(%run_scoped3A_110 : memref<!tpu.dma_semaphore, #tpu.memory_space<semaphore_mem>>) src(%dma_wait3A_124 : memref<128x128xf32, #tpu.memory_space<vmem>>) dst(%dma_wait3A_130 : memref<10240x128xf32, #tpu.memory_space<vmem_shared>>)
        tpu.yield
      }) : () -> ()
      %scan3A_109 = arith.constant 0 : i32
      scf.yield %scan3A_109 : i32
    }
    %scan3A_39 = arith.constant 5 : i32
    %barrier3A_40 = arith.constant 0 : index
    tpu.barrier barrier_id(%barrier3A_40)
    %mul3A_41 = arith.constant 640 : i32
    %mul3A_42 = arith.muli %arg1, %mul3A_41 : i32
    %mul3A_43 = arith.constant 640 : i32
    %mul3A_44 = arith.muli %arg1, %mul3A_43 : i32
    "tpu.region"() ({
      %run_scoped3A_45 = tpu.sem_alloc : memref<!tpu.dma_semaphore, #tpu.memory_space<semaphore_mem>>
      %dma_start3A = arith.constant 0 : i32
      %dma_start3A_46 = tpu.memref_slice %arg5[%arg0, %mul3A_44, %dma_start3A] : memref<2x10240x128xf32, #tpu.memory_space<hbm>> -> memref<1x640x128xf32, #tpu.memory_space<hbm>>
      %dma_start3A_47 = tpu.memref_squeeze %dma_start3A_46 : memref<1x640x128xf32, #tpu.memory_space<hbm>> -> memref<640x128xf32, #tpu.memory_space<hbm>>
      %dma_start3A_48 = arith.constant 0 : i32
      %dma_start3A_49 = tpu.memref_slice %arg6[%mul3A_42, %dma_start3A_48] : memref<10240x128xf32, #tpu.memory_space<vmem_shared>> -> memref<640x128xf32, #tpu.memory_space<vmem_shared>>
      tpu.enqueue_dma source(%dma_start3A_49 : memref<640x128xf32, #tpu.memory_space<vmem_shared>>) target(%dma_start3A_47 : memref<640x128xf32, #tpu.memory_space<hbm>>) target_semaphore(%run_scoped3A_45 : memref<!tpu.dma_semaphore, #tpu.memory_space<semaphore_mem>>)
      %dma_wait3A = arith.constant 0 : i32
      %dma_wait3A_50 = tpu.memref_slice %arg5[%arg0, %mul3A_44, %dma_wait3A] : memref<2x10240x128xf32, #tpu.memory_space<hbm>> -> memref<1x640x128xf32, #tpu.memory_space<hbm>>
      %dma_wait3A_51 = tpu.memref_squeeze %dma_wait3A_50 : memref<1x640x128xf32, #tpu.memory_space<hbm>> -> memref<640x128xf32, #tpu.memory_space<hbm>>
      %dma_wait3A_52 = arith.constant 0 : i32
      %dma_wait3A_53 = tpu.memref_slice %arg6[%mul3A_42, %dma_wait3A_52] : memref<10240x128xf32, #tpu.memory_space<vmem_shared>> -> memref<640x128xf32, #tpu.memory_space<vmem_shared>>
      tpu.wait_dma2 semaphore(%run_scoped3A_45 : memref<!tpu.dma_semaphore, #tpu.memory_space<semaphore_mem>>) src(%dma_wait3A_53 : memref<640x128xf32, #tpu.memory_space<vmem_shared>>) dst(%dma_wait3A_51 : memref<640x128xf32, #tpu.memory_space<hbm>>)
      tpu.yield
    }) : () -> ()
    return
  }
}

#map = affine_map<(d0, d1) -> (0, 0)>
#map1 = affine_map<(d0, d1) -> (0, 0, 0)>
module attributes {stable_mosaic.version = 14 : i64} {
  func.func @_sc_deg(%arg0: i32, %arg1: i32, %arg2: memref<2560x128xi32, #tpu.memory_space<hbm>>, %arg3: memref<2x10240x16xf32, #tpu.memory_space<hbm>>, %arg4: memref<10240x16xf32, #tpu.memory_space<vmem_shared>>, %arg5: memref<80x128xi32, #tpu.memory_space<vmem>>, %arg6: memref<128x16xf32, #tpu.memory_space<vmem>>, %arg7: memref<128x16xf32, #tpu.memory_space<vmem>>) attributes {dimension_semantics = [#tpu.dimension_semantics<core_parallel>, #tpu.dimension_semantics<subcore_parallel>], iteration_bounds = array<i64: 2, 16>, scalar_prefetch = 0 : i64, scratch_operands = 4 : i64, tpu.core_type = #tpu.core_type<sc_vector_subcore>, window_params = [{transform_indices = #map}, {transform_indices = #map1}]} {
    %mul3A = arith.constant 16 : i32
    %mul3A_0 = arith.muli %arg0, %mul3A : i32
    %add3A = arith.addi %mul3A_0, %arg1 : i32
    %scan3A = arith.constant 0 : i32
    %scan3A_1 = arith.constant 0 : i32
    %scan3A_2 = arith.constant 128 : i32
    %scan3A_3 = arith.addi %scan3A_1, %scan3A_2 : i32
    %scan3A_4 = arith.constant 1 : i32
    %scan3A_5 = scf.for %scan3A_41 = %scan3A_1 to %scan3A_3 step %scan3A_4 iter_args(%scan3A_42 = %scan3A) -> (i32)  : i32 {
      %broadcast_in_dim3A = arith.constant 6.250000e-02 : f32
      %broadcast_in_dim3A_43 = vector.broadcast %broadcast_in_dim3A : f32 to vector<16xf32>
      %swap3A = arith.index_cast %scan3A_41 : i32 to index
      %swap3A_44 = arith.constant 0 : index
      %swap3A_45 = tpu.vector_load %arg6[%swap3A, %swap3A_44] {strides = array<i32>} : memref<128x16xf32, #tpu.memory_space<vmem>>, vector<1x16xf32>,
      %swap3A_46 = vector.shape_cast %swap3A_45 : vector<1x16xf32> to vector<16xf32>
      %swap3A_47 = vector.shape_cast %broadcast_in_dim3A_43 : vector<16xf32> to vector<1x16xf32>
      tpu.vector_store %arg6[%swap3A, %swap3A_44], %swap3A_47 {strides = array<i32>} : memref<128x16xf32, #tpu.memory_space<vmem>>, vector<1x16xf32>,
      %broadcast_in_dim3A_48 = arith.constant 0.000000e+00 : f32
      %broadcast_in_dim3A_49 = vector.broadcast %broadcast_in_dim3A_48 : f32 to vector<16xf32>
      %swap3A_50 = arith.index_cast %scan3A_41 : i32 to index
      %swap3A_51 = arith.constant 0 : index
      %swap3A_52 = tpu.vector_load %arg7[%swap3A_50, %swap3A_51] {strides = array<i32>} : memref<128x16xf32, #tpu.memory_space<vmem>>, vector<1x16xf32>,
      %swap3A_53 = vector.shape_cast %swap3A_52 : vector<1x16xf32> to vector<16xf32>
      %swap3A_54 = vector.shape_cast %broadcast_in_dim3A_49 : vector<16xf32> to vector<1x16xf32>
      tpu.vector_store %arg7[%swap3A_50, %swap3A_51], %swap3A_54 {strides = array<i32>} : memref<128x16xf32, #tpu.memory_space<vmem>>, vector<1x16xf32>,
      %scan3A_55 = arith.constant 0 : i32
      scf.yield %scan3A_55 : i32
    }
    %scan3A_6 = arith.constant 128 : i32
    %mul3A_7 = arith.constant 640 : i32
    %mul3A_8 = arith.muli %arg1, %mul3A_7 : i32
    %add3A_9 = arith.constant 0 : i32
    %add3A_10 = arith.addi %mul3A_8, %add3A_9 : i32
    "tpu.region"() ({
      %run_scoped3A = tpu.sem_alloc : memref<!tpu.dma_semaphore, #tpu.memory_space<semaphore_mem>>
      %dma_start3A = arith.constant 0 : i32
      %dma_start3A_41 = tpu.memref_slice %arg4[%add3A_10, %dma_start3A] : memref<10240x16xf32, #tpu.memory_space<vmem_shared>> -> memref<128x16xf32, #tpu.memory_space<vmem_shared>>
      %dma_start3A_42 = arith.constant 0 : i32
      %dma_start3A_43 = tpu.memref_slice %arg4[%add3A_10, %dma_start3A_42] : memref<10240x16xf32, #tpu.memory_space<vmem_shared>> -> memref<128x16xf32, #tpu.memory_space<vmem_shared>>
      tpu.enqueue_dma source(%arg7 : memref<128x16xf32, #tpu.memory_space<vmem>>) target(%dma_start3A_43 : memref<128x16xf32, #tpu.memory_space<vmem_shared>>) target_semaphore(%run_scoped3A : memref<!tpu.dma_semaphore, #tpu.memory_space<semaphore_mem>>)
      %dma_wait3A = arith.constant 0 : i32
      %dma_wait3A_44 = tpu.memref_slice %arg4[%add3A_10, %dma_wait3A] : memref<10240x16xf32, #tpu.memory_space<vmem_shared>> -> memref<128x16xf32, #tpu.memory_space<vmem_shared>>
      %dma_wait3A_45 = arith.constant 0 : i32
      %dma_wait3A_46 = tpu.memref_slice %arg4[%add3A_10, %dma_wait3A_45] : memref<10240x16xf32, #tpu.memory_space<vmem_shared>> -> memref<128x16xf32, #tpu.memory_space<vmem_shared>>
      tpu.wait_dma2 semaphore(%run_scoped3A : memref<!tpu.dma_semaphore, #tpu.memory_space<semaphore_mem>>) src(%arg7 : memref<128x16xf32, #tpu.memory_space<vmem>>) dst(%dma_wait3A_46 : memref<128x16xf32, #tpu.memory_space<vmem_shared>>)
      tpu.yield
    }) : () -> ()
    %mul3A_11 = arith.constant 640 : i32
    %mul3A_12 = arith.muli %arg1, %mul3A_11 : i32
    %add3A_13 = arith.constant 128 : i32
    %add3A_14 = arith.addi %mul3A_12, %add3A_13 : i32
    "tpu.region"() ({
      %run_scoped3A = tpu.sem_alloc : memref<!tpu.dma_semaphore, #tpu.memory_space<semaphore_mem>>
      %dma_start3A = arith.constant 0 : i32
      %dma_start3A_41 = tpu.memref_slice %arg4[%add3A_14, %dma_start3A] : memref<10240x16xf32, #tpu.memory_space<vmem_shared>> -> memref<128x16xf32, #tpu.memory_space<vmem_shared>>
      %dma_start3A_42 = arith.constant 0 : i32
      %dma_start3A_43 = tpu.memref_slice %arg4[%add3A_14, %dma_start3A_42] : memref<10240x16xf32, #tpu.memory_space<vmem_shared>> -> memref<128x16xf32, #tpu.memory_space<vmem_shared>>
      tpu.enqueue_dma source(%arg7 : memref<128x16xf32, #tpu.memory_space<vmem>>) target(%dma_start3A_43 : memref<128x16xf32, #tpu.memory_space<vmem_shared>>) target_semaphore(%run_scoped3A : memref<!tpu.dma_semaphore, #tpu.memory_space<semaphore_mem>>)
      %dma_wait3A = arith.constant 0 : i32
      %dma_wait3A_44 = tpu.memref_slice %arg4[%add3A_14, %dma_wait3A] : memref<10240x16xf32, #tpu.memory_space<vmem_shared>> -> memref<128x16xf32, #tpu.memory_space<vmem_shared>>
      %dma_wait3A_45 = arith.constant 0 : i32
      %dma_wait3A_46 = tpu.memref_slice %arg4[%add3A_14, %dma_wait3A_45] : memref<10240x16xf32, #tpu.memory_space<vmem_shared>> -> memref<128x16xf32, #tpu.memory_space<vmem_shared>>
      tpu.wait_dma2 semaphore(%run_scoped3A : memref<!tpu.dma_semaphore, #tpu.memory_space<semaphore_mem>>) src(%arg7 : memref<128x16xf32, #tpu.memory_space<vmem>>) dst(%dma_wait3A_46 : memref<128x16xf32, #tpu.memory_space<vmem_shared>>)
      tpu.yield
    }) : () -> ()
    %mul3A_15 = arith.constant 640 : i32
    %mul3A_16 = arith.muli %arg1, %mul3A_15 : i32
    %add3A_17 = arith.constant 256 : i32
    %add3A_18 = arith.addi %mul3A_16, %add3A_17 : i32
    "tpu.region"() ({
      %run_scoped3A = tpu.sem_alloc : memref<!tpu.dma_semaphore, #tpu.memory_space<semaphore_mem>>
      %dma_start3A = arith.constant 0 : i32
      %dma_start3A_41 = tpu.memref_slice %arg4[%add3A_18, %dma_start3A] : memref<10240x16xf32, #tpu.memory_space<vmem_shared>> -> memref<128x16xf32, #tpu.memory_space<vmem_shared>>
      %dma_start3A_42 = arith.constant 0 : i32
      %dma_start3A_43 = tpu.memref_slice %arg4[%add3A_18, %dma_start3A_42] : memref<10240x16xf32, #tpu.memory_space<vmem_shared>> -> memref<128x16xf32, #tpu.memory_space<vmem_shared>>
      tpu.enqueue_dma source(%arg7 : memref<128x16xf32, #tpu.memory_space<vmem>>) target(%dma_start3A_43 : memref<128x16xf32, #tpu.memory_space<vmem_shared>>) target_semaphore(%run_scoped3A : memref<!tpu.dma_semaphore, #tpu.memory_space<semaphore_mem>>)
      %dma_wait3A = arith.constant 0 : i32
      %dma_wait3A_44 = tpu.memref_slice %arg4[%add3A_18, %dma_wait3A] : memref<10240x16xf32, #tpu.memory_space<vmem_shared>> -> memref<128x16xf32, #tpu.memory_space<vmem_shared>>
      %dma_wait3A_45 = arith.constant 0 : i32
      %dma_wait3A_46 = tpu.memref_slice %arg4[%add3A_18, %dma_wait3A_45] : memref<10240x16xf32, #tpu.memory_space<vmem_shared>> -> memref<128x16xf32, #tpu.memory_space<vmem_shared>>
      tpu.wait_dma2 semaphore(%run_scoped3A : memref<!tpu.dma_semaphore, #tpu.memory_space<semaphore_mem>>) src(%arg7 : memref<128x16xf32, #tpu.memory_space<vmem>>) dst(%dma_wait3A_46 : memref<128x16xf32, #tpu.memory_space<vmem_shared>>)
      tpu.yield
    }) : () -> ()
    %mul3A_19 = arith.constant 640 : i32
    %mul3A_20 = arith.muli %arg1, %mul3A_19 : i32
    %add3A_21 = arith.constant 384 : i32
    %add3A_22 = arith.addi %mul3A_20, %add3A_21 : i32
    "tpu.region"() ({
      %run_scoped3A = tpu.sem_alloc : memref<!tpu.dma_semaphore, #tpu.memory_space<semaphore_mem>>
      %dma_start3A = arith.constant 0 : i32
      %dma_start3A_41 = tpu.memref_slice %arg4[%add3A_22, %dma_start3A] : memref<10240x16xf32, #tpu.memory_space<vmem_shared>> -> memref<128x16xf32, #tpu.memory_space<vmem_shared>>
      %dma_start3A_42 = arith.constant 0 : i32
      %dma_start3A_43 = tpu.memref_slice %arg4[%add3A_22, %dma_start3A_42] : memref<10240x16xf32, #tpu.memory_space<vmem_shared>> -> memref<128x16xf32, #tpu.memory_space<vmem_shared>>
      tpu.enqueue_dma source(%arg7 : memref<128x16xf32, #tpu.memory_space<vmem>>) target(%dma_start3A_43 : memref<128x16xf32, #tpu.memory_space<vmem_shared>>) target_semaphore(%run_scoped3A : memref<!tpu.dma_semaphore, #tpu.memory_space<semaphore_mem>>)
      %dma_wait3A = arith.constant 0 : i32
      %dma_wait3A_44 = tpu.memref_slice %arg4[%add3A_22, %dma_wait3A] : memref<10240x16xf32, #tpu.memory_space<vmem_shared>> -> memref<128x16xf32, #tpu.memory_space<vmem_shared>>
      %dma_wait3A_45 = arith.constant 0 : i32
      %dma_wait3A_46 = tpu.memref_slice %arg4[%add3A_22, %dma_wait3A_45] : memref<10240x16xf32, #tpu.memory_space<vmem_shared>> -> memref<128x16xf32, #tpu.memory_space<vmem_shared>>
      tpu.wait_dma2 semaphore(%run_scoped3A : memref<!tpu.dma_semaphore, #tpu.memory_space<semaphore_mem>>) src(%arg7 : memref<128x16xf32, #tpu.memory_space<vmem>>) dst(%dma_wait3A_46 : memref<128x16xf32, #tpu.memory_space<vmem_shared>>)
      tpu.yield
    }) : () -> ()
    %mul3A_23 = arith.constant 640 : i32
    %mul3A_24 = arith.muli %arg1, %mul3A_23 : i32
    %add3A_25 = arith.constant 512 : i32
    %add3A_26 = arith.addi %mul3A_24, %add3A_25 : i32
    "tpu.region"() ({
      %run_scoped3A = tpu.sem_alloc : memref<!tpu.dma_semaphore, #tpu.memory_space<semaphore_mem>>
      %dma_start3A = arith.constant 0 : i32
      %dma_start3A_41 = tpu.memref_slice %arg4[%add3A_26, %dma_start3A] : memref<10240x16xf32, #tpu.memory_space<vmem_shared>> -> memref<128x16xf32, #tpu.memory_space<vmem_shared>>
      %dma_start3A_42 = arith.constant 0 : i32
      %dma_start3A_43 = tpu.memref_slice %arg4[%add3A_26, %dma_start3A_42] : memref<10240x16xf32, #tpu.memory_space<vmem_shared>> -> memref<128x16xf32, #tpu.memory_space<vmem_shared>>
      tpu.enqueue_dma source(%arg7 : memref<128x16xf32, #tpu.memory_space<vmem>>) target(%dma_start3A_43 : memref<128x16xf32, #tpu.memory_space<vmem_shared>>) target_semaphore(%run_scoped3A : memref<!tpu.dma_semaphore, #tpu.memory_space<semaphore_mem>>)
      %dma_wait3A = arith.constant 0 : i32
      %dma_wait3A_44 = tpu.memref_slice %arg4[%add3A_26, %dma_wait3A] : memref<10240x16xf32, #tpu.memory_space<vmem_shared>> -> memref<128x16xf32, #tpu.memory_space<vmem_shared>>
      %dma_wait3A_45 = arith.constant 0 : i32
      %dma_wait3A_46 = tpu.memref_slice %arg4[%add3A_26, %dma_wait3A_45] : memref<10240x16xf32, #tpu.memory_space<vmem_shared>> -> memref<128x16xf32, #tpu.memory_space<vmem_shared>>
      tpu.wait_dma2 semaphore(%run_scoped3A : memref<!tpu.dma_semaphore, #tpu.memory_space<semaphore_mem>>) src(%arg7 : memref<128x16xf32, #tpu.memory_space<vmem>>) dst(%dma_wait3A_46 : memref<128x16xf32, #tpu.memory_space<vmem_shared>>)
      tpu.yield
    }) : () -> ()
    %barrier3A = arith.constant 0 : index
    tpu.barrier barrier_id(%barrier3A)
    %mul3A_27 = arith.constant 80 : i32
    %mul3A_28 = arith.muli %add3A, %mul3A_27 : i32
    "tpu.region"() ({
      %run_scoped3A = tpu.sem_alloc : memref<!tpu.dma_semaphore, #tpu.memory_space<semaphore_mem>>
      %dma_start3A = arith.constant 0 : i32
      %dma_start3A_41 = tpu.memref_slice %arg2[%mul3A_28, %dma_start3A] : memref<2560x128xi32, #tpu.memory_space<hbm>> -> memref<80x128xi32, #tpu.memory_space<hbm>>
      %dma_start3A_42 = arith.constant 0 : i32
      %dma_start3A_43 = tpu.memref_slice %arg2[%mul3A_28, %dma_start3A_42] : memref<2560x128xi32, #tpu.memory_space<hbm>> -> memref<80x128xi32, #tpu.memory_space<hbm>>
      tpu.enqueue_dma source(%dma_start3A_43 : memref<80x128xi32, #tpu.memory_space<hbm>>) target(%arg5 : memref<80x128xi32, #tpu.memory_space<vmem>>) target_semaphore(%run_scoped3A : memref<!tpu.dma_semaphore, #tpu.memory_space<semaphore_mem>>)
      %dma_wait3A = arith.constant 0 : i32
      %dma_wait3A_44 = tpu.memref_slice %arg2[%mul3A_28, %dma_wait3A] : memref<2560x128xi32, #tpu.memory_space<hbm>> -> memref<80x128xi32, #tpu.memory_space<hbm>>
      %dma_wait3A_45 = arith.constant 0 : i32
      %dma_wait3A_46 = tpu.memref_slice %arg2[%mul3A_28, %dma_wait3A_45] : memref<2560x128xi32, #tpu.memory_space<hbm>> -> memref<80x128xi32, #tpu.memory_space<hbm>>
      tpu.wait_dma2 semaphore(%run_scoped3A : memref<!tpu.dma_semaphore, #tpu.memory_space<semaphore_mem>>) src(%dma_wait3A_46 : memref<80x128xi32, #tpu.memory_space<hbm>>) dst(%arg5 : memref<80x128xi32, #tpu.memory_space<vmem>>)
      tpu.yield
    }) : () -> ()
    %scan3A_29 = arith.constant 0 : i32
    %scan3A_30 = arith.constant 0 : i32
    %scan3A_31 = arith.constant 80 : i32
    %scan3A_32 = arith.addi %scan3A_30, %scan3A_31 : i32
    %scan3A_33 = arith.constant 1 : i32
    %scan3A_34 = scf.for %scan3A_41 = %scan3A_30 to %scan3A_32 step %scan3A_33 iter_args(%scan3A_42 = %scan3A_29) -> (i32)  : i32 {
      "tpu.region"() ({
        %run_scoped3A = tpu.sem_alloc : memref<!tpu.dma_semaphore, #tpu.memory_space<semaphore_mem>>
        %dma_start3A = arith.constant 0 : i32
        %dma_start3A_44 = tpu.memref_slice %arg5[%scan3A_41, %dma_start3A] : memref<80x128xi32, #tpu.memory_space<vmem>> -> memref<1x128xi32, #tpu.memory_space<vmem>>
        %dma_start3A_45 = tpu.memref_squeeze %dma_start3A_44 : memref<1x128xi32, #tpu.memory_space<vmem>> -> memref<128xi32, #tpu.memory_space<vmem>>
        %dma_start3A_46 = arith.constant 0 : i32
        %dma_start3A_47 = arith.constant 0 : i32
        %dma_start3A_48 = tpu.memref_slice %arg4[%dma_start3A_46, %dma_start3A_47] : memref<10240x16xf32, #tpu.memory_space<vmem_shared>> -> memref<10240x16xf32, #tpu.memory_space<vmem_shared>>
        tpu.enqueue_indirect_dma source(%arg6 : memref<128x16xf32, #tpu.memory_space<vmem>>) target(%dma_start3A_48 : memref<10240x16xf32, #tpu.memory_space<vmem_shared>>) offsets(%dma_start3A_45 : memref<128xi32, #tpu.memory_space<vmem>>) semaphore(%run_scoped3A : memref<!tpu.dma_semaphore, #tpu.memory_space<semaphore_mem>>) {add = true}
        %dma_wait3A = arith.constant 0 : i32
        %dma_wait3A_49 = tpu.memref_slice %arg5[%scan3A_41, %dma_wait3A] : memref<80x128xi32, #tpu.memory_space<vmem>> -> memref<1x128xi32, #tpu.memory_space<vmem>>
        %dma_wait3A_50 = tpu.memref_squeeze %dma_wait3A_49 : memref<1x128xi32, #tpu.memory_space<vmem>> -> memref<128xi32, #tpu.memory_space<vmem>>
        %dma_wait3A_51 = arith.constant 0 : i32
        %dma_wait3A_52 = arith.constant 0 : i32
        %dma_wait3A_53 = tpu.memref_slice %arg4[%dma_wait3A_51, %dma_wait3A_52] : memref<10240x16xf32, #tpu.memory_space<vmem_shared>> -> memref<10240x16xf32, #tpu.memory_space<vmem_shared>>
        tpu.wait_indirect_dma semaphore(%run_scoped3A : memref<!tpu.dma_semaphore, #tpu.memory_space<semaphore_mem>>) src(%arg6 : memref<128x16xf32, #tpu.memory_space<vmem>>) dst(%dma_wait3A_53 : memref<10240x16xf32, #tpu.memory_space<vmem_shared>>)
        tpu.yield
      }) : () -> ()
      %scan3A_43 = arith.constant 0 : i32
      scf.yield %scan3A_43 : i32
    }
    %scan3A_35 = arith.constant 80 : i32
    %barrier3A_36 = arith.constant 0 : index
    tpu.barrier barrier_id(%barrier3A_36)
    %mul3A_37 = arith.constant 640 : i32
    %mul3A_38 = arith.muli %arg1, %mul3A_37 : i32
    %mul3A_39 = arith.constant 640 : i32
    %mul3A_40 = arith.muli %arg1, %mul3A_39 : i32
    "tpu.region"() ({
      %run_scoped3A = tpu.sem_alloc : memref<!tpu.dma_semaphore, #tpu.memory_space<semaphore_mem>>
      %dma_start3A = arith.constant 0 : i32
      %dma_start3A_41 = tpu.memref_slice %arg3[%arg0, %mul3A_40, %dma_start3A] : memref<2x10240x16xf32, #tpu.memory_space<hbm>> -> memref<1x640x16xf32, #tpu.memory_space<hbm>>
      %dma_start3A_42 = tpu.memref_squeeze %dma_start3A_41 : memref<1x640x16xf32, #tpu.memory_space<hbm>> -> memref<640x16xf32, #tpu.memory_space<hbm>>
      %dma_start3A_43 = arith.constant 0 : i32
      %dma_start3A_44 = tpu.memref_slice %arg4[%mul3A_38, %dma_start3A_43] : memref<10240x16xf32, #tpu.memory_space<vmem_shared>> -> memref<640x16xf32, #tpu.memory_space<vmem_shared>>
      tpu.enqueue_dma source(%dma_start3A_44 : memref<640x16xf32, #tpu.memory_space<vmem_shared>>) target(%dma_start3A_42 : memref<640x16xf32, #tpu.memory_space<hbm>>) target_semaphore(%run_scoped3A : memref<!tpu.dma_semaphore, #tpu.memory_space<semaphore_mem>>)
      %dma_wait3A = arith.constant 0 : i32
      %dma_wait3A_45 = tpu.memref_slice %arg3[%arg0, %mul3A_40, %dma_wait3A] : memref<2x10240x16xf32, #tpu.memory_space<hbm>> -> memref<1x640x16xf32, #tpu.memory_space<hbm>>
      %dma_wait3A_46 = tpu.memref_squeeze %dma_wait3A_45 : memref<1x640x16xf32, #tpu.memory_space<hbm>> -> memref<640x16xf32, #tpu.memory_space<hbm>>
      %dma_wait3A_47 = arith.constant 0 : i32
      %dma_wait3A_48 = tpu.memref_slice %arg4[%mul3A_38, %dma_wait3A_47] : memref<10240x16xf32, #tpu.memory_space<vmem_shared>> -> memref<640x16xf32, #tpu.memory_space<vmem_shared>>
      tpu.wait_dma2 semaphore(%run_scoped3A : memref<!tpu.dma_semaphore, #tpu.memory_space<semaphore_mem>>) src(%dma_wait3A_48 : memref<640x16xf32, #tpu.memory_space<vmem_shared>>) dst(%dma_wait3A_46 : memref<640x16xf32, #tpu.memory_space<hbm>>)
      tpu.yield
    }) : () -> ()
    return
  }
}

module attributes {stable_mosaic.version = 14 : i64} {
  func.func @_tc_in_body(%arg0: i32, %arg1: memref<2000x128xf32, #tpu.memory_space<vmem>>, %arg2: memref<2x2000x16xf32, #tpu.memory_space<vmem>>, %arg3: memref<128x128xf32, #tpu.memory_space<vmem>>, %arg4: memref<2000x128xf32, #tpu.memory_space<vmem>>) attributes {dimension_semantics = [#tpu.dimension_semantics<arbitrary>], iteration_bounds = array<i64: 5>, scalar_prefetch = 0 : i64, scratch_operands = 0 : i64, tpu.core_type = #tpu.core_type<tc>, window_params = [{transform_indices = @transform_0, window_bounds = array<i64: 2000, 128>}, {transform_indices = @transform_1, window_bounds = array<i64: 2, 2000, 16>}, {pipeline_mode = #tpu.pipeline_mode<synchronous>, transform_indices = @transform_2, window_bounds = array<i64: 128, 128>}, {transform_indices = @transform_3, window_bounds = array<i64: 2000, 128>}]} {
    %get3A = arith.constant 0 : index
    %get3A_0 = arith.constant 0 : index
    %get3A_1 = vector.load %arg1[%get3A, %get3A_0] : memref<2000x128xf32, #tpu.memory_space<vmem>>, vector<2000x128xf32>
    %get3A_2 = arith.constant 0 : index
    %get3A_3 = arith.constant 0 : index
    %get3A_4 = vector.load %arg3[%get3A_2, %get3A_3] : memref<128x128xf32, #tpu.memory_space<vmem>>, vector<128x128xf32>
    %dot_general3A = arith.constant dense<0.000000e+00> : vector<2000x128xf32>
    %dot_general3A_5 = tpu.matmul %get3A_1, %get3A_4, %dot_general3A {dimension_numbers = #tpu.dot_dimension_numbers<[1], [0], [0], [1], [0, 0, 1, 1], [], []>, transpose_lhs_hint = false} : vector<2000x128xf32>, vector<128x128xf32>, vector<2000x128xf32> -> vector<2000x128xf32>
    %get3A_6 = arith.constant 0 : index
    %get3A_7 = arith.constant 0 : index
    %get3A_8 = arith.constant 0 : index
    %get3A_9 = vector.load %arg2[%get3A_6, %get3A_7, %get3A_8] : memref<2x2000x16xf32, #tpu.memory_space<vmem>>, vector<1x2000x16xf32>
    %get3A_10 = vector.shape_cast %get3A_9 : vector<1x2000x16xf32> to vector<2000x16xf32>
    %get3A_11 = arith.constant 1 : index
    %get3A_12 = arith.constant 0 : index
    %get3A_13 = arith.constant 0 : index
    %get3A_14 = vector.load %arg2[%get3A_11, %get3A_12, %get3A_13] : memref<2x2000x16xf32, #tpu.memory_space<vmem>>, vector<1x2000x16xf32>
    %get3A_15 = vector.shape_cast %get3A_14 : vector<1x2000x16xf32> to vector<2000x16xf32>
    %add3A = arith.addf %get3A_10, %get3A_15 : vector<2000x16xf32>
    %reduce_sum3A = arith.constant dense<0.000000e+00> : vector<2000xf32>
    %reduce_sum3A_16 = vector.multi_reduction <add>, %add3A, %reduce_sum3A [1] : vector<2000x16xf32> to vector<2000xf32>
    %add3A_17 = arith.constant 1.000000e+00 : f32
    %add3A_18 = vector.broadcast %add3A_17 : f32 to vector<2000xf32>
    %add3A_19 = arith.addf %add3A_18, %reduce_sum3A_16 : vector<2000xf32>
    %rsqrt3A = math.rsqrt %add3A_19 : vector<2000xf32>
    %broadcast_in_dim3A = vector.shape_cast %rsqrt3A : vector<2000xf32> to vector<2000x1xf32>
    %mul3A = vector.broadcast %broadcast_in_dim3A : vector<2000x1xf32> to vector<2000x128xf32>
    %mul3A_20 = arith.mulf %dot_general3A_5, %mul3A : vector<2000x128xf32>
    %swap3A = arith.constant 0 : index
    %swap3A_21 = arith.constant 0 : index
    %swap3A_22 = vector.load %arg4[%swap3A, %swap3A_21] : memref<2000x128xf32, #tpu.memory_space<vmem>>, vector<2000x128xf32>
    tpu.vector_store %arg4[%swap3A, %swap3A_21], %mul3A_20 {strides = array<i32>} : memref<2000x128xf32, #tpu.memory_space<vmem>>, vector<2000x128xf32>,
    return
  }
  func.func @transform_0(%arg0: i32) -> (i32, i32) {
    %c0_i32 = arith.constant 0 : i32
    %c0_i32_0 = arith.constant 0 : i32
    return %arg0, %c0_i32 : i32, i32
  }
  func.func @transform_1(%arg0: i32) -> (i32, i32, i32) {
    %c0_i32 = arith.constant 0 : i32
    %c0_i32_0 = arith.constant 0 : i32
    %c0_i32_1 = arith.constant 0 : i32
    return %c0_i32, %arg0, %c0_i32_0 : i32, i32, i32
  }
  func.func @transform_2(%arg0: i32) -> (i32, i32) {
    %c0_i32 = arith.constant 0 : i32
    %c0_i32_0 = arith.constant 0 : i32
    %c0_i32_1 = arith.constant 0 : i32
    return %c0_i32, %c0_i32_0 : i32, i32
  }
  func.func @transform_3(%arg0: i32) -> (i32, i32) {
    %c0_i32 = arith.constant 0 : i32
    %c0_i32_0 = arith.constant 0 : i32
    return %arg0, %c0_i32 : i32, i32
  }
}

module attributes {stable_mosaic.version = 14 : i64} {
  func.func @_tc_mid_body(%arg0: i32, %arg1: memref<2x2000x128xf32, #tpu.memory_space<vmem>>, %arg2: memref<2000x128xf32, #tpu.memory_space<vmem>>, %arg3: memref<2x2000x16xf32, #tpu.memory_space<vmem>>, %arg4: memref<1x128xf32, #tpu.memory_space<vmem>>, %arg5: memref<128x128xf32, #tpu.memory_space<vmem>>, %arg6: memref<2000x128xf32, #tpu.memory_space<vmem>>) attributes {dimension_semantics = [#tpu.dimension_semantics<arbitrary>], iteration_bounds = array<i64: 5>, scalar_prefetch = 0 : i64, scratch_operands = 0 : i64, tpu.core_type = #tpu.core_type<tc>, window_params = [{transform_indices = @transform_0, window_bounds = array<i64: 2, 2000, 128>}, {transform_indices = @transform_1, window_bounds = array<i64: 2000, 128>}, {transform_indices = @transform_2, window_bounds = array<i64: 2, 2000, 16>}, {pipeline_mode = #tpu.pipeline_mode<synchronous>, transform_indices = @transform_3, window_bounds = array<i64: 1, 128>}, {pipeline_mode = #tpu.pipeline_mode<synchronous>, transform_indices = @transform_4, window_bounds = array<i64: 128, 128>}, {transform_indices = @transform_5, window_bounds = array<i64: 2000, 128>}]} {
    %get3A = arith.constant 0 : index
    %get3A_0 = arith.constant 0 : index
    %get3A_1 = arith.constant 0 : index
    %get3A_2 = vector.load %arg3[%get3A, %get3A_0, %get3A_1] : memref<2x2000x16xf32, #tpu.memory_space<vmem>>, vector<1x2000x16xf32>
    %get3A_3 = vector.shape_cast %get3A_2 : vector<1x2000x16xf32> to vector<2000x16xf32>
    %get3A_4 = arith.constant 1 : index
    %get3A_5 = arith.constant 0 : index
    %get3A_6 = arith.constant 0 : index
    %get3A_7 = vector.load %arg3[%get3A_4, %get3A_5, %get3A_6] : memref<2x2000x16xf32, #tpu.memory_space<vmem>>, vector<1x2000x16xf32>
    %get3A_8 = vector.shape_cast %get3A_7 : vector<1x2000x16xf32> to vector<2000x16xf32>
    %add3A = arith.addf %get3A_3, %get3A_8 : vector<2000x16xf32>
    %reduce_sum3A = arith.constant dense<0.000000e+00> : vector<2000xf32>
    %reduce_sum3A_9 = vector.multi_reduction <add>, %add3A, %reduce_sum3A [1] : vector<2000x16xf32> to vector<2000xf32>
    %add3A_10 = arith.constant 1.000000e+00 : f32
    %add3A_11 = vector.broadcast %add3A_10 : f32 to vector<2000xf32>
    %add3A_12 = arith.addf %add3A_11, %reduce_sum3A_9 : vector<2000xf32>
    %rsqrt3A = math.rsqrt %add3A_12 : vector<2000xf32>
    %broadcast_in_dim3A = vector.shape_cast %rsqrt3A : vector<2000xf32> to vector<2000x1xf32>
    %get3A_13 = arith.constant 0 : index
    %get3A_14 = arith.constant 0 : index
    %get3A_15 = arith.constant 0 : index
    %get3A_16 = vector.load %arg1[%get3A_13, %get3A_14, %get3A_15] : memref<2x2000x128xf32, #tpu.memory_space<vmem>>, vector<1x2000x128xf32>
    %get3A_17 = vector.shape_cast %get3A_16 : vector<1x2000x128xf32> to vector<2000x128xf32>
    %get3A_18 = arith.constant 1 : index
    %get3A_19 = arith.constant 0 : index
    %get3A_20 = arith.constant 0 : index
    %get3A_21 = vector.load %arg1[%get3A_18, %get3A_19, %get3A_20] : memref<2x2000x128xf32, #tpu.memory_space<vmem>>, vector<1x2000x128xf32>
    %get3A_22 = vector.shape_cast %get3A_21 : vector<1x2000x128xf32> to vector<2000x128xf32>
    %add3A_23 = arith.addf %get3A_17, %get3A_22 : vector<2000x128xf32>
    %get3A_24 = arith.constant 0 : index
    %get3A_25 = arith.constant 0 : index
    %get3A_26 = vector.load %arg2[%get3A_24, %get3A_25] : memref<2000x128xf32, #tpu.memory_space<vmem>>, vector<2000x128xf32>
    %add3A_27 = arith.addf %add3A_23, %get3A_26 : vector<2000x128xf32>
    %mul3A = vector.broadcast %broadcast_in_dim3A : vector<2000x1xf32> to vector<2000x128xf32>
    %mul3A_28 = arith.mulf %add3A_27, %mul3A : vector<2000x128xf32>
    %get3A_29 = arith.constant 0 : index
    %get3A_30 = arith.constant 0 : index
    %get3A_31 = vector.load %arg4[%get3A_29, %get3A_30] : memref<1x128xf32, #tpu.memory_space<vmem>>, vector<1x128xf32>
    %add3A_32 = vector.broadcast %get3A_31 : vector<1x128xf32> to vector<2000x128xf32>
    %add3A_33 = arith.addf %mul3A_28, %add3A_32 : vector<2000x128xf32>
    %max3A = arith.constant 0.000000e+00 : f32
    %max3A_34 = vector.broadcast %max3A : f32 to vector<2000x128xf32>
    %max3A_35 = arith.maximumf %add3A_33, %max3A_34 : vector<2000x128xf32>
    %get3A_36 = arith.constant 0 : index
    %get3A_37 = arith.constant 0 : index
    %get3A_38 = vector.load %arg5[%get3A_36, %get3A_37] : memref<128x128xf32, #tpu.memory_space<vmem>>, vector<128x128xf32>
    %dot_general3A = arith.constant dense<0.000000e+00> : vector<2000x128xf32>
    %dot_general3A_39 = tpu.matmul %max3A_35, %get3A_38, %dot_general3A {dimension_numbers = #tpu.dot_dimension_numbers<[1], [0], [0], [1], [0, 0, 1, 1], [], []>, transpose_lhs_hint = false} : vector<2000x128xf32>, vector<128x128xf32>, vector<2000x128xf32> -> vector<2000x128xf32>
    %mul3A_40 = vector.broadcast %broadcast_in_dim3A : vector<2000x1xf32> to vector<2000x128xf32>
    %mul3A_41 = arith.mulf %dot_general3A_39, %mul3A_40 : vector<2000x128xf32>
    %swap3A = arith.constant 0 : index
    %swap3A_42 = arith.constant 0 : index
    %swap3A_43 = vector.load %arg6[%swap3A, %swap3A_42] : memref<2000x128xf32, #tpu.memory_space<vmem>>, vector<2000x128xf32>
    tpu.vector_store %arg6[%swap3A, %swap3A_42], %mul3A_41 {strides = array<i32>} : memref<2000x128xf32, #tpu.memory_space<vmem>>, vector<2000x128xf32>,
    return
  }
  func.func @transform_0(%arg0: i32) -> (i32, i32, i32) {
    %c0_i32 = arith.constant 0 : i32
    %c0_i32_0 = arith.constant 0 : i32
    %c0_i32_1 = arith.constant 0 : i32
    return %c0_i32, %arg0, %c0_i32_0 : i32, i32, i32
  }
  func.func @transform_1(%arg0: i32) -> (i32, i32) {
    %c0_i32 = arith.constant 0 : i32
    %c0_i32_0 = arith.constant 0 : i32
    return %arg0, %c0_i32 : i32, i32
  }
  func.func @transform_2(%arg0: i32) -> (i32, i32, i32) {
    %c0_i32 = arith.constant 0 : i32
    %c0_i32_0 = arith.constant 0 : i32
    %c0_i32_1 = arith.constant 0 : i32
    return %c0_i32, %arg0, %c0_i32_0 : i32, i32, i32
  }
  func.func @transform_3(%arg0: i32) -> (i32, i32) {
    %c0_i32 = arith.constant 0 : i32
    %c0_i32_0 = arith.constant 0 : i32
    %c0_i32_1 = arith.constant 0 : i32
    return %c0_i32, %c0_i32_0 : i32, i32
  }
  func.func @transform_4(%arg0: i32) -> (i32, i32) {
    %c0_i32 = arith.constant 0 : i32
    %c0_i32_0 = arith.constant 0 : i32
    %c0_i32_1 = arith.constant 0 : i32
    return %c0_i32, %c0_i32_0 : i32, i32
  }
  func.func @transform_5(%arg0: i32) -> (i32, i32) {
    %c0_i32 = arith.constant 0 : i32
    %c0_i32_0 = arith.constant 0 : i32
    return %arg0, %c0_i32 : i32, i32
  }
}

module attributes {stable_mosaic.version = 14 : i64} {
  func.func @_tc_out_body(%arg0: i32, %arg1: memref<2x2000x128xf32, #tpu.memory_space<vmem>>, %arg2: memref<2000x128xf32, #tpu.memory_space<vmem>>, %arg3: memref<2x2000x16xf32, #tpu.memory_space<vmem>>, %arg4: memref<1x128xf32, #tpu.memory_space<vmem>>, %arg5: memref<2000x128xf32, #tpu.memory_space<vmem>>) attributes {dimension_semantics = [#tpu.dimension_semantics<arbitrary>], iteration_bounds = array<i64: 5>, scalar_prefetch = 0 : i64, scratch_operands = 0 : i64, tpu.core_type = #tpu.core_type<tc>, window_params = [{transform_indices = @transform_0, window_bounds = array<i64: 2, 2000, 128>}, {transform_indices = @transform_1, window_bounds = array<i64: 2000, 128>}, {transform_indices = @transform_2, window_bounds = array<i64: 2, 2000, 16>}, {pipeline_mode = #tpu.pipeline_mode<synchronous>, transform_indices = @transform_3, window_bounds = array<i64: 1, 128>}, {transform_indices = @transform_4, window_bounds = array<i64: 2000, 128>}]} {
    %get3A = arith.constant 0 : index
    %get3A_0 = arith.constant 0 : index
    %get3A_1 = arith.constant 0 : index
    %get3A_2 = vector.load %arg3[%get3A, %get3A_0, %get3A_1] : memref<2x2000x16xf32, #tpu.memory_space<vmem>>, vector<1x2000x16xf32>
    %get3A_3 = vector.shape_cast %get3A_2 : vector<1x2000x16xf32> to vector<2000x16xf32>
    %get3A_4 = arith.constant 1 : index
    %get3A_5 = arith.constant 0 : index
    %get3A_6 = arith.constant 0 : index
    %get3A_7 = vector.load %arg3[%get3A_4, %get3A_5, %get3A_6] : memref<2x2000x16xf32, #tpu.memory_space<vmem>>, vector<1x2000x16xf32>
    %get3A_8 = vector.shape_cast %get3A_7 : vector<1x2000x16xf32> to vector<2000x16xf32>
    %add3A = arith.addf %get3A_3, %get3A_8 : vector<2000x16xf32>
    %reduce_sum3A = arith.constant dense<0.000000e+00> : vector<2000xf32>
    %reduce_sum3A_9 = vector.multi_reduction <add>, %add3A, %reduce_sum3A [1] : vector<2000x16xf32> to vector<2000xf32>
    %add3A_10 = arith.constant 1.000000e+00 : f32
    %add3A_11 = vector.broadcast %add3A_10 : f32 to vector<2000xf32>
    %add3A_12 = arith.addf %add3A_11, %reduce_sum3A_9 : vector<2000xf32>
    %rsqrt3A = math.rsqrt %add3A_12 : vector<2000xf32>
    %broadcast_in_dim3A = vector.shape_cast %rsqrt3A : vector<2000xf32> to vector<2000x1xf32>
    %get3A_13 = arith.constant 0 : index
    %get3A_14 = arith.constant 0 : index
    %get3A_15 = arith.constant 0 : index
    %get3A_16 = vector.load %arg1[%get3A_13, %get3A_14, %get3A_15] : memref<2x2000x128xf32, #tpu.memory_space<vmem>>, vector<1x2000x128xf32>
    %get3A_17 = vector.shape_cast %get3A_16 : vector<1x2000x128xf32> to vector<2000x128xf32>
    %get3A_18 = arith.constant 1 : index
    %get3A_19 = arith.constant 0 : index
    %get3A_20 = arith.constant 0 : index
    %get3A_21 = vector.load %arg1[%get3A_18, %get3A_19, %get3A_20] : memref<2x2000x128xf32, #tpu.memory_space<vmem>>, vector<1x2000x128xf32>
    %get3A_22 = vector.shape_cast %get3A_21 : vector<1x2000x128xf32> to vector<2000x128xf32>
    %add3A_23 = arith.addf %get3A_17, %get3A_22 : vector<2000x128xf32>
    %get3A_24 = arith.constant 0 : index
    %get3A_25 = arith.constant 0 : index
    %get3A_26 = vector.load %arg2[%get3A_24, %get3A_25] : memref<2000x128xf32, #tpu.memory_space<vmem>>, vector<2000x128xf32>
    %add3A_27 = arith.addf %add3A_23, %get3A_26 : vector<2000x128xf32>
    %mul3A = vector.broadcast %broadcast_in_dim3A : vector<2000x1xf32> to vector<2000x128xf32>
    %mul3A_28 = arith.mulf %add3A_27, %mul3A : vector<2000x128xf32>
    %get3A_29 = arith.constant 0 : index
    %get3A_30 = arith.constant 0 : index
    %get3A_31 = vector.load %arg4[%get3A_29, %get3A_30] : memref<1x128xf32, #tpu.memory_space<vmem>>, vector<1x128xf32>
    %add3A_32 = vector.broadcast %get3A_31 : vector<1x128xf32> to vector<2000x128xf32>
    %add3A_33 = arith.addf %mul3A_28, %add3A_32 : vector<2000x128xf32>
    %swap3A = arith.constant 0 : index
    %swap3A_34 = arith.constant 0 : index
    %swap3A_35 = vector.load %arg5[%swap3A, %swap3A_34] : memref<2000x128xf32, #tpu.memory_space<vmem>>, vector<2000x128xf32>
    tpu.vector_store %arg5[%swap3A, %swap3A_34], %add3A_33 {strides = array<i32>} : memref<2000x128xf32, #tpu.memory_space<vmem>>, vector<2000x128xf32>,
    return
  }
  func.func @transform_0(%arg0: i32) -> (i32, i32, i32) {
    %c0_i32 = arith.constant 0 : i32
    %c0_i32_0 = arith.constant 0 : i32
    %c0_i32_1 = arith.constant 0 : i32
    return %c0_i32, %arg0, %c0_i32_0 : i32, i32, i32
  }
  func.func @transform_1(%arg0: i32) -> (i32, i32) {
    %c0_i32 = arith.constant 0 : i32
    %c0_i32_0 = arith.constant 0 : i32
    return %arg0, %c0_i32 : i32, i32
  }
  func.func @transform_2(%arg0: i32) -> (i32, i32, i32) {
    %c0_i32 = arith.constant 0 : i32
    %c0_i32_0 = arith.constant 0 : i32
    %c0_i32_1 = arith.constant 0 : i32
    return %c0_i32, %arg0, %c0_i32_0 : i32, i32, i32
  }
  func.func @transform_3(%arg0: i32) -> (i32, i32) {
    %c0_i32 = arith.constant 0 : i32
    %c0_i32_0 = arith.constant 0 : i32
    %c0_i32_1 = arith.constant 0 : i32
    return %c0_i32, %c0_i32_0 : i32, i32
  }
  func.func @transform_4(%arg0: i32) -> (i32, i32) {
    %c0_i32 = arith.constant 0 : i32
    %c0_i32_0 = arith.constant 0 : i32
    return %arg0, %c0_i32 : i32, i32
  }
}

</mosaic_0001>

<sc_bundles>
// kernel: kernel.11.cloned.1.call-start
scs
__scs_entry_jumppad:
0x0: {  	(pc) =	sbr.rel $0x88, $3  }
0x1: {  	(tag) =	ssettag $0x0;
	lr =	simm.s32 $0x1  }
0x2: {  	[smem:$0x3F9B] =	sst lr;
	_ =	strace $0xD0000000  }
0x3: {  	_ = 	snop  }
0x4: {  	_ = 	snop  }
0x5: {  	_ = 	snop  }
0x6: {  	_ = 	snop  }
0x7: {  	_ = 	snop  }
__scs_overlays_trampoline_lowered:
0x8: {  	[smem:$0x3FAA] =	sst s0  }
0x9: {  	[smem:$0x3FAB] =	sst s1  }
0xa: {  	[smem:$0x3FAC] =	sst s2  }
0xb: {  	[smem:$0x3FAD] =	sst s3  }
0xc: {  	[smem:$0x3FAE] =	sst s4  }
0xd: {  	[smem:$0x3FAF] =	sst s5  }
0xe: {  	[smem:$0x3FB0] =	sst s6  }
0xf: {  	[smem:$0x3FB1] =	sst s7  }
0x10: {  	[smem:$0x3FB2] =	sst s8  }
0x11: {  	[smem:$0x3FB3] =	sst s9;
	s0 =	simm.s32 @!p0 $0x0  }
0x12: {  	s1 =	sld [smem:$0x3F99];
	s0 =	simm.s32 @p0 $0x1  }
0x13: {  	[smem:$0x3FB4] =	sst s0;
	s0 =	simm.s32 @!p1 $0x0  }
0x14: {  	s2 =	sld [smem:$0x3F98];
	s0 =	simm.s32 @p1 $0x1  }
0x15: {  	[smem:$0x3FB5] =	sst s0;
	s0 =	simm.s32 @!p2 $0x0  }
0x16: {  	s3 =	sld [smem:$0x3FDB];
	s0 =	simm.s32 @p2 $0x1  }
0x17: {  	s4 =	simm.s32 $0x1BF5;
	[smem:$0x3FB7] =	sst s0  }
0x18: {  	s0 =	sld [smem:$0x3F9A];
	_ =	swait.ge [sflag:s4], $0x0  }
0x19: {  	s7 =	sld [smem:$0x3F9B]  }
0x1a: {  	s8 =	sadd.s32 $0xFFFFE003, lr  }
0x1b: {  	s9 =	sadd.s32 $0xFFFFFEF7, lr;
	s5 =	simm.s32 $0xFFFFFFFF;
	p2 =	slt.u32 s8, $0xFFFFF086  }
0x1c: {  	p1 =	slt.u32 s9, $0xF7A;
	s5 =	simm.s32 @!p2 $0x0  }
0x1d: {  	s5 =	simm.s32 @p1 $0x1;
	p0 =	seq.s32 s7, s2  }
0x1e: {  	s7 =	smul.u32 @!p0 $0xF7A, s2;
	p2 =	seq.s32 @!p0 s5, $0x0  }
0x1f: {  	s9 =	smul.u32 $0xF7A, s1;
	s8 =	simm.s32 @!p0 $0x1BF5;
	p2 =	por !p2, p0  }
0x20: {  	[sflag:s8] =	ssyncset.s32 @!p0 $0xFFFFF086;
	s6 =	sadd.s32 @!p0 s3, s7;
	s7 =	simm.s32 @!p0 $0x108  }
0x21: {  	s3 =	sadd.s32 s3, s9;
	s6 =	sadd.s32 @!p0 $0x88, s6;
	s7 =	simm.s32 @p2 $0x1082  }
0x22: {  	[simem:s7], [sflag:s8] =	dma.local @!p0 [hbm:s6], $0xF7A  }
0x23: {  	s9 =	sor.u32 $0xD0000000, s2;
	s6 =	simm.s32 $0x108;
	_ =	swait.ge @!p0 [sflag:s8], $0x0  }
0x24: {  	s3 =	sadd.s32 $0x88, s3;
	s6 =	simm.s32 @!p1 $0x1082;
	[sflag:s4] =	ssyncset.s32 $0xFFFFF086  }
0x25: {  	[simem:s6], [sflag:s4] =	dma.local [hbm:s3], $0xF7A  }
0x26: {  	[smem:$0x3F9B] =	sst s1;
	(tag) =	ssettag s2;
	_ =	strace s9  }
0x27: {  	s1 =	sld [smem:$0x3FAB]  }
0x28: {  	s2 =	sld [smem:$0x3FAC]  }
0x29: {  	s4 =	sld [smem:$0x3FAE]  }
0x2a: {  	p0 =	seq.s32 s5, $0x0;
	s5 =	sld [smem:$0x3FAF]  }
0x2b: {  	s6 =	sld [smem:$0x3FB0]  }
0x2c: {  	s7 =	sld [smem:$0x3FB1]  }
0x2d: {  	s3 =	simm.s32 $0x108;
	s8 =	sld [smem:$0x3FB2]  }
0x2e: {  	s3 =	simm.s32 @!p0 $0x1082;
	s9 =	sld [smem:$0x3FB3]  }
0x2f: {  	lr =	sadd.s32 s0, s3;
	s0 =	sld [smem:$0x3FAA]  }
0x30: {  	s3 =	sld [smem:$0x3FAD]  }
0x31: {  	[smem:$0x3FB6] =	sst s10  }
0x32: {  	s10 =	sld [smem:$0x3FB4];
	_ =	sdelay $0x3  }
0x33: {  	p0 =	seq.s32 s10, $0x1;
	s10 =	sld [smem:$0x3FB6];
	_ =	sdelay $0x3  }
0x34: {  	[smem:$0x3FB6] =	sst s10  }
0x35: {  	s10 =	sld [smem:$0x3FB5];
	_ =	sdelay $0x3  }
0x36: {  	p1 =	seq.s32 s10, $0x1;
	s10 =	sld [smem:$0x3FB6];
	_ =	sdelay $0x3  }
0x37: {  	[smem:$0x3FB6] =	sst s10  }
0x38: {  	s10 =	sld [smem:$0x3FB7]  }
0x39: {  	_ = 	snop;
	(pc) =	sbr.ind lr, $3  }
0x3a: {  	_ = 	snop  }
0x3b: {  	_ = 	snop  }
0x3c: {  	p2 =	seq.s32 s10, $0x1;
	s10 =	sld [smem:$0x3FB6]  }
0x3d: {  	_ =	shalt  }
0x3e: {  	_ =	shalt  }
0x3f: {  	_ =	shalt  }
0x40: {  	_ =	shalt  }
0x41: {  	_ =	shalt  }
0x42: {  	_ =	shalt  }
0x43: {  	_ =	shalt  }
0x44: {  	_ =	shalt  }
0x45: {  	_ =	shalt  }
0x46: {  	_ =	shalt  }
0x47: {  	_ =	shalt  }
0x48: {  	_ =	shalt  }
0x49: {  	_ =	shalt  }
0x4a: {  	_ =	shalt  }
0x4b: {  	_ =	shalt  }
0x4c: {  	_ =	shalt  }
0x4d: {  	_ =	shalt  }
0x4e: {  	_ =	shalt  }
0x4f: {  	_ =	shalt  }
0x50: {  	_ =	shalt  }
0x51: {  	_ =	shalt  }
0x52: {  	_ =	shalt  }
0x53: {  	_ =	shalt  }
0x54: {  	_ =	shalt  }
0x55: {  	_ =	shalt  }
0x56: {  	_ =	shalt  }
0x57: {  	_ =	shalt  }
0x58: {  	_ =	shalt  }
0x59: {  	_ =	shalt  }
0x5a: {  	_ =	shalt  }
0x5b: {  	_ =	shalt  }
0x5c: {  	_ =	shalt  }
0x5d: {  	_ =	shalt  }
0x5e: {  	_ =	shalt  }
0x5f: {  	_ =	shalt  }
0x60: {  	_ =	shalt  }
0x61: {  	_ =	shalt  }
0x62: {  	_ =	shalt  }
0x63: {  	_ =	shalt  }
0x64: {  	_ =	shalt  }
0x65: {  	_ =	shalt  }
0x66: {  	_ =	shalt  }
0x67: {  	_ =	shalt  }
0x68: {  	_ =	shalt  }
0x69: {  	_ =	shalt  }
0x6a: {  	_ =	shalt  }
0x6b: {  	_ =	shalt  }
0x6c: {  	_ =	shalt  }
0x6d: {  	_ =	shalt  }
0x6e: {  	_ =	shalt  }
0x6f: {  	_ =	shalt  }
0x70: {  	_ =	shalt  }
0x71: {  	_ =	shalt  }
0x72: {  	_ =	shalt  }
0x73: {  	_ =	shalt  }
0x74: {  	_ =	shalt  }
0x75: {  	_ =	shalt  }
0x76: {  	_ =	shalt  }
0x77: {  	_ =	shalt  }
0x78: {  	_ =	shalt  }
0x79: {  	_ =	shalt  }
0x7a: {  	_ =	shalt  }
0x7b: {  	_ =	shalt  }
0x7c: {  	_ =	shalt  }
0x7d: {  	_ =	shalt  }
0x7e: {  	_ =	shalt  }
0x7f: {  	_ =	shalt  }
0x80: {  	_ =	shalt  }
0x81: {  	_ =	shalt  }
0x82: {  	_ =	shalt  }
0x83: {  	_ =	shalt  }
0x84: {  	_ =	shalt  }
0x85: {  	_ =	shalt  }
0x86: {  	_ =	shalt  }
0x87: {  	_ =	shalt  }
.Lfunc_end0:
.L_simem_size_0:
called_computation.1_lowered:
.L_overlay_start_0:
0x88: {  	s2 =	sld [smem:$0x3FD9]  }
0x89: {  	s3 =	sld [smem:$0x3FFE];
	_ =	sdelay $0x1  }
0x8a: {  	s1 =	srdreg.scid  }
0x8b: {  	s0 =	sand.u32 $0x1, s1  }
0x8c: {  	s17 =	sshll.u32 s0, $0xA;
	s2 =	sadd.s32 s3, s2  }
0x8d: {  	s2 =	sadd.s32 s2, s17  }
0x8e: {  	[smem:$0x3FC2] =	sst s2  }
0x8f: {  	_ = 	snop  }
0x90: {  	s2 =	sld [smem:$0x3FD0];
	(tm) =	ssettm $0x1  }
0x91: {  	s18 =	sld [smem:$0x3FFB];
	_ =	sdelay $0x3  }
0x92: {  	_ =	strace s18  }
0x93: {  	s3 =	sld [smem:$0x3FFC];
	_ =	sdelay $0x3  }
0x94: {  	_ =	strace s3  }
0x95: {  	s3 =	sld [smem:$0x3FFD];
	_ =	sdelay $0x3  }
0x96: {  	_ =	strace s3  }
0x97: {  	_ =	strace $0x8FFFFFFF  }
0x98: {  	s19 =	sld [smem:$0x3FDB];
	_ =	sdelay $0x1  }
0x99: {  	s4 =	simm.s32 $_scs_section_size  }
0x9a: {  	s5 =	simm.s32 $_size__tile_overlayer_lowered;
	s6 =	simm.s32 $_tile_overlayer_lowered  }
0x9b: {  	s22 =	simm.s32 $0x1BFF;
	s21 =	sshll.u32 s6, $0x1;
	s3 =	sadd.s32 s4, s19  }
0x9c: {  	s7 =	simm.s32 $0x0;
	s20 =	sshll.u32 s5, $0x1;
	s5 =	sadd.s32 s21, s3  }
0x9d: {  	[timem:s7], [sflag:s22] =	dma.local [hbm:s5], s20  }
0x9e: {  	_ =	swait.ge [sflag:s22], s20  }
0x9f: {  	s4 =	ssub.s32 $0x0, s20;
	[sflag:s22] =	ssyncset.done $0x0  }
0xa0: {  	[sflag:s22] =	ssyncadd.s32 s4;
	_ =	sdelay $0x1  }
0xa1: {  	s23 =	simm.s32 $0x1B8B  }
0xa2: {  	_ =	swait.ge [sflag:s23], $0x1  }
0xa3: {  	[sflag:s23] =	ssyncset.done $0x0  }
0xa4: {  	s25 =	simm.s32 $0x1B8E;
	s24 =	sld [smem:$0x3FFE];
	[sflag:s23] =	ssyncadd.s32 $0xFFFFFFFF  }
0xa5: {  	s26 =	simm.s32 $execute0_lowered;
	[smem:$0x3FD2] =	sst s25  }
0xa6: {  	s5 =	sshll.u32 s26, $0x1;
	_ =	strace $0x80000049;
	[dreg:$0x1] =	wrdreg $0xFFFFFFFF  }
0xa7: {  	s28 =	simm.s32 $_size_execute0_lowered;
	s3 =	sadd.s32 s3, s5;
	[dreg:$0x0] =	wrdreg $0x0  }
0xa8: {  	s5 =	sshll.u32 s28, $0x1;
	[dreg:$0x2] =	wrdreg s3  }
0xa9: {  	[dreg:$0x3] =	wrdreg s5  }
0xaa: {  	[dreg:$0x4] =	wrdreg $0xC0  }
0xab: {  	_ =	task [dreg:s7], $0x5FFFF  }
0xac: {  	[dreg:$0x1] =	wrdreg $0xFFFFFFFF  }
0xad: {  	[dreg:$0x0] =	wrdreg $0x60  }
0xae: {  	[dreg:$0x2] =	wrdreg s2  }
0xaf: {  	[dreg:$0x3] =	wrdreg s24  }
0xb0: {  	[dreg:$0x4] =	wrdreg $0x0  }
0xb1: {  	[dreg:$0x5] =	wrdreg $0x9  }
0xb2: {  	_ =	task.clear_ibuf [dreg:s7], $0x6FFFF;
	_ =	strace $0x90000049  }
0xb3: {  	s29 =	simm.s32 $0x9;
	_ =	strace $0x8000004B  }
0xb4: {  	_ =	swait.ge [sflag:s29], $0x1  }
0xb5: {  	[sflag:s29] =	ssyncadd.s32 $0xFFFFFFFF  }
0xb6: {  	_ =	strace $0x9000004B  }
0xb7: {  	_ =	sfence  }
0xb8: {  	s30 =	sld [smem:$0x0];
	_ =	sdelay $0x2  }
0xb9: {  	s31 =	sshll.u32 s1, $0xD;
	s1 =	sshrl.u32 s1, $0x2  }
0xba: {  	s3 =	sand.u32 $0x4000, s31;
	s1 =	sadd.s32 s1, s30  }
0xbb: {  	s0 =	sor.u32 s3, s0;
	s1 =	sshll.u32 s1, $0x11  }
0xbc: {  	s0 =	sor.u32 s1, s0  }
0xbd: {  	s0 =	sadd.s32 $0x8F2B, s0  }
0xbe: {  	[sflag:s0] =	ssyncadd.remote.s32 $0x1  }
0xbf: {  	_ =	sfence.sel $0xFFFF  }
0xc0: {  	[dreg:$0x0] =	wrdreg $0xFFFFFFFF;
	(pc) =	sbr.abs _section_cstart, $3  }
0xc1: {  	[dreg:$0x1] =	wrdreg $0xFFFFFFFF  }
0xc2: {  	_ =	task.clear_ibuf [dreg:s7], $0x2FFFF;
	_ =	strace $0x9FFFFFFF  }
0xc3: {  	(tm) =	ssettm $0x7FFFFFFF  }
tec
execute0_lowered:
.L_overlay_start_1:
0x0: {  	(tag) =	ssettag $0x1  }
0x1: {  	s1 =	rddreg [dreg:$0x0]  }
0x2: {  	s0 =	srdreg.scid;
	s5 =	rddreg [dreg:$0x1]  }
0x3: {  	s9 =	stileid.u32;
	s3 =	rddreg [dreg:$0x2]  }
0x4: {  	s4 =	simm.s32 $0x0;
	s11 =	simm.s32 $0x14080;
	s13 =	simm.s32 $0x14100  }
0x5: {  	s15 =	simm.s32 $0x14880;
	s16 =	simm.s32 $0x14180;
	s17 =	simm.s32 $0x14900  }
0x6: {  	s18 =	simm.s32 $0x14200;
	s19 =	simm.s32 $0x14980;
	[smem:$0x7FF] =	sst s4  }
0x7: {  	s20 =	simm.s32 $0x14280;
	_ =	strace $0x8000004A;
	[dreg:$0x6] =	wrdreg s11  }
0x8: {  	s21 =	simm.s32 $0x14A00;
	s22 =	simm.s32 $0x14300;
	[dreg:$0x7] =	wrdreg s13  }
0x9: {  	s23 =	simm.s32 $0x14A80;
	s28 =	simm.s32 $0x14600;
	[dreg:$0x8] =	wrdreg s15  }
0xa: {  	s29 =	simm.s32 $0x14D80;
	s6 =	smul.u32 $0x2800, s9;
	[dreg:$0x9] =	wrdreg s16  }
0xb: {  	s30 =	simm.s32 $0x14680;
	s8 =	smul.u32 $0x14000, s9;
	[dreg:$0xa] =	wrdreg s17  }
0xc: {  	s0 =	sand.u32 $0x1, s0;
	s25 =	smul.u32 $0x50000, s9;
	[dreg:$0xb] =	wrdreg s18  }
0xd: {  	s31 =	simm.s32 $0x14E00;
	s2 =	smul.u32 $0x28000, s0;
	[dreg:$0xc] =	wrdreg s19  }
0xe: {  	s7 =	smul.u32 $0x140000, s0;
	s0 =	ssub.s32 $0x2, s0;
	[dreg:$0xd] =	wrdreg s20  }
0xf: {  	s13 =	simm.s32 $0x3;
	s15 =	simm.s32 $0x14800;
	[dreg:$0xe] =	wrdreg s21  }
0x10: {  	s16 =	simm.s32 $0x80;
	[dreg:$0xf] =	wrdreg s22;
	s17 =	simm.s32 $0x19000  }
0x11: {  	[dreg:$0x10] =	wrdreg s23;
	s18 =	simm.s32 $0x1;
	s19 =	simm.s32 $0x2  }
0x12: {  	s20 =	simm.s32 $0x14B80;
	s21 =	simm.s32 $0x14480;
	s22 =	simm.s32 $0x14C00  }
0x13: {  	s26 =	sshrl.u32 s0, $0x1;
	s2 =	sadd.s32 s6, s2;
	s24 =	sadd.s32 s8, s7  }
0x14: {  	s0 =	ssub.s32 s0, s26;
	s8 =	sshrl.u32 s25, $0x2;
	s25 =	simm.s32 $0x14B00  }
0x15: {  	s26 =	simm.s32 $0x14400;
	s2 =	sshrl.u32 s2, $0x3;
	[dreg:$0x12] =	wrdreg s25  }
0x16: {  	s6 =	sshrl.u32 s24, $0x3;
	s0 =	smax.u32 s0, $0x1;
	[dreg:$0x13] =	wrdreg s26  }
0x17: {  	s24 =	simm.s32 $0x14380;
	s2 =	sadd.s32 s2, s5;
	[dreg:$0x1a] =	wrdreg s0  }
0x18: {  	s5 =	sadd.s32 s6, s5;
	s6 =	sadd.s32 s8, s3;
	[dreg:$0x11] =	wrdreg s24  }
0x19: {  	s23 =	simm.s32 $0x14500;
	s9 =	sadd.s32 $0xCA00, s2;
	[dreg:$0x14] =	wrdreg s6  }
0x1a: {  	s7 =	simm.s32 $0x14F00;
	s10 =	sadd.s32 $0x4000, s6;
	[dreg:$0x4] =	wrdreg s9  }
0x1b: {  	s25 =	simm.s32 $0x14580;
	s2 =	sadd.s32 $0x2A00, s2;
	[dreg:$0x15] =	wrdreg s10  }
0x1c: {  	s26 =	simm.s32 $0x14D00;
	s12 =	sadd.s32 $0x8000, s6;
	[dreg:$0x5] =	wrdreg s2  }
0x1d: {  	s24 =	simm.s32 $0x14C80;
	s14 =	sadd.s32 $0xC000, s6;
	[dreg:$0x16] =	wrdreg s12  }
0x1e: {  	s0 =	simm.s32 $0x14E80;
	s6 =	sadd.s32 $0x10000, s6;
	[dreg:$0x17] =	wrdreg s14  }
0x1f: {  	s8 =	simm.s32 $0x14F80;
	s5 =	sadd.s32 $0x66A00, s5;
	[dreg:$0x18] =	wrdreg s6  }
0x20: {  	[dreg:$0x19] =	wrdreg s5;
	s12 =	simm.s32 $0x15000;
	s14 =	simm.s32 $0x14000  }
0x21: {  	v0 =	vimm.f32 $0.0e+00;
	s2 =	simm.s32 $0x14700;
	s6 =	simm.s32 $0x14780;
	s9 =	simm.s32 $0x0  }
.LBB2_1:
0x22: {  	s10 =	simm.s32 $0x0;
	s11 =	simm.s32 $0x200  }
.LBB2_2:
0x23: {  	p0 =	sne.s32 s11, $0xFE00;
	[tilespmem:s10+$0x15070] =	vst v0  }
0x24: {  	[tilespmem:s10+$0x15000] =	vst v0  }
0x25: {  	[tilespmem:s10+$0x15010] =	vst v0  }
.Ltmp0:
0x26: {  	[tilespmem:s10+$0x15020] =	vst v0;
	(pc) =	sbr.rel @p0 .LBB2_2-.Ltmp0, $4  }
0x27: {  	[tilespmem:s10+$0x15030] =	vst v0  }
0x28: {  	[tilespmem:s10+$0x15040] =	vst v0  }
0x29: {  	[tilespmem:s10+$0x15050] =	vst v0  }
0x2a: {  	[tilespmem:s10+$0x15060] =	vst v0;
	s10 =	sshra.s32 s11, $0x2;
	s11 =	sadd.s32 $0x200, s11  }
0x2b: {  	[tilespmem:s10+$0x15070] =	vst v0  }
0x2c: {  	[tilespmem:s10+$0x15000] =	vst v0  }
0x2d: {  	[tilespmem:s10+$0x15010] =	vst v0  }
0x2e: {  	[tilespmem:s10+$0x15020] =	vst v0  }
0x2f: {  	[tilespmem:s10+$0x15030] =	vst v0  }
0x30: {  	[tilespmem:s10+$0x15040] =	vst v0  }
0x31: {  	[dreg:$0x1b] =	wrdreg s9;
	[tilespmem:s10+$0x15050] =	vst v0  }
0x32: {  	[tilespmem:s10+$0x15060] =	vst v0;
	s5 =	rddreg [dreg:$0x14]  }
0x33: {  	[spmem:s5] =	stream.linear.scatter [tilespmem:s12], [sflag:$0x3], $0x4000, $0x38;
	[tilespmem:$0x1D000] =	vst v63  }
0x34: {  	_ =	swait.ge [sflag:s13], $0x4000  }
0x35: {  	[sflag:s13] =	ssyncset.done $0x0  }
0x36: {  	s10 =	rddreg [dreg:$0x15];
	[sflag:s13] =	ssyncadd.s32 $0xFFFFC000  }
0x37: {  	[spmem:s10] =	stream.linear.scatter [tilespmem:s12], [sflag:$0x3], $0x4000, $0x38;
	[tilespmem:$0x1D000] =	vst v63  }
0x38: {  	_ =	swait.ge [sflag:s13], $0x4000  }
0x39: {  	[sflag:s13] =	ssyncset.done $0x0  }
0x3a: {  	s11 =	rddreg [dreg:$0x16];
	[sflag:s13] =	ssyncadd.s32 $0xFFFFC000  }
0x3b: {  	[spmem:s11] =	stream.linear.scatter [tilespmem:s12], [sflag:$0x3], $0x4000, $0x38;
	[tilespmem:$0x1D000] =	vst v63  }
0x3c: {  	_ =	swait.ge [sflag:s13], $0x4000  }
0x3d: {  	[sflag:s13] =	ssyncset.done $0x0  }
0x3e: {  	s9 =	rddreg [dreg:$0x17];
	[sflag:s13] =	ssyncadd.s32 $0xFFFFC000  }
0x3f: {  	[spmem:s9] =	stream.linear.scatter [tilespmem:s12], [sflag:$0x3], $0x4000, $0x38;
	[tilespmem:$0x1D000] =	vst v63  }
0x40: {  	_ =	swait.ge [sflag:s13], $0x4000  }
0x41: {  	[sflag:s13] =	ssyncset.done $0x0  }
0x42: {  	s10 =	rddreg [dreg:$0x18];
	[sflag:s13] =	ssyncadd.s32 $0xFFFFC000  }
0x43: {  	[spmem:s10] =	stream.linear.scatter [tilespmem:s12], [sflag:$0x3], $0x4000, $0x38;
	[tilespmem:$0x1D000] =	vst v63  }
0x44: {  	_ =	swait.ge [sflag:s13], $0x4000  }
0x45: {  	[sflag:s13] =	ssyncset.done $0x0  }
0x46: {  	[sflag:s13] =	ssyncadd.s32 $0xFFFFC000  }
0x47: {  	[bflag:$0x0] =	sbarrier.arrive $0xFFFF  }
0x48: {  	s11 =	rddreg [dreg:$0x5]  }
0x49: {  	s5 =	sadd.s32 $0x0, s11  }
0x4a: {  	[tilespmem:s14], [sflag:$0x3] =	stream.linear.gather [hbm4b:s5+s4], $0x800, $0x38;
	[tilespmem:$0x1D000] =	vst v63  }
0x4b: {  	_ =	swait.ge [sflag:s13], $0x800  }
0x4c: {  	s9 =	rddreg [dreg:$0x4];
	[sflag:s13] =	ssyncset.done $0x0  }
0x4d: {  	[sflag:s13] =	ssyncadd.s32 $0xFFFFF800;
	s5 =	sadd.s32 $0x0, s9  }
0x4e: {  	[tilespmem:s15], [sflag:$0x3] =	stream.linear.gather [hbm4b:s5+s4], $0x800, $0x38;
	[tilespmem:$0x1D000] =	vst v63  }
0x4f: {  	_ =	swait.ge [sflag:s13], $0x800  }
0x50: {  	[sflag:s13] =	ssyncset.done $0x0  }
0x51: {  	[sflag:s13] =	ssyncadd.s32 $0xFFFFF800  }
0x52: {  	[tilespmem:s12], [sflag:$0x1] =	stream.indirect.gather [hbm4b:s1+s16], $0x80, s14, s16, $0xb8;
	[tilespmem:$0x1D000] =	vst v63  }
0x53: {  	s10 =	rddreg [dreg:$0x6]  }
0x54: {  	[tilespmem:s17], [sflag:$0x2] =	stream.indirect.gather [hbm4b:s1+s16], $0x80, s10, s16, $0xb8;
	[tilespmem:$0x1D000] =	vst v63  }
0x55: {  	_ =	swait.ge [sflag:s18], $0x4000  }
0x56: {  	[sflag:s18] =	ssyncset.done $0x0  }
0x57: {  	[sflag:s18] =	ssyncadd.s32 $0xFFFFC000  }
0x58: {  	[spmem:s3] =	stream.indirect.scatter.add.f32 [tilespmem:s12], [sflag:$0x3], $0x80, s15, s16, $0xb8;
	[tilespmem:$0x1D000] =	vst v63  }
0x59: {  	_ =	swait.ge [sflag:s13], $0x4000  }
0x5a: {  	[sflag:s13] =	ssyncset.done $0x0  }
0x5b: {  	s11 =	rddreg [dreg:$0x7];
	[sflag:s13] =	ssyncadd.s32 $0xFFFFC000  }
0x5c: {  	[tilespmem:s12], [sflag:$0x1] =	stream.indirect.gather [hbm4b:s1+s16], $0x80, s11, s16, $0xb8;
	[tilespmem:$0x1D000] =	vst v63  }
0x5d: {  	_ =	swait.ge [sflag:s19], $0x4000  }
0x5e: {  	[sflag:s19] =	ssyncset.done $0x0  }
0x5f: {  	s9 =	rddreg [dreg:$0x8];
	[sflag:s19] =	ssyncadd.s32 $0xFFFFC000  }
0x60: {  	[spmem:s3] =	stream.indirect.scatter.add.f32 [tilespmem:s17], [sflag:$0x3], $0x80, s9, s16, $0xb8;
	[tilespmem:$0x1D000] =	vst v63  }
0x61: {  	_ =	swait.ge [sflag:s13], $0x4000  }
0x62: {  	[sflag:s13] =	ssyncset.done $0x0  }
0x63: {  	s10 =	rddreg [dreg:$0x9];
	[sflag:s13] =	ssyncadd.s32 $0xFFFFC000  }
0x64: {  	[tilespmem:s17], [sflag:$0x2] =	stream.indirect.gather [hbm4b:s1+s16], $0x80, s10, s16, $0xb8;
	[tilespmem:$0x1D000] =	vst v63  }
0x65: {  	_ =	swait.ge [sflag:s18], $0x4000  }
0x66: {  	[sflag:s18] =	ssyncset.done $0x0  }
0x67: {  	s11 =	rddreg [dreg:$0xa];
	[sflag:s18] =	ssyncadd.s32 $0xFFFFC000  }
0x68: {  	[spmem:s3] =	stream.indirect.scatter.add.f32 [tilespmem:s12], [sflag:$0x3], $0x80, s11, s16, $0xb8;
	[tilespmem:$0x1D000] =	vst v63  }
0x69: {  	_ =	swait.ge [sflag:s13], $0x4000  }
0x6a: {  	[sflag:s13] =	ssyncset.done $0x0  }
0x6b: {  	s9 =	rddreg [dreg:$0xb];
	[sflag:s13] =	ssyncadd.s32 $0xFFFFC000  }
0x6c: {  	[tilespmem:s12], [sflag:$0x1] =	stream.indirect.gather [hbm4b:s1+s16], $0x80, s9, s16, $0xb8;
	[tilespmem:$0x1D000] =	vst v63  }
0x6d: {  	_ =	swait.ge [sflag:s19], $0x4000  }
0x6e: {  	[sflag:s19] =	ssyncset.done $0x0  }
0x6f: {  	s10 =	rddreg [dreg:$0xc];
	[sflag:s19] =	ssyncadd.s32 $0xFFFFC000  }
0x70: {  	[spmem:s3] =	stream.indirect.scatter.add.f32 [tilespmem:s17], [sflag:$0x3], $0x80, s10, s16, $0xb8;
	[tilespmem:$0x1D000] =	vst v63  }
0x71: {  	_ =	swait.ge [sflag:s13], $0x4000  }
0x72: {  	[sflag:s13] =	ssyncset.done $0x0  }
0x73: {  	s11 =	rddreg [dreg:$0xd];
	[sflag:s13] =	ssyncadd.s32 $0xFFFFC000  }
0x74: {  	[tilespmem:s17], [sflag:$0x2] =	stream.indirect.gather [hbm4b:s1+s16], $0x80, s11, s16, $0xb8;
	[tilespmem:$0x1D000] =	vst v63  }
0x75: {  	_ =	swait.ge [sflag:s18], $0x4000  }
0x76: {  	[sflag:s18] =	ssyncset.done $0x0  }
0x77: {  	s9 =	rddreg [dreg:$0xe];
	[sflag:s18] =	ssyncadd.s32 $0xFFFFC000  }
0x78: {  	[spmem:s3] =	stream.indirect.scatter.add.f32 [tilespmem:s12], [sflag:$0x3], $0x80, s9, s16, $0xb8;
	[tilespmem:$0x1D000] =	vst v63  }
0x79: {  	_ =	swait.ge [sflag:s13], $0x4000  }
0x7a: {  	[sflag:s13] =	ssyncset.done $0x0  }
0x7b: {  	s10 =	rddreg [dreg:$0xf];
	[sflag:s13] =	ssyncadd.s32 $0xFFFFC000  }
0x7c: {  	[tilespmem:s12], [sflag:$0x1] =	stream.indirect.gather [hbm4b:s1+s16], $0x80, s10, s16, $0xb8;
	[tilespmem:$0x1D000] =	vst v63  }
0x7d: {  	_ =	swait.ge [sflag:s19], $0x4000  }
0x7e: {  	[sflag:s19] =	ssyncset.done $0x0  }
0x7f: {  	s11 =	rddreg [dreg:$0x10];
	[sflag:s19] =	ssyncadd.s32 $0xFFFFC000  }
0x80: {  	[spmem:s3] =	stream.indirect.scatter.add.f32 [tilespmem:s17], [sflag:$0x3], $0x80, s11, s16, $0xb8;
	[tilespmem:$0x1D000] =	vst v63  }
0x81: {  	_ =	swait.ge [sflag:s13], $0x4000  }
0x82: {  	[sflag:s13] =	ssyncset.done $0x0  }
0x83: {  	s9 =	rddreg [dreg:$0x11];
	[sflag:s13] =	ssyncadd.s32 $0xFFFFC000  }
0x84: {  	[tilespmem:s17], [sflag:$0x2] =	stream.indirect.gather [hbm4b:s1+s16], $0x80, s9, s16, $0xb8;
	[tilespmem:$0x1D000] =	vst v63  }
0x85: {  	_ =	swait.ge [sflag:s18], $0x4000  }
0x86: {  	[sflag:s18] =	ssyncset.done $0x0  }
0x87: {  	s10 =	rddreg [dreg:$0x12];
	[sflag:s18] =	ssyncadd.s32 $0xFFFFC000  }
0x88: {  	[spmem:s3] =	stream.indirect.scatter.add.f32 [tilespmem:s12], [sflag:$0x3], $0x80, s10, s16, $0xb8;
	[tilespmem:$0x1D000] =	vst v63  }
0x89: {  	_ =	swait.ge [sflag:s13], $0x4000  }
0x8a: {  	[sflag:s13] =	ssyncset.done $0x0  }
0x8b: {  	s11 =	rddreg [dreg:$0x13];
	[sflag:s13] =	ssyncadd.s32 $0xFFFFC000  }
0x8c: {  	[tilespmem:s12], [sflag:$0x1] =	stream.indirect.gather [hbm4b:s1+s16], $0x80, s11, s16, $0xb8;
	[tilespmem:$0x1D000] =	vst v63  }
0x8d: {  	_ =	swait.ge [sflag:s19], $0x4000  }
0x8e: {  	[sflag:s19] =	ssyncset.done $0x0  }
0x8f: {  	[sflag:s19] =	ssyncadd.s32 $0xFFFFC000  }
0x90: {  	[spmem:s3] =	stream.indirect.scatter.add.f32 [tilespmem:s17], [sflag:$0x3], $0x80, s20, s16, $0xb8;
	[tilespmem:$0x1D000] =	vst v63  }
0x91: {  	_ =	swait.ge [sflag:s13], $0x4000  }
0x92: {  	[sflag:s13] =	ssyncset.done $0x0  }
0x93: {  	[sflag:s13] =	ssyncadd.s32 $0xFFFFC000  }
0x94: {  	[tilespmem:s17], [sflag:$0x2] =	stream.indirect.gather [hbm4b:s1+s16], $0x80, s21, s16, $0xb8;
	[tilespmem:$0x1D000] =	vst v63  }
0x95: {  	_ =	swait.ge [sflag:s18], $0x4000  }
0x96: {  	[sflag:s18] =	ssyncset.done $0x0  }
0x97: {  	[sflag:s18] =	ssyncadd.s32 $0xFFFFC000  }
0x98: {  	[spmem:s3] =	stream.indirect.scatter.add.f32 [tilespmem:s12], [sflag:$0x3], $0x80, s22, s16, $0xb8;
	[tilespmem:$0x1D000] =	vst v63  }
0x99: {  	_ =	swait.ge [sflag:s13], $0x4000  }
0x9a: {  	[sflag:s13] =	ssyncset.done $0x0  }
0x9b: {  	[sflag:s13] =	ssyncadd.s32 $0xFFFFC000  }
0x9c: {  	[tilespmem:s12], [sflag:$0x1] =	stream.indirect.gather [hbm4b:s1+s16], $0x80, s23, s16, $0xb8;
	[tilespmem:$0x1D000] =	vst v63  }
0x9d: {  	_ =	swait.ge [sflag:s19], $0x4000  }
0x9e: {  	[sflag:s19] =	ssyncset.done $0x0  }
0x9f: {  	[sflag:s19] =	ssyncadd.s32 $0xFFFFC000  }
0xa0: {  	[spmem:s3] =	stream.indirect.scatter.add.f32 [tilespmem:s17], [sflag:$0x3], $0x80, s24, s16, $0xb8;
	[tilespmem:$0x1D000] =	vst v63  }
0xa1: {  	_ =	swait.ge [sflag:s13], $0x4000  }
0xa2: {  	[sflag:s13] =	ssyncset.done $0x0  }
0xa3: {  	[sflag:s13] =	ssyncadd.s32 $0xFFFFC000  }
0xa4: {  	[tilespmem:s17], [sflag:$0x2] =	stream.indirect.gather [hbm4b:s1+s16], $0x80, s25, s16, $0xb8;
	[tilespmem:$0x1D000] =	vst v63  }
0xa5: {  	_ =	swait.ge [sflag:s18], $0x4000  }
0xa6: {  	[sflag:s18] =	ssyncset.done $0x0  }
0xa7: {  	[sflag:s18] =	ssyncadd.s32 $0xFFFFC000  }
0xa8: {  	[spmem:s3] =	stream.indirect.scatter.add.f32 [tilespmem:s12], [sflag:$0x3], $0x80, s26, s16, $0xb8;
	[tilespmem:$0x1D000] =	vst v63  }
0xa9: {  	_ =	swait.ge [sflag:s13], $0x4000  }
0xaa: {  	[sflag:s13] =	ssyncset.done $0x0  }
0xab: {  	[sflag:s13] =	ssyncadd.s32 $0xFFFFC000  }
0xac: {  	[tilespmem:s12], [sflag:$0x1] =	stream.indirect.gather [hbm4b:s1+s16], $0x80, s28, s16, $0xb8;
	[tilespmem:$0x1D000] =	vst v63  }
0xad: {  	_ =	swait.ge [sflag:s19], $0x4000  }
0xae: {  	[sflag:s19] =	ssyncset.done $0x0  }
0xaf: {  	[sflag:s19] =	ssyncadd.s32 $0xFFFFC000  }
0xb0: {  	[spmem:s3] =	stream.indirect.scatter.add.f32 [tilespmem:s17], [sflag:$0x3], $0x80, s29, s16, $0xb8;
	[tilespmem:$0x1D000] =	vst v63  }
0xb1: {  	_ =	swait.ge [sflag:s13], $0x4000  }
0xb2: {  	[sflag:s13] =	ssyncset.done $0x0  }
0xb3: {  	[sflag:s13] =	ssyncadd.s32 $0xFFFFC000  }
0xb4: {  	[tilespmem:s17], [sflag:$0x2] =	stream.indirect.gather [hbm4b:s1+s16], $0x80, s30, s16, $0xb8;
	[tilespmem:$0x1D000] =	vst v63  }
0xb5: {  	_ =	swait.ge [sflag:s18], $0x4000  }
0xb6: {  	[sflag:s18] =	ssyncset.done $0x0  }
0xb7: {  	[sflag:s18] =	ssyncadd.s32 $0xFFFFC000  }
0xb8: {  	[spmem:s3] =	stream.indirect.scatter.add.f32 [tilespmem:s12], [sflag:$0x3], $0x80, s31, s16, $0xb8;
	[tilespmem:$0x1D000] =	vst v63  }
0xb9: {  	_ =	swait.ge [sflag:s13], $0x4000  }
0xba: {  	[sflag:s13] =	ssyncset.done $0x0  }
0xbb: {  	[sflag:s13] =	ssyncadd.s32 $0xFFFFC000  }
0xbc: {  	[tilespmem:s12], [sflag:$0x1] =	stream.indirect.gather [hbm4b:s1+s16], $0x80, s2, s16, $0xb8;
	[tilespmem:$0x1D000] =	vst v63  }
0xbd: {  	_ =	swait.ge [sflag:s19], $0x4000  }
0xbe: {  	[sflag:s19] =	ssyncset.done $0x0  }
0xbf: {  	[sflag:s19] =	ssyncadd.s32 $0xFFFFC000  }
0xc0: {  	[spmem:s3] =	stream.indirect.scatter.add.f32 [tilespmem:s17], [sflag:$0x3], $0x80, s0, s16, $0xb8;
	[tilespmem:$0x1D000] =	vst v63  }
0xc1: {  	_ =	swait.ge [sflag:s13], $0x4000  }
0xc2: {  	[sflag:s13] =	ssyncset.done $0x0  }
0xc3: {  	[sflag:s13] =	ssyncadd.s32 $0xFFFFC000  }
0xc4: {  	[tilespmem:s17], [sflag:$0x2] =	stream.indirect.gather [hbm4b:s1+s16], $0x80, s6, s16, $0xb8;
	[tilespmem:$0x1D000] =	vst v63  }
0xc5: {  	_ =	swait.ge [sflag:s18], $0x4000  }
0xc6: {  	[sflag:s18] =	ssyncset.done $0x0  }
0xc7: {  	[sflag:s18] =	ssyncadd.s32 $0xFFFFC000  }
0xc8: {  	[spmem:s3] =	stream.indirect.scatter.add.f32 [tilespmem:s12], [sflag:$0x3], $0x80, s7, s16, $0xb8;
	[tilespmem:$0x1D000] =	vst v63  }
0xc9: {  	_ =	swait.ge [sflag:s13], $0x4000  }
0xca: {  	[sflag:s13] =	ssyncset.done $0x0  }
0xcb: {  	[sflag:s13] =	ssyncadd.s32 $0xFFFFC000  }
0xcc: {  	_ =	swait.ge [sflag:s19], $0x4000  }
0xcd: {  	[sflag:s19] =	ssyncset.done $0x0  }
0xce: {  	[sflag:s19] =	ssyncadd.s32 $0xFFFFC000  }
0xcf: {  	[spmem:s3] =	stream.indirect.scatter.add.f32 [tilespmem:s17], [sflag:$0x3], $0x80, s8, s16, $0xb8;
	[tilespmem:$0x1D000] =	vst v63  }
0xd0: {  	s10 =	simm.s32 $0x100;
	_ =	swait.ge [sflag:s13], $0x4000  }
0xd1: {  	s11 =	simm.s32 $0x200;
	s5 =	rddreg [dreg:$0x5];
	[sflag:s13] =	ssyncset.done $0x0  }
.LBB2_4:
0xd2: {  	[sflag:s13] =	ssyncadd.s32 $0xFFFFC000;
	s5 =	sadd.s32 s10, s5  }
0xd3: {  	[tilespmem:s14], [sflag:$0x3] =	stream.linear.gather [hbm4b:s5+s4], $0x800, $0x38;
	[tilespmem:$0x1D000] =	vst v63  }
0xd4: {  	_ =	swait.ge [sflag:s13], $0x800  }
0xd5: {  	s5 =	rddreg [dreg:$0x4];
	[sflag:s13] =	ssyncset.done $0x0  }
0xd6: {  	[sflag:s13] =	ssyncadd.s32 $0xFFFFF800;
	s5 =	sadd.s32 s10, s5  }
0xd7: {  	[tilespmem:s15], [sflag:$0x3] =	stream.linear.gather [hbm4b:s5+s4], $0x800, $0x38;
	[tilespmem:$0x1D000] =	vst v63  }
0xd8: {  	_ =	swait.ge [sflag:s13], $0x800  }
0xd9: {  	[sflag:s13] =	ssyncset.done $0x0  }
0xda: {  	s9 =	smov.u32 s11;
	[sflag:s13] =	ssyncadd.s32 $0xFFFFF800  }
0xdb: {  	[tilespmem:s12], [sflag:$0x1] =	stream.indirect.gather [hbm4b:s1+s16], $0x80, s14, s16, $0xb8;
	[tilespmem:$0x1D000] =	vst v63  }
0xdc: {  	s10 =	smov.u32 s9;
	s9 =	rddreg [dreg:$0x6]  }
0xdd: {  	[tilespmem:s17], [sflag:$0x2] =	stream.indirect.gather [hbm4b:s1+s16], $0x80, s9, s16, $0xb8;
	[tilespmem:$0x1D000] =	vst v63  }
0xde: {  	_ =	swait.ge [sflag:s18], $0x4000  }
0xdf: {  	[sflag:s18] =	ssyncset.done $0x0  }
0xe0: {  	[sflag:s18] =	ssyncadd.s32 $0xFFFFC000  }
0xe1: {  	[spmem:s3] =	stream.indirect.scatter.add.f32 [tilespmem:s12], [sflag:$0x3], $0x80, s15, s16, $0xb8;
	[tilespmem:$0x1D000] =	vst v63  }
0xe2: {  	_ =	swait.ge [sflag:s13], $0x4000  }
0xe3: {  	[sflag:s13] =	ssyncset.done $0x0  }
0xe4: {  	s9 =	rddreg [dreg:$0x7];
	[sflag:s13] =	ssyncadd.s32 $0xFFFFC000  }
0xe5: {  	[tilespmem:s12], [sflag:$0x1] =	stream.indirect.gather [hbm4b:s1+s16], $0x80, s9, s16, $0xb8;
	[tilespmem:$0x1D000] =	vst v63  }
0xe6: {  	_ =	swait.ge [sflag:s19], $0x4000  }
0xe7: {  	[sflag:s19] =	ssyncset.done $0x0  }
0xe8: {  	s9 =	rddreg [dreg:$0x8];
	[sflag:s19] =	ssyncadd.s32 $0xFFFFC000  }
0xe9: {  	[spmem:s3] =	stream.indirect.scatter.add.f32 [tilespmem:s17], [sflag:$0x3], $0x80, s9, s16, $0xb8;
	[tilespmem:$0x1D000] =	vst v63  }
0xea: {  	_ =	swait.ge [sflag:s13], $0x4000  }
0xeb: {  	[sflag:s13] =	ssyncset.done $0x0  }
0xec: {  	s9 =	rddreg [dreg:$0x9];
	[sflag:s13] =	ssyncadd.s32 $0xFFFFC000  }
0xed: {  	[tilespmem:s17], [sflag:$0x2] =	stream.indirect.gather [hbm4b:s1+s16], $0x80, s9, s16, $0xb8;
	[tilespmem:$0x1D000] =	vst v63  }
0xee: {  	_ =	swait.ge [sflag:s18], $0x4000  }
0xef: {  	[sflag:s18] =	ssyncset.done $0x0  }
0xf0: {  	s9 =	rddreg [dreg:$0xa];
	[sflag:s18] =	ssyncadd.s32 $0xFFFFC000  }
0xf1: {  	[spmem:s3] =	stream.indirect.scatter.add.f32 [tilespmem:s12], [sflag:$0x3], $0x80, s9, s16, $0xb8;
	[tilespmem:$0x1D000] =	vst v63  }
0xf2: {  	_ =	swait.ge [sflag:s13], $0x4000  }
0xf3: {  	[sflag:s13] =	ssyncset.done $0x0  }
0xf4: {  	s9 =	rddreg [dreg:$0xb];
	[sflag:s13] =	ssyncadd.s32 $0xFFFFC000  }
0xf5: {  	[tilespmem:s12], [sflag:$0x1] =	stream.indirect.gather [hbm4b:s1+s16], $0x80, s9, s16, $0xb8;
	[tilespmem:$0x1D000] =	vst v63  }
0xf6: {  	_ =	swait.ge [sflag:s19], $0x4000  }
0xf7: {  	[sflag:s19] =	ssyncset.done $0x0  }
0xf8: {  	s9 =	rddreg [dreg:$0xc];
	[sflag:s19] =	ssyncadd.s32 $0xFFFFC000  }
0xf9: {  	[spmem:s3] =	stream.indirect.scatter.add.f32 [tilespmem:s17], [sflag:$0x3], $0x80, s9, s16, $0xb8;
	[tilespmem:$0x1D000] =	vst v63  }
0xfa: {  	_ =	swait.ge [sflag:s13], $0x4000  }
0xfb: {  	[sflag:s13] =	ssyncset.done $0x0  }
0xfc: {  	s9 =	rddreg [dreg:$0xd];
	[sflag:s13] =	ssyncadd.s32 $0xFFFFC000  }
0xfd: {  	[tilespmem:s17], [sflag:$0x2] =	stream.indirect.gather [hbm4b:s1+s16], $0x80, s9, s16, $0xb8;
	[tilespmem:$0x1D000] =	vst v63  }
0xfe: {  	_ =	swait.ge [sflag:s18], $0x4000  }
0xff: {  	[sflag:s18] =	ssyncset.done $0x0  }
0x100: {  	s9 =	rddreg [dreg:$0xe];
	[sflag:s18] =	ssyncadd.s32 $0xFFFFC000  }
0x101: {  	[spmem:s3] =	stream.indirect.scatter.add.f32 [tilespmem:s12], [sflag:$0x3], $0x80, s9, s16, $0xb8;
	[tilespmem:$0x1D000] =	vst v63  }
0x102: {  	_ =	swait.ge [sflag:s13], $0x4000  }
0x103: {  	[sflag:s13] =	ssyncset.done $0x0  }
0x104: {  	s9 =	rddreg [dreg:$0xf];
	[sflag:s13] =	ssyncadd.s32 $0xFFFFC000  }
0x105: {  	[tilespmem:s12], [sflag:$0x1] =	stream.indirect.gather [hbm4b:s1+s16], $0x80, s9, s16, $0xb8;
	[tilespmem:$0x1D000] =	vst v63  }
0x106: {  	_ =	swait.ge [sflag:s19], $0x4000  }
0x107: {  	[sflag:s19] =	ssyncset.done $0x0  }
0x108: {  	s9 =	rddreg [dreg:$0x10];
	[sflag:s19] =	ssyncadd.s32 $0xFFFFC000  }
0x109: {  	[spmem:s3] =	stream.indirect.scatter.add.f32 [tilespmem:s17], [sflag:$0x3], $0x80, s9, s16, $0xb8;
	[tilespmem:$0x1D000] =	vst v63  }
0x10a: {  	_ =	swait.ge [sflag:s13], $0x4000  }
0x10b: {  	[sflag:s13] =	ssyncset.done $0x0  }
0x10c: {  	s9 =	rddreg [dreg:$0x11];
	[sflag:s13] =	ssyncadd.s32 $0xFFFFC000  }
0x10d: {  	[tilespmem:s17], [sflag:$0x2] =	stream.indirect.gather [hbm4b:s1+s16], $0x80, s9, s16, $0xb8;
	[tilespmem:$0x1D000] =	vst v63  }
0x10e: {  	_ =	swait.ge [sflag:s18], $0x4000  }
0x10f: {  	[sflag:s18] =	ssyncset.done $0x0  }
0x110: {  	s9 =	rddreg [dreg:$0x12];
	[sflag:s18] =	ssyncadd.s32 $0xFFFFC000  }
0x111: {  	[spmem:s3] =	stream.indirect.scatter.add.f32 [tilespmem:s12], [sflag:$0x3], $0x80, s9, s16, $0xb8;
	[tilespmem:$0x1D000] =	vst v63  }
0x112: {  	_ =	swait.ge [sflag:s13], $0x4000  }
0x113: {  	[sflag:s13] =	ssyncset.done $0x0  }
0x114: {  	s9 =	rddreg [dreg:$0x13];
	[sflag:s13] =	ssyncadd.s32 $0xFFFFC000  }
0x115: {  	[tilespmem:s12], [sflag:$0x1] =	stream.indirect.gather [hbm4b:s1+s16], $0x80, s9, s16, $0xb8;
	[tilespmem:$0x1D000] =	vst v63  }
0x116: {  	_ =	swait.ge [sflag:s19], $0x4000  }
0x117: {  	[sflag:s19] =	ssyncset.done $0x0  }
0x118: {  	[sflag:s19] =	ssyncadd.s32 $0xFFFFC000  }
0x119: {  	[spmem:s3] =	stream.indirect.scatter.add.f32 [tilespmem:s17], [sflag:$0x3], $0x80, s20, s16, $0xb8;
	[tilespmem:$0x1D000] =	vst v63  }
0x11a: {  	_ =	swait.ge [sflag:s13], $0x4000  }
0x11b: {  	[sflag:s13] =	ssyncset.done $0x0  }
0x11c: {  	[sflag:s13] =	ssyncadd.s32 $0xFFFFC000  }
0x11d: {  	[tilespmem:s17], [sflag:$0x2] =	stream.indirect.gather [hbm4b:s1+s16], $0x80, s21, s16, $0xb8;
	[tilespmem:$0x1D000] =	vst v63  }
0x11e: {  	_ =	swait.ge [sflag:s18], $0x4000  }
0x11f: {  	[sflag:s18] =	ssyncset.done $0x0  }
0x120: {  	[sflag:s18] =	ssyncadd.s32 $0xFFFFC000  }
0x121: {  	[spmem:s3] =	stream.indirect.scatter.add.f32 [tilespmem:s12], [sflag:$0x3], $0x80, s22, s16, $0xb8;
	[tilespmem:$0x1D000] =	vst v63  }
0x122: {  	_ =	swait.ge [sflag:s13], $0x4000  }
0x123: {  	[sflag:s13] =	ssyncset.done $0x0  }
0x124: {  	[sflag:s13] =	ssyncadd.s32 $0xFFFFC000  }
0x125: {  	[tilespmem:s12], [sflag:$0x1] =	stream.indirect.gather [hbm4b:s1+s16], $0x80, s23, s16, $0xb8;
	[tilespmem:$0x1D000] =	vst v63  }
0x126: {  	_ =	swait.ge [sflag:s19], $0x4000  }
0x127: {  	[sflag:s19] =	ssyncset.done $0x0  }
0x128: {  	[sflag:s19] =	ssyncadd.s32 $0xFFFFC000  }
0x129: {  	[spmem:s3] =	stream.indirect.scatter.add.f32 [tilespmem:s17], [sflag:$0x3], $0x80, s24, s16, $0xb8;
	[tilespmem:$0x1D000] =	vst v63  }
0x12a: {  	_ =	swait.ge [sflag:s13], $0x4000  }
0x12b: {  	[sflag:s13] =	ssyncset.done $0x0  }
0x12c: {  	[sflag:s13] =	ssyncadd.s32 $0xFFFFC000  }
0x12d: {  	[tilespmem:s17], [sflag:$0x2] =	stream.indirect.gather [hbm4b:s1+s16], $0x80, s25, s16, $0xb8;
	[tilespmem:$0x1D000] =	vst v63  }
0x12e: {  	_ =	swait.ge [sflag:s18], $0x4000  }
0x12f: {  	[sflag:s18] =	ssyncset.done $0x0  }
0x130: {  	[sflag:s18] =	ssyncadd.s32 $0xFFFFC000  }
0x131: {  	[spmem:s3] =	stream.indirect.scatter.add.f32 [tilespmem:s12], [sflag:$0x3], $0x80, s26, s16, $0xb8;
	[tilespmem:$0x1D000] =	vst v63  }
0x132: {  	_ =	swait.ge [sflag:s13], $0x4000  }
0x133: {  	[sflag:s13] =	ssyncset.done $0x0  }
0x134: {  	[sflag:s13] =	ssyncadd.s32 $0xFFFFC000  }
0x135: {  	[tilespmem:s12], [sflag:$0x1] =	stream.indirect.gather [hbm4b:s1+s16], $0x80, s28, s16, $0xb8;
	[tilespmem:$0x1D000] =	vst v63  }
0x136: {  	_ =	swait.ge [sflag:s19], $0x4000  }
0x137: {  	[sflag:s19] =	ssyncset.done $0x0  }
0x138: {  	[sflag:s19] =	ssyncadd.s32 $0xFFFFC000  }
0x139: {  	[spmem:s3] =	stream.indirect.scatter.add.f32 [tilespmem:s17], [sflag:$0x3], $0x80, s29, s16, $0xb8;
	[tilespmem:$0x1D000] =	vst v63  }
0x13a: {  	_ =	swait.ge [sflag:s13], $0x4000  }
0x13b: {  	[sflag:s13] =	ssyncset.done $0x0  }
0x13c: {  	[sflag:s13] =	ssyncadd.s32 $0xFFFFC000  }
0x13d: {  	[tilespmem:s17], [sflag:$0x2] =	stream.indirect.gather [hbm4b:s1+s16], $0x80, s30, s16, $0xb8;
	[tilespmem:$0x1D000] =	vst v63  }
0x13e: {  	_ =	swait.ge [sflag:s18], $0x4000  }
0x13f: {  	[sflag:s18] =	ssyncset.done $0x0  }
0x140: {  	[sflag:s18] =	ssyncadd.s32 $0xFFFFC000  }
0x141: {  	[spmem:s3] =	stream.indirect.scatter.add.f32 [tilespmem:s12], [sflag:$0x3], $0x80, s31, s16, $0xb8;
	[tilespmem:$0x1D000] =	vst v63  }
0x142: {  	_ =	swait.ge [sflag:s13], $0x4000  }
0x143: {  	[sflag:s13] =	ssyncset.done $0x0  }
0x144: {  	[sflag:s13] =	ssyncadd.s32 $0xFFFFC000  }
0x145: {  	[tilespmem:s12], [sflag:$0x1] =	stream.indirect.gather [hbm4b:s1+s16], $0x80, s2, s16, $0xb8;
	[tilespmem:$0x1D000] =	vst v63  }
0x146: {  	_ =	swait.ge [sflag:s19], $0x4000  }
0x147: {  	[sflag:s19] =	ssyncset.done $0x0  }
0x148: {  	[sflag:s19] =	ssyncadd.s32 $0xFFFFC000  }
0x149: {  	[spmem:s3] =	stream.indirect.scatter.add.f32 [tilespmem:s17], [sflag:$0x3], $0x80, s0, s16, $0xb8;
	[tilespmem:$0x1D000] =	vst v63  }
0x14a: {  	_ =	swait.ge [sflag:s13], $0x4000  }
0x14b: {  	[sflag:s13] =	ssyncset.done $0x0  }
0x14c: {  	[sflag:s13] =	ssyncadd.s32 $0xFFFFC000  }
0x14d: {  	[tilespmem:s17], [sflag:$0x2] =	stream.indirect.gather [hbm4b:s1+s16], $0x80, s6, s16, $0xb8;
	[tilespmem:$0x1D000] =	vst v63  }
0x14e: {  	_ =	swait.ge [sflag:s18], $0x4000  }
0x14f: {  	[sflag:s18] =	ssyncset.done $0x0  }
0x150: {  	[sflag:s18] =	ssyncadd.s32 $0xFFFFC000  }
0x151: {  	[spmem:s3] =	stream.indirect.scatter.add.f32 [tilespmem:s12], [sflag:$0x3], $0x80, s7, s16, $0xb8;
	[tilespmem:$0x1D000] =	vst v63  }
0x152: {  	_ =	swait.ge [sflag:s13], $0x4000  }
0x153: {  	[sflag:s13] =	ssyncset.done $0x0  }
0x154: {  	[sflag:s13] =	ssyncadd.s32 $0xFFFFC000  }
0x155: {  	p0 =	sne.s32 s11, $0x400;
	_ =	swait.ge [sflag:s19], $0x4000  }
.Ltmp1:
0x156: {  	[sflag:s19] =	ssyncset.done $0x0;
	(pc) =	sbr.rel @p0 .LBB2_4-.Ltmp1, $4  }
0x157: {  	[sflag:s19] =	ssyncadd.s32 $0xFFFFC000  }
0x158: {  	[spmem:s3] =	stream.indirect.scatter.add.f32 [tilespmem:s17], [sflag:$0x3], $0x80, s8, s16, $0xb8;
	[tilespmem:$0x1D000] =	vst v63  }
0x159: {  	_ =	swait.ge [sflag:s13], $0x4000  }
0x15a: {  	s11 =	sadd.s32 $0x100, s11;
	s5 =	rddreg [dreg:$0x5];
	[sflag:s13] =	ssyncset.done $0x0  }
0x15b: {  	[sflag:s13] =	ssyncadd.s32 $0xFFFFC000;
	s5 =	sadd.s32 s10, s5  }
0x15c: {  	[tilespmem:s14], [sflag:$0x3] =	stream.linear.gather [hbm4b:s5+s4], $0x800, $0x38;
	[tilespmem:$0x1D000] =	vst v63  }
0x15d: {  	_ =	swait.ge [sflag:s13], $0x800  }
0x15e: {  	s9 =	rddreg [dreg:$0x4];
	[sflag:s13] =	ssyncset.done $0x0  }
0x15f: {  	[sflag:s13] =	ssyncadd.s32 $0xFFFFF800;
	s5 =	sadd.s32 s10, s9  }
0x160: {  	[tilespmem:s15], [sflag:$0x3] =	stream.linear.gather [hbm4b:s5+s4], $0x800, $0x38;
	[tilespmem:$0x1D000] =	vst v63  }
0x161: {  	_ =	swait.ge [sflag:s13], $0x800  }
0x162: {  	[sflag:s13] =	ssyncset.done $0x0  }
0x163: {  	[sflag:s13] =	ssyncadd.s32 $0xFFFFF800  }
0x164: {  	[tilespmem:s12], [sflag:$0x1] =	stream.indirect.gather [hbm4b:s1+s16], $0x80, s14, s16, $0xb8;
	[tilespmem:$0x1D000] =	vst v63  }
0x165: {  	s11 =	rddreg [dreg:$0x6]  }
0x166: {  	[tilespmem:s17], [sflag:$0x2] =	stream.indirect.gather [hbm4b:s1+s16], $0x80, s11, s16, $0xb8;
	[tilespmem:$0x1D000] =	vst v63  }
0x167: {  	_ =	swait.ge [sflag:s18], $0x4000  }
0x168: {  	[sflag:s18] =	ssyncset.done $0x0  }
0x169: {  	[sflag:s18] =	ssyncadd.s32 $0xFFFFC000  }
0x16a: {  	[spmem:s3] =	stream.indirect.scatter.add.f32 [tilespmem:s12], [sflag:$0x3], $0x80, s15, s16, $0xb8;
	[tilespmem:$0x1D000] =	vst v63  }
0x16b: {  	_ =	swait.ge [sflag:s13], $0x4000  }
0x16c: {  	[sflag:s13] =	ssyncset.done $0x0  }
0x16d: {  	s9 =	rddreg [dreg:$0x7];
	[sflag:s13] =	ssyncadd.s32 $0xFFFFC000  }
0x16e: {  	[tilespmem:s12], [sflag:$0x1] =	stream.indirect.gather [hbm4b:s1+s16], $0x80, s9, s16, $0xb8;
	[tilespmem:$0x1D000] =	vst v63  }
0x16f: {  	_ =	swait.ge [sflag:s19], $0x4000  }
0x170: {  	[sflag:s19] =	ssyncset.done $0x0  }
0x171: {  	s10 =	rddreg [dreg:$0x8];
	[sflag:s19] =	ssyncadd.s32 $0xFFFFC000  }
0x172: {  	[spmem:s3] =	stream.indirect.scatter.add.f32 [tilespmem:s17], [sflag:$0x3], $0x80, s10, s16, $0xb8;
	[tilespmem:$0x1D000] =	vst v63  }
0x173: {  	_ =	swait.ge [sflag:s13], $0x4000  }
0x174: {  	[sflag:s13] =	ssyncset.done $0x0  }
0x175: {  	s11 =	rddreg [dreg:$0x9];
	[sflag:s13] =	ssyncadd.s32 $0xFFFFC000  }
0x176: {  	[tilespmem:s17], [sflag:$0x2] =	stream.indirect.gather [hbm4b:s1+s16], $0x80, s11, s16, $0xb8;
	[tilespmem:$0x1D000] =	vst v63  }
0x177: {  	_ =	swait.ge [sflag:s18], $0x4000  }
0x178: {  	[sflag:s18] =	ssyncset.done $0x0  }
0x179: {  	s9 =	rddreg [dreg:$0xa];
	[sflag:s18] =	ssyncadd.s32 $0xFFFFC000  }
0x17a: {  	[spmem:s3] =	stream.indirect.scatter.add.f32 [tilespmem:s12], [sflag:$0x3], $0x80, s9, s16, $0xb8;
	[tilespmem:$0x1D000] =	vst v63  }
0x17b: {  	_ =	swait.ge [sflag:s13], $0x4000  }
0x17c: {  	[sflag:s13] =	ssyncset.done $0x0  }
0x17d: {  	s10 =	rddreg [dreg:$0xb];
	[sflag:s13] =	ssyncadd.s32 $0xFFFFC000  }
0x17e: {  	[tilespmem:s12], [sflag:$0x1] =	stream.indirect.gather [hbm4b:s1+s16], $0x80, s10, s16, $0xb8;
	[tilespmem:$0x1D000] =	vst v63  }
0x17f: {  	_ =	swait.ge [sflag:s19], $0x4000  }
0x180: {  	[sflag:s19] =	ssyncset.done $0x0  }
0x181: {  	s11 =	rddreg [dreg:$0xc];
	[sflag:s19] =	ssyncadd.s32 $0xFFFFC000  }
0x182: {  	[spmem:s3] =	stream.indirect.scatter.add.f32 [tilespmem:s17], [sflag:$0x3], $0x80, s11, s16, $0xb8;
	[tilespmem:$0x1D000] =	vst v63  }
0x183: {  	_ =	swait.ge [sflag:s13], $0x4000  }
0x184: {  	[sflag:s13] =	ssyncset.done $0x0  }
0x185: {  	s9 =	rddreg [dreg:$0xd];
	[sflag:s13] =	ssyncadd.s32 $0xFFFFC000  }
0x186: {  	[tilespmem:s17], [sflag:$0x2] =	stream.indirect.gather [hbm4b:s1+s16], $0x80, s9, s16, $0xb8;
	[tilespmem:$0x1D000] =	vst v63  }
0x187: {  	_ =	swait.ge [sflag:s18], $0x4000  }
0x188: {  	[sflag:s18] =	ssyncset.done $0x0  }
0x189: {  	s10 =	rddreg [dreg:$0xe];
	[sflag:s18] =	ssyncadd.s32 $0xFFFFC000  }
0x18a: {  	[spmem:s3] =	stream.indirect.scatter.add.f32 [tilespmem:s12], [sflag:$0x3], $0x80, s10, s16, $0xb8;
	[tilespmem:$0x1D000] =	vst v63  }
0x18b: {  	_ =	swait.ge [sflag:s13], $0x4000  }
0x18c: {  	[sflag:s13] =	ssyncset.done $0x0  }
0x18d: {  	s11 =	rddreg [dreg:$0xf];
	[sflag:s13] =	ssyncadd.s32 $0xFFFFC000  }
0x18e: {  	[tilespmem:s12], [sflag:$0x1] =	stream.indirect.gather [hbm4b:s1+s16], $0x80, s11, s16, $0xb8;
	[tilespmem:$0x1D000] =	vst v63  }
0x18f: {  	_ =	swait.ge [sflag:s19], $0x4000  }
0x190: {  	[sflag:s19] =	ssyncset.done $0x0  }
0x191: {  	s9 =	rddreg [dreg:$0x10];
	[sflag:s19] =	ssyncadd.s32 $0xFFFFC000  }
0x192: {  	[spmem:s3] =	stream.indirect.scatter.add.f32 [tilespmem:s17], [sflag:$0x3], $0x80, s9, s16, $0xb8;
	[tilespmem:$0x1D000] =	vst v63  }
0x193: {  	_ =	swait.ge [sflag:s13], $0x4000  }
0x194: {  	[sflag:s13] =	ssyncset.done $0x0  }
0x195: {  	s10 =	rddreg [dreg:$0x11];
	[sflag:s13] =	ssyncadd.s32 $0xFFFFC000  }
0x196: {  	[tilespmem:s17], [sflag:$0x2] =	stream.indirect.gather [hbm4b:s1+s16], $0x80, s10, s16, $0xb8;
	[tilespmem:$0x1D000] =	vst v63  }
0x197: {  	_ =	swait.ge [sflag:s18], $0x4000  }
0x198: {  	[sflag:s18] =	ssyncset.done $0x0  }
0x199: {  	s11 =	rddreg [dreg:$0x12];
	[sflag:s18] =	ssyncadd.s32 $0xFFFFC000  }
0x19a: {  	[spmem:s3] =	stream.indirect.scatter.add.f32 [tilespmem:s12], [sflag:$0x3], $0x80, s11, s16, $0xb8;
	[tilespmem:$0x1D000] =	vst v63  }
0x19b: {  	_ =	swait.ge [sflag:s13], $0x4000  }
0x19c: {  	[sflag:s13] =	ssyncset.done $0x0  }
0x19d: {  	s9 =	rddreg [dreg:$0x13];
	[sflag:s13] =	ssyncadd.s32 $0xFFFFC000  }
0x19e: {  	[tilespmem:s12], [sflag:$0x1] =	stream.indirect.gather [hbm4b:s1+s16], $0x80, s9, s16, $0xb8;
	[tilespmem:$0x1D000] =	vst v63  }
0x19f: {  	_ =	swait.ge [sflag:s19], $0x4000  }
0x1a0: {  	[sflag:s19] =	ssyncset.done $0x0  }
0x1a1: {  	[sflag:s19] =	ssyncadd.s32 $0xFFFFC000  }
0x1a2: {  	[spmem:s3] =	stream.indirect.scatter.add.f32 [tilespmem:s17], [sflag:$0x3], $0x80, s20, s16, $0xb8;
	[tilespmem:$0x1D000] =	vst v63  }
0x1a3: {  	_ =	swait.ge [sflag:s13], $0x4000  }
0x1a4: {  	[sflag:s13] =	ssyncset.done $0x0  }
0x1a5: {  	[sflag:s13] =	ssyncadd.s32 $0xFFFFC000  }
0x1a6: {  	[tilespmem:s17], [sflag:$0x2] =	stream.indirect.gather [hbm4b:s1+s16], $0x80, s21, s16, $0xb8;
	[tilespmem:$0x1D000] =	vst v63  }
0x1a7: {  	_ =	swait.ge [sflag:s18], $0x4000  }
0x1a8: {  	[sflag:s18] =	ssyncset.done $0x0  }
0x1a9: {  	[sflag:s18] =	ssyncadd.s32 $0xFFFFC000  }
0x1aa: {  	[spmem:s3] =	stream.indirect.scatter.add.f32 [tilespmem:s12], [sflag:$0x3], $0x80, s22, s16, $0xb8;
	[tilespmem:$0x1D000] =	vst v63  }
0x1ab: {  	_ =	swait.ge [sflag:s13], $0x4000  }
0x1ac: {  	[sflag:s13] =	ssyncset.done $0x0  }
0x1ad: {  	[sflag:s13] =	ssyncadd.s32 $0xFFFFC000  }
0x1ae: {  	[tilespmem:s12], [sflag:$0x1] =	stream.indirect.gather [hbm4b:s1+s16], $0x80, s23, s16, $0xb8;
	[tilespmem:$0x1D000] =	vst v63  }
0x1af: {  	_ =	swait.ge [sflag:s19], $0x4000  }
0x1b0: {  	[sflag:s19] =	ssyncset.done $0x0  }
0x1b1: {  	[sflag:s19] =	ssyncadd.s32 $0xFFFFC000  }
0x1b2: {  	[spmem:s3] =	stream.indirect.scatter.add.f32 [tilespmem:s17], [sflag:$0x3], $0x80, s24, s16, $0xb8;
	[tilespmem:$0x1D000] =	vst v63  }
0x1b3: {  	_ =	swait.ge [sflag:s13], $0x4000  }
0x1b4: {  	[sflag:s13] =	ssyncset.done $0x0  }
0x1b5: {  	[sflag:s13] =	ssyncadd.s32 $0xFFFFC000  }
0x1b6: {  	[tilespmem:s17], [sflag:$0x2] =	stream.indirect.gather [hbm4b:s1+s16], $0x80, s25, s16, $0xb8;
	[tilespmem:$0x1D000] =	vst v63  }
0x1b7: {  	_ =	swait.ge [sflag:s18], $0x4000  }
0x1b8: {  	[sflag:s18] =	ssyncset.done $0x0  }
0x1b9: {  	[sflag:s18] =	ssyncadd.s32 $0xFFFFC000  }
0x1ba: {  	[spmem:s3] =	stream.indirect.scatter.add.f32 [tilespmem:s12], [sflag:$0x3], $0x80, s26, s16, $0xb8;
	[tilespmem:$0x1D000] =	vst v63  }
0x1bb: {  	_ =	swait.ge [sflag:s13], $0x4000  }
0x1bc: {  	[sflag:s13] =	ssyncset.done $0x0  }
0x1bd: {  	[sflag:s13] =	ssyncadd.s32 $0xFFFFC000  }
0x1be: {  	[tilespmem:s12], [sflag:$0x1] =	stream.indirect.gather [hbm4b:s1+s16], $0x80, s28, s16, $0xb8;
	[tilespmem:$0x1D000] =	vst v63  }
0x1bf: {  	_ =	swait.ge [sflag:s19], $0x4000  }
0x1c0: {  	[sflag:s19] =	ssyncset.done $0x0  }
0x1c1: {  	[sflag:s19] =	ssyncadd.s32 $0xFFFFC000  }
0x1c2: {  	[spmem:s3] =	stream.indirect.scatter.add.f32 [tilespmem:s17], [sflag:$0x3], $0x80, s29, s16, $0xb8;
	[tilespmem:$0x1D000] =	vst v63  }
0x1c3: {  	_ =	swait.ge [sflag:s13], $0x4000  }
0x1c4: {  	[sflag:s13] =	ssyncset.done $0x0  }
0x1c5: {  	[sflag:s13] =	ssyncadd.s32 $0xFFFFC000  }
0x1c6: {  	[tilespmem:s17], [sflag:$0x2] =	stream.indirect.gather [hbm4b:s1+s16], $0x80, s30, s16, $0xb8;
	[tilespmem:$0x1D000] =	vst v63  }
0x1c7: {  	_ =	swait.ge [sflag:s18], $0x4000  }
0x1c8: {  	[sflag:s18] =	ssyncset.done $0x0  }
0x1c9: {  	[sflag:s18] =	ssyncadd.s32 $0xFFFFC000  }
0x1ca: {  	[spmem:s3] =	stream.indirect.scatter.add.f32 [tilespmem:s12], [sflag:$0x3], $0x80, s31, s16, $0xb8;
	[tilespmem:$0x1D000] =	vst v63  }
0x1cb: {  	_ =	swait.ge [sflag:s13], $0x4000  }
0x1cc: {  	[sflag:s13] =	ssyncset.done $0x0  }
0x1cd: {  	[sflag:s13] =	ssyncadd.s32 $0xFFFFC000  }
0x1ce: {  	[tilespmem:s12], [sflag:$0x1] =	stream.indirect.gather [hbm4b:s1+s16], $0x80, s2, s16, $0xb8;
	[tilespmem:$0x1D000] =	vst v63  }
0x1cf: {  	_ =	swait.ge [sflag:s19], $0x4000  }
0x1d0: {  	[sflag:s19] =	ssyncset.done $0x0  }
0x1d1: {  	[sflag:s19] =	ssyncadd.s32 $0xFFFFC000  }
0x1d2: {  	[spmem:s3] =	stream.indirect.scatter.add.f32 [tilespmem:s17], [sflag:$0x3], $0x80, s0, s16, $0xb8;
	[tilespmem:$0x1D000] =	vst v63  }
0x1d3: {  	_ =	swait.ge [sflag:s13], $0x4000  }
0x1d4: {  	[sflag:s13] =	ssyncset.done $0x0  }
0x1d5: {  	[sflag:s13] =	ssyncadd.s32 $0xFFFFC000  }
0x1d6: {  	[tilespmem:s17], [sflag:$0x2] =	stream.indirect.gather [hbm4b:s1+s16], $0x80, s6, s16, $0xb8;
	[tilespmem:$0x1D000] =	vst v63  }
0x1d7: {  	_ =	swait.ge [sflag:s18], $0x4000  }
0x1d8: {  	[sflag:s18] =	ssyncset.done $0x0  }
0x1d9: {  	[sflag:s18] =	ssyncadd.s32 $0xFFFFC000  }
0x1da: {  	[spmem:s3] =	stream.indirect.scatter.add.f32 [tilespmem:s12], [sflag:$0x3], $0x80, s7, s16, $0xb8;
	[tilespmem:$0x1D000] =	vst v63  }
0x1db: {  	_ =	swait.ge [sflag:s13], $0x4000  }
0x1dc: {  	[sflag:s13] =	ssyncset.done $0x0  }
0x1dd: {  	[sflag:s13] =	ssyncadd.s32 $0xFFFFC000  }
0x1de: {  	_ =	swait.ge [sflag:s19], $0x4000  }
0x1df: {  	[sflag:s19] =	ssyncset.done $0x0  }
0x1e0: {  	[sflag:s19] =	ssyncadd.s32 $0xFFFFC000  }
0x1e1: {  	[spmem:s3] =	stream.indirect.scatter.add.f32 [tilespmem:s17], [sflag:$0x3], $0x80, s8, s16, $0xb8;
	[tilespmem:$0x1D000] =	vst v63  }
0x1e2: {  	_ =	swait.ge [sflag:s13], $0x4000  }
0x1e3: {  	[sflag:s13] =	ssyncset.done $0x0  }
0x1e4: {  	[sflag:s13] =	ssyncadd.s32 $0xFFFFC000  }
0x1e5: {  	s10 =	stileid.u32;
	[bflag:$0x0] =	sbarrier.arrive $0xFFFF  }
0x1e6: {  	s5 =	sshll.u32 s10, $0x6;
	s9 =	rddreg [dreg:$0x14]  }
0x1e7: {  	s5 =	sor.u32 $0x1C03, s5;
	s11 =	rddreg [dreg:$0x19];
	s9 =	sshrl.u32 s9, $0x3  }
0x1e8: {  	[hbm:s11], [sflag:s5] =	dma.local [spmem:s9], $0x2800  }
0x1e9: {  	_ =	swait.ge [sflag:s13], $0x2800  }
0x1ea: {  	s10 =	rddreg [dreg:$0x1b]  }
0x1eb: {  	s11 =	rddreg [dreg:$0x1a];
	s9 =	sadd.s32 $0x1, s10  }
0x1ec: {  	p0 =	sne.s32 s9, s11  }
.Ltmp2:
0x1ed: {  	_ = 	snop;
	(pc) =	sbr.rel @p0 .LBB2_1-.Ltmp2, $3  }
0x1ee: {  	_ =	sdelay $0x1  }
0x1ef: {  	[sflag:s13] =	ssyncset.done $0x0  }
0x1f0: {  	[sflag:s13] =	ssyncadd.s32 $0xFFFFD800  }
0x1f1: {  	_ =	sfence.sel $0x180000  }
0x1f2: {  	[bflag:$0x0] =	sbarrier.arrive $0xFFFF  }
0x1f3: {  	_ =	strace $0x9000004A  }
0x1f4: {  	s0 =	stileid.u32;
	[bflag:$0x2] =	sbarrier.arrive $0xFFFF  }
0x1f5: {  	p0 =	sne.s32 s0, $0x0;
	s0 =	rddreg [dreg:$0x3]  }
0x1f6: {  	s0 =	sadd.s32 @!p0 $0x100000, s0  }
0x1f7: {  	[sflag:s0] =	ssyncadd.tile.s32 @!p0 $0x1;
	_ =	shalt  }
.Lfunc_end2:
_tile_overlayer_lowered:
.L_overlay_start_2:
0x1f8: {  	(tag) =	ssettag $0x2  }
0x1f9: {  	s0 =	rddreg [dreg:$0x0];
	s2 =	stileid.u32  }
0x1fa: {  	s1 =	rddreg [dreg:$0x1];
	p0 =	sne.s32 s2, $0x0  }
0x1fb: {  	s3 =	rddreg [dreg:$0x2];
	[bflag:$0x3] =	sbarrier.arrive $0xFFFF;
	s2 =	simm.s32 @!p0 $0x1C03  }
0x1fc: {  	[timem:s3], [sflag:s2] =	dma.local @!p0 [hbm:s0], s1  }
0x1fd: {  	s0 =	simm.s32 @!p0 $0x3  }
0x1fe: {  	_ =	swait.ge @!p0 [sflag:s0], s1  }
0x1ff: {  	s1 =	ssub.s32 @!p0 $0x0, s1;
	[sflag:s0] =	ssyncset.done @!p0 $0x0  }
0x200: {  	[sflag:s0] =	ssyncadd.s32 @!p0 s1  }
0x201: {  	[bflag:$0x3] =	sbarrier.arrive $0xFFFF  }
0x202: {  	_ =	shalt  }

// kernel: kernel.14.cloned.1.call-start
scs
__scs_entry_jumppad:
0x0: {  	(pc) =	sbr.rel $0x88, $3  }
0x1: {  	(tag) =	ssettag $0x0;
	lr =	simm.s32 $0x1  }
0x2: {  	[smem:$0x3F9B] =	sst lr;
	_ =	strace $0xD0000000  }
0x3: {  	_ = 	snop  }
0x4: {  	_ = 	snop  }
0x5: {  	_ = 	snop  }
0x6: {  	_ = 	snop  }
0x7: {  	_ = 	snop  }
__scs_overlays_trampoline_lowered:
0x8: {  	[smem:$0x3FAA] =	sst s0  }
0x9: {  	[smem:$0x3FAB] =	sst s1  }
0xa: {  	[smem:$0x3FAC] =	sst s2  }
0xb: {  	[smem:$0x3FAD] =	sst s3  }
0xc: {  	[smem:$0x3FAE] =	sst s4  }
0xd: {  	[smem:$0x3FAF] =	sst s5  }
0xe: {  	[smem:$0x3FB0] =	sst s6  }
0xf: {  	[smem:$0x3FB1] =	sst s7  }
0x10: {  	[smem:$0x3FB2] =	sst s8  }
0x11: {  	[smem:$0x3FB3] =	sst s9;
	s0 =	simm.s32 @!p0 $0x0  }
0x12: {  	s1 =	sld [smem:$0x3F99];
	s0 =	simm.s32 @p0 $0x1  }
0x13: {  	[smem:$0x3FB4] =	sst s0;
	s0 =	simm.s32 @!p1 $0x0  }
0x14: {  	s2 =	sld [smem:$0x3F98];
	s0 =	simm.s32 @p1 $0x1  }
0x15: {  	[smem:$0x3FB5] =	sst s0;
	s0 =	simm.s32 @!p2 $0x0  }
0x16: {  	s3 =	sld [smem:$0x3FDB];
	s0 =	simm.s32 @p2 $0x1  }
0x17: {  	s4 =	simm.s32 $0x1BF5;
	[smem:$0x3FB7] =	sst s0  }
0x18: {  	s0 =	sld [smem:$0x3F9A];
	_ =	swait.ge [sflag:s4], $0x0  }
0x19: {  	s7 =	sld [smem:$0x3F9B]  }
0x1a: {  	s8 =	sadd.s32 $0xFFFFE003, lr  }
0x1b: {  	s9 =	sadd.s32 $0xFFFFFEF7, lr;
	s5 =	simm.s32 $0xFFFFFFFF;
	p2 =	slt.u32 s8, $0xFFFFF086  }
0x1c: {  	p1 =	slt.u32 s9, $0xF7A;
	s5 =	simm.s32 @!p2 $0x0  }
0x1d: {  	s5 =	simm.s32 @p1 $0x1;
	p0 =	seq.s32 s7, s2  }
0x1e: {  	s7 =	smul.u32 @!p0 $0xF7A, s2;
	p2 =	seq.s32 @!p0 s5, $0x0  }
0x1f: {  	s9 =	smul.u32 $0xF7A, s1;
	s8 =	simm.s32 @!p0 $0x1BF5;
	p2 =	por !p2, p0  }
0x20: {  	[sflag:s8] =	ssyncset.s32 @!p0 $0xFFFFF086;
	s6 =	sadd.s32 @!p0 s3, s7;
	s7 =	simm.s32 @!p0 $0x108  }
0x21: {  	s3 =	sadd.s32 s3, s9;
	s6 =	sadd.s32 @!p0 $0x88, s6;
	s7 =	simm.s32 @p2 $0x1082  }
0x22: {  	[simem:s7], [sflag:s8] =	dma.local @!p0 [hbm:s6], $0xF7A  }
0x23: {  	s9 =	sor.u32 $0xD0000000, s2;
	s6 =	simm.s32 $0x108;
	_ =	swait.ge @!p0 [sflag:s8], $0x0  }
0x24: {  	s3 =	sadd.s32 $0x88, s3;
	s6 =	simm.s32 @!p1 $0x1082;
	[sflag:s4] =	ssyncset.s32 $0xFFFFF086  }
0x25: {  	[simem:s6], [sflag:s4] =	dma.local [hbm:s3], $0xF7A  }
0x26: {  	[smem:$0x3F9B] =	sst s1;
	(tag) =	ssettag s2;
	_ =	strace s9  }
0x27: {  	s1 =	sld [smem:$0x3FAB]  }
0x28: {  	s2 =	sld [smem:$0x3FAC]  }
0x29: {  	s4 =	sld [smem:$0x3FAE]  }
0x2a: {  	p0 =	seq.s32 s5, $0x0;
	s5 =	sld [smem:$0x3FAF]  }
0x2b: {  	s6 =	sld [smem:$0x3FB0]  }
0x2c: {  	s7 =	sld [smem:$0x3FB1]  }
0x2d: {  	s3 =	simm.s32 $0x108;
	s8 =	sld [smem:$0x3FB2]  }
0x2e: {  	s3 =	simm.s32 @!p0 $0x1082;
	s9 =	sld [smem:$0x3FB3]  }
0x2f: {  	lr =	sadd.s32 s0, s3;
	s0 =	sld [smem:$0x3FAA]  }
0x30: {  	s3 =	sld [smem:$0x3FAD]  }
0x31: {  	[smem:$0x3FB6] =	sst s10  }
0x32: {  	s10 =	sld [smem:$0x3FB4];
	_ =	sdelay $0x3  }
0x33: {  	p0 =	seq.s32 s10, $0x1;
	s10 =	sld [smem:$0x3FB6];
	_ =	sdelay $0x3  }
0x34: {  	[smem:$0x3FB6] =	sst s10  }
0x35: {  	s10 =	sld [smem:$0x3FB5];
	_ =	sdelay $0x3  }
0x36: {  	p1 =	seq.s32 s10, $0x1;
	s10 =	sld [smem:$0x3FB6];
	_ =	sdelay $0x3  }
0x37: {  	[smem:$0x3FB6] =	sst s10  }
0x38: {  	s10 =	sld [smem:$0x3FB7]  }
0x39: {  	_ = 	snop;
	(pc) =	sbr.ind lr, $3  }
0x3a: {  	_ = 	snop  }
0x3b: {  	_ = 	snop  }
0x3c: {  	p2 =	seq.s32 s10, $0x1;
	s10 =	sld [smem:$0x3FB6]  }
0x3d: {  	_ =	shalt  }
0x3e: {  	_ =	shalt  }
0x3f: {  	_ =	shalt  }
0x40: {  	_ =	shalt  }
0x41: {  	_ =	shalt  }
0x42: {  	_ =	shalt  }
0x43: {  	_ =	shalt  }
0x44: {  	_ =	shalt  }
0x45: {  	_ =	shalt  }
0x46: {  	_ =	shalt  }
0x47: {  	_ =	shalt  }
0x48: {  	_ =	shalt  }
0x49: {  	_ =	shalt  }
0x4a: {  	_ =	shalt  }
0x4b: {  	_ =	shalt  }
0x4c: {  	_ =	shalt  }
0x4d: {  	_ =	shalt  }
0x4e: {  	_ =	shalt  }
0x4f: {  	_ =	shalt  }
0x50: {  	_ =	shalt  }
0x51: {  	_ =	shalt  }
0x52: {  	_ =	shalt  }
0x53: {  	_ =	shalt  }
0x54: {  	_ =	shalt  }
0x55: {  	_ =	shalt  }
0x56: {  	_ =	shalt  }
0x57: {  	_ =	shalt  }
0x58: {  	_ =	shalt  }
0x59: {  	_ =	shalt  }
0x5a: {  	_ =	shalt  }
0x5b: {  	_ =	shalt  }
0x5c: {  	_ =	shalt  }
0x5d: {  	_ =	shalt  }
0x5e: {  	_ =	shalt  }
0x5f: {  	_ =	shalt  }
0x60: {  	_ =	shalt  }
0x61: {  	_ =	shalt  }
0x62: {  	_ =	shalt  }
0x63: {  	_ =	shalt  }
0x64: {  	_ =	shalt  }
0x65: {  	_ =	shalt  }
0x66: {  	_ =	shalt  }
0x67: {  	_ =	shalt  }
0x68: {  	_ =	shalt  }
0x69: {  	_ =	shalt  }
0x6a: {  	_ =	shalt  }
0x6b: {  	_ =	shalt  }
0x6c: {  	_ =	shalt  }
0x6d: {  	_ =	shalt  }
0x6e: {  	_ =	shalt  }
0x6f: {  	_ =	shalt  }
0x70: {  	_ =	shalt  }
0x71: {  	_ =	shalt  }
0x72: {  	_ =	shalt  }
0x73: {  	_ =	shalt  }
0x74: {  	_ =	shalt  }
0x75: {  	_ =	shalt  }
0x76: {  	_ =	shalt  }
0x77: {  	_ =	shalt  }
0x78: {  	_ =	shalt  }
0x79: {  	_ =	shalt  }
0x7a: {  	_ =	shalt  }
0x7b: {  	_ =	shalt  }
0x7c: {  	_ =	shalt  }
0x7d: {  	_ =	shalt  }
0x7e: {  	_ =	shalt  }
0x7f: {  	_ =	shalt  }
0x80: {  	_ =	shalt  }
0x81: {  	_ =	shalt  }
0x82: {  	_ =	shalt  }
0x83: {  	_ =	shalt  }
0x84: {  	_ =	shalt  }
0x85: {  	_ =	shalt  }
0x86: {  	_ =	shalt  }
0x87: {  	_ =	shalt  }
.Lfunc_end0:
.L_simem_size_0:
called_computation.2_lowered:
.L_overlay_start_0:
0x88: {  	s2 =	sld [smem:$0x3FD9]  }
0x89: {  	s3 =	sld [smem:$0x3FFE];
	_ =	sdelay $0x1  }
0x8a: {  	s1 =	srdreg.scid  }
0x8b: {  	s0 =	sand.u32 $0x1, s1  }
0x8c: {  	s17 =	sshll.u32 s0, $0xA;
	s2 =	sadd.s32 s3, s2  }
0x8d: {  	s2 =	sadd.s32 s2, s17  }
0x8e: {  	[smem:$0x3FC2] =	sst s2  }
0x8f: {  	_ = 	snop  }
0x90: {  	s2 =	sld [smem:$0x3FD0];
	(tm) =	ssettm $0x1  }
0x91: {  	s18 =	sld [smem:$0x3FFB];
	_ =	sdelay $0x3  }
0x92: {  	_ =	strace s18  }
0x93: {  	s3 =	sld [smem:$0x3FFC];
	_ =	sdelay $0x3  }
0x94: {  	_ =	strace s3  }
0x95: {  	s3 =	sld [smem:$0x3FFD];
	_ =	sdelay $0x3  }
0x96: {  	_ =	strace s3  }
0x97: {  	_ =	strace $0x8FFFFFFF  }
0x98: {  	s19 =	sld [smem:$0x3FDB];
	_ =	sdelay $0x1  }
0x99: {  	s4 =	simm.s32 $_scs_section_size  }
0x9a: {  	s5 =	simm.s32 $_size__tile_overlayer_lowered;
	s6 =	simm.s32 $_tile_overlayer_lowered  }
0x9b: {  	s22 =	simm.s32 $0x1BFF;
	s21 =	sshll.u32 s6, $0x1;
	s3 =	sadd.s32 s4, s19  }
0x9c: {  	s7 =	simm.s32 $0x0;
	s20 =	sshll.u32 s5, $0x1;
	s5 =	sadd.s32 s21, s3  }
0x9d: {  	[timem:s7], [sflag:s22] =	dma.local [hbm:s5], s20  }
0x9e: {  	_ =	swait.ge [sflag:s22], s20  }
0x9f: {  	s4 =	ssub.s32 $0x0, s20;
	[sflag:s22] =	ssyncset.done $0x0  }
0xa0: {  	[sflag:s22] =	ssyncadd.s32 s4;
	_ =	sdelay $0x1  }
0xa1: {  	s23 =	simm.s32 $0x1B8B  }
0xa2: {  	_ =	swait.ge [sflag:s23], $0x1  }
0xa3: {  	[sflag:s23] =	ssyncset.done $0x0  }
0xa4: {  	s25 =	simm.s32 $0x1B8E;
	s24 =	sld [smem:$0x3FFE];
	[sflag:s23] =	ssyncadd.s32 $0xFFFFFFFF  }
0xa5: {  	s26 =	simm.s32 $execute0_lowered;
	[smem:$0x3FD2] =	sst s25  }
0xa6: {  	s5 =	sshll.u32 s26, $0x1;
	_ =	strace $0x8000004C;
	[dreg:$0x1] =	wrdreg $0xFFFFFFFF  }
0xa7: {  	s28 =	simm.s32 $_size_execute0_lowered;
	s3 =	sadd.s32 s3, s5;
	[dreg:$0x0] =	wrdreg $0x0  }
0xa8: {  	s5 =	sshll.u32 s28, $0x1;
	[dreg:$0x2] =	wrdreg s3  }
0xa9: {  	[dreg:$0x3] =	wrdreg s5  }
0xaa: {  	[dreg:$0x4] =	wrdreg $0xC0  }
0xab: {  	_ =	task [dreg:s7], $0x5FFFF  }
0xac: {  	[dreg:$0x1] =	wrdreg $0xFFFFFFFF  }
0xad: {  	[dreg:$0x0] =	wrdreg $0x60  }
0xae: {  	[dreg:$0x2] =	wrdreg s2  }
0xaf: {  	[dreg:$0x3] =	wrdreg s24  }
0xb0: {  	[dreg:$0x4] =	wrdreg $0x0  }
0xb1: {  	[dreg:$0x5] =	wrdreg $0x9  }
0xb2: {  	_ =	task.clear_ibuf [dreg:s7], $0x6FFFF;
	_ =	strace $0x9000004C  }
0xb3: {  	s29 =	simm.s32 $0x9;
	_ =	strace $0x8000004E  }
0xb4: {  	_ =	swait.ge [sflag:s29], $0x1  }
0xb5: {  	[sflag:s29] =	ssyncadd.s32 $0xFFFFFFFF  }
0xb6: {  	_ =	strace $0x9000004E  }
0xb7: {  	_ =	sfence  }
0xb8: {  	s30 =	sld [smem:$0x0];
	_ =	sdelay $0x2  }
0xb9: {  	s31 =	sshll.u32 s1, $0xD;
	s1 =	sshrl.u32 s1, $0x2  }
0xba: {  	s3 =	sand.u32 $0x4000, s31;
	s1 =	sadd.s32 s1, s30  }
0xbb: {  	s0 =	sor.u32 s3, s0;
	s1 =	sshll.u32 s1, $0x11  }
0xbc: {  	s0 =	sor.u32 s1, s0  }
0xbd: {  	s0 =	sadd.s32 $0x8F2B, s0  }
0xbe: {  	[sflag:s0] =	ssyncadd.remote.s32 $0x1  }
0xbf: {  	_ =	sfence.sel $0xFFFF  }
0xc0: {  	[dreg:$0x0] =	wrdreg $0xFFFFFFFF;
	(pc) =	sbr.abs _section_cstart, $3  }
0xc1: {  	[dreg:$0x1] =	wrdreg $0xFFFFFFFF  }
0xc2: {  	_ =	task.clear_ibuf [dreg:s7], $0x2FFFF;
	_ =	strace $0x9FFFFFFF  }
0xc3: {  	(tm) =	ssettm $0x7FFFFFFF  }
tec
execute0_lowered:
.L_overlay_start_1:
0x0: {  	(tag) =	ssettag $0x1  }
0x1: {  	s1 =	rddreg [dreg:$0x0]  }
0x2: {  	s0 =	srdreg.scid;
	s5 =	rddreg [dreg:$0x1]  }
0x3: {  	s9 =	stileid.u32;
	s3 =	rddreg [dreg:$0x2]  }
0x4: {  	s4 =	simm.s32 $0x0;
	s11 =	simm.s32 $0x14080;
	s13 =	simm.s32 $0x14100  }
0x5: {  	s15 =	simm.s32 $0x14880;
	s16 =	simm.s32 $0x14180;
	s17 =	simm.s32 $0x14900  }
0x6: {  	s18 =	simm.s32 $0x14200;
	s19 =	simm.s32 $0x14980;
	[smem:$0x7FF] =	sst s4  }
0x7: {  	s20 =	simm.s32 $0x14280;
	_ =	strace $0x8000004D;
	[dreg:$0x6] =	wrdreg s11  }
0x8: {  	s21 =	simm.s32 $0x14A00;
	s22 =	simm.s32 $0x14300;
	[dreg:$0x7] =	wrdreg s13  }
0x9: {  	s23 =	simm.s32 $0x14A80;
	s28 =	simm.s32 $0x14600;
	[dreg:$0x8] =	wrdreg s15  }
0xa: {  	s29 =	simm.s32 $0x14D80;
	s6 =	smul.u32 $0x2800, s9;
	[dreg:$0x9] =	wrdreg s16  }
0xb: {  	s30 =	simm.s32 $0x14680;
	s8 =	smul.u32 $0x14000, s9;
	[dreg:$0xa] =	wrdreg s17  }
0xc: {  	s0 =	sand.u32 $0x1, s0;
	s25 =	smul.u32 $0x50000, s9;
	[dreg:$0xb] =	wrdreg s18  }
0xd: {  	s31 =	simm.s32 $0x14E00;
	s2 =	smul.u32 $0x28000, s0;
	[dreg:$0xc] =	wrdreg s19  }
0xe: {  	s7 =	smul.u32 $0x140000, s0;
	s0 =	ssub.s32 $0x2, s0;
	[dreg:$0xd] =	wrdreg s20  }
0xf: {  	s13 =	simm.s32 $0x3;
	s15 =	simm.s32 $0x14800;
	[dreg:$0xe] =	wrdreg s21  }
0x10: {  	s16 =	simm.s32 $0x80;
	[dreg:$0xf] =	wrdreg s22;
	s17 =	simm.s32 $0x19000  }
0x11: {  	[dreg:$0x10] =	wrdreg s23;
	s18 =	simm.s32 $0x1;
	s19 =	simm.s32 $0x2  }
0x12: {  	s20 =	simm.s32 $0x14B80;
	s21 =	simm.s32 $0x14480;
	s22 =	simm.s32 $0x14C00  }
0x13: {  	s26 =	sshrl.u32 s0, $0x1;
	s2 =	sadd.s32 s6, s2;
	s24 =	sadd.s32 s8, s7  }
0x14: {  	s0 =	ssub.s32 s0, s26;
	s8 =	sshrl.u32 s25, $0x2;
	s25 =	simm.s32 $0x14B00  }
0x15: {  	s26 =	simm.s32 $0x14400;
	s2 =	sshrl.u32 s2, $0x3;
	[dreg:$0x12] =	wrdreg s25  }
0x16: {  	s6 =	sshrl.u32 s24, $0x3;
	s0 =	smax.u32 s0, $0x1;
	[dreg:$0x13] =	wrdreg s26  }
0x17: {  	s24 =	simm.s32 $0x14380;
	s2 =	sadd.s32 s2, s5;
	[dreg:$0x1a] =	wrdreg s0  }
0x18: {  	s5 =	sadd.s32 s6, s5;
	s6 =	sadd.s32 s8, s3;
	[dreg:$0x11] =	wrdreg s24  }
0x19: {  	s23 =	simm.s32 $0x14500;
	s9 =	sadd.s32 $0xCA00, s2;
	[dreg:$0x14] =	wrdreg s6  }
0x1a: {  	s7 =	simm.s32 $0x14F00;
	s10 =	sadd.s32 $0x4000, s6;
	[dreg:$0x4] =	wrdreg s9  }
0x1b: {  	s25 =	simm.s32 $0x14580;
	s2 =	sadd.s32 $0x2A00, s2;
	[dreg:$0x15] =	wrdreg s10  }
0x1c: {  	s26 =	simm.s32 $0x14D00;
	s12 =	sadd.s32 $0x8000, s6;
	[dreg:$0x5] =	wrdreg s2  }
0x1d: {  	s24 =	simm.s32 $0x14C80;
	s14 =	sadd.s32 $0xC000, s6;
	[dreg:$0x16] =	wrdreg s12  }
0x1e: {  	s0 =	simm.s32 $0x14E80;
	s6 =	sadd.s32 $0x10000, s6;
	[dreg:$0x17] =	wrdreg s14  }
0x1f: {  	s8 =	simm.s32 $0x14F80;
	s5 =	sadd.s32 $0x66A00, s5;
	[dreg:$0x18] =	wrdreg s6  }
0x20: {  	[dreg:$0x19] =	wrdreg s5;
	s12 =	simm.s32 $0x15000;
	s14 =	simm.s32 $0x14000  }
0x21: {  	v0 =	vimm.f32 $0.0e+00;
	s2 =	simm.s32 $0x14700;
	s6 =	simm.s32 $0x14780;
	s9 =	simm.s32 $0x0  }
.LBB2_1:
0x22: {  	s10 =	simm.s32 $0x0;
	s11 =	simm.s32 $0x200  }
.LBB2_2:
0x23: {  	p0 =	sne.s32 s11, $0xFE00;
	[tilespmem:s10+$0x15070] =	vst v0  }
0x24: {  	[tilespmem:s10+$0x15000] =	vst v0  }
0x25: {  	[tilespmem:s10+$0x15010] =	vst v0  }
.Ltmp0:
0x26: {  	[tilespmem:s10+$0x15020] =	vst v0;
	(pc) =	sbr.rel @p0 .LBB2_2-.Ltmp0, $4  }
0x27: {  	[tilespmem:s10+$0x15030] =	vst v0  }
0x28: {  	[tilespmem:s10+$0x15040] =	vst v0  }
0x29: {  	[tilespmem:s10+$0x15050] =	vst v0  }
0x2a: {  	[tilespmem:s10+$0x15060] =	vst v0;
	s10 =	sshra.s32 s11, $0x2;
	s11 =	sadd.s32 $0x200, s11  }
0x2b: {  	[tilespmem:s10+$0x15070] =	vst v0  }
0x2c: {  	[tilespmem:s10+$0x15000] =	vst v0  }
0x2d: {  	[tilespmem:s10+$0x15010] =	vst v0  }
0x2e: {  	[tilespmem:s10+$0x15020] =	vst v0  }
0x2f: {  	[tilespmem:s10+$0x15030] =	vst v0  }
0x30: {  	[tilespmem:s10+$0x15040] =	vst v0  }
0x31: {  	[dreg:$0x1b] =	wrdreg s9;
	[tilespmem:s10+$0x15050] =	vst v0  }
0x32: {  	[tilespmem:s10+$0x15060] =	vst v0;
	s5 =	rddreg [dreg:$0x14]  }
0x33: {  	[spmem:s5] =	stream.linear.scatter [tilespmem:s12], [sflag:$0x3], $0x4000, $0x38;
	[tilespmem:$0x1D000] =	vst v63  }
0x34: {  	_ =	swait.ge [sflag:s13], $0x4000  }
0x35: {  	[sflag:s13] =	ssyncset.done $0x0  }
0x36: {  	s10 =	rddreg [dreg:$0x15];
	[sflag:s13] =	ssyncadd.s32 $0xFFFFC000  }
0x37: {  	[spmem:s10] =	stream.linear.scatter [tilespmem:s12], [sflag:$0x3], $0x4000, $0x38;
	[tilespmem:$0x1D000] =	vst v63  }
0x38: {  	_ =	swait.ge [sflag:s13], $0x4000  }
0x39: {  	[sflag:s13] =	ssyncset.done $0x0  }
0x3a: {  	s11 =	rddreg [dreg:$0x16];
	[sflag:s13] =	ssyncadd.s32 $0xFFFFC000  }
0x3b: {  	[spmem:s11] =	stream.linear.scatter [tilespmem:s12], [sflag:$0x3], $0x4000, $0x38;
	[tilespmem:$0x1D000] =	vst v63  }
0x3c: {  	_ =	swait.ge [sflag:s13], $0x4000  }
0x3d: {  	[sflag:s13] =	ssyncset.done $0x0  }
0x3e: {  	s9 =	rddreg [dreg:$0x17];
	[sflag:s13] =	ssyncadd.s32 $0xFFFFC000  }
0x3f: {  	[spmem:s9] =	stream.linear.scatter [tilespmem:s12], [sflag:$0x3], $0x4000, $0x38;
	[tilespmem:$0x1D000] =	vst v63  }
0x40: {  	_ =	swait.ge [sflag:s13], $0x4000  }
0x41: {  	[sflag:s13] =	ssyncset.done $0x0  }
0x42: {  	s10 =	rddreg [dreg:$0x18];
	[sflag:s13] =	ssyncadd.s32 $0xFFFFC000  }
0x43: {  	[spmem:s10] =	stream.linear.scatter [tilespmem:s12], [sflag:$0x3], $0x4000, $0x38;
	[tilespmem:$0x1D000] =	vst v63  }
0x44: {  	_ =	swait.ge [sflag:s13], $0x4000  }
0x45: {  	[sflag:s13] =	ssyncset.done $0x0  }
0x46: {  	[sflag:s13] =	ssyncadd.s32 $0xFFFFC000  }
0x47: {  	[bflag:$0x0] =	sbarrier.arrive $0xFFFF  }
0x48: {  	s11 =	rddreg [dreg:$0x5]  }
0x49: {  	s5 =	sadd.s32 $0x0, s11  }
0x4a: {  	[tilespmem:s14], [sflag:$0x3] =	stream.linear.gather [hbm4b:s5+s4], $0x800, $0x38;
	[tilespmem:$0x1D000] =	vst v63  }
0x4b: {  	_ =	swait.ge [sflag:s13], $0x800  }
0x4c: {  	s9 =	rddreg [dreg:$0x4];
	[sflag:s13] =	ssyncset.done $0x0  }
0x4d: {  	[sflag:s13] =	ssyncadd.s32 $0xFFFFF800;
	s5 =	sadd.s32 $0x0, s9  }
0x4e: {  	[tilespmem:s15], [sflag:$0x3] =	stream.linear.gather [hbm4b:s5+s4], $0x800, $0x38;
	[tilespmem:$0x1D000] =	vst v63  }
0x4f: {  	_ =	swait.ge [sflag:s13], $0x800  }
0x50: {  	[sflag:s13] =	ssyncset.done $0x0  }
0x51: {  	[sflag:s13] =	ssyncadd.s32 $0xFFFFF800  }
0x52: {  	[tilespmem:s12], [sflag:$0x1] =	stream.indirect.gather [hbm4b:s1+s16], $0x80, s14, s16, $0xb8;
	[tilespmem:$0x1D000] =	vst v63  }
0x53: {  	s10 =	rddreg [dreg:$0x6]  }
0x54: {  	[tilespmem:s17], [sflag:$0x2] =	stream.indirect.gather [hbm4b:s1+s16], $0x80, s10, s16, $0xb8;
	[tilespmem:$0x1D000] =	vst v63  }
0x55: {  	_ =	swait.ge [sflag:s18], $0x4000  }
0x56: {  	[sflag:s18] =	ssyncset.done $0x0  }
0x57: {  	[sflag:s18] =	ssyncadd.s32 $0xFFFFC000  }
0x58: {  	[spmem:s3] =	stream.indirect.scatter.add.f32 [tilespmem:s12], [sflag:$0x3], $0x80, s15, s16, $0xb8;
	[tilespmem:$0x1D000] =	vst v63  }
0x59: {  	_ =	swait.ge [sflag:s13], $0x4000  }
0x5a: {  	[sflag:s13] =	ssyncset.done $0x0  }
0x5b: {  	s11 =	rddreg [dreg:$0x7];
	[sflag:s13] =	ssyncadd.s32 $0xFFFFC000  }
0x5c: {  	[tilespmem:s12], [sflag:$0x1] =	stream.indirect.gather [hbm4b:s1+s16], $0x80, s11, s16, $0xb8;
	[tilespmem:$0x1D000] =	vst v63  }
0x5d: {  	_ =	swait.ge [sflag:s19], $0x4000  }
0x5e: {  	[sflag:s19] =	ssyncset.done $0x0  }
0x5f: {  	s9 =	rddreg [dreg:$0x8];
	[sflag:s19] =	ssyncadd.s32 $0xFFFFC000  }
0x60: {  	[spmem:s3] =	stream.indirect.scatter.add.f32 [tilespmem:s17], [sflag:$0x3], $0x80, s9, s16, $0xb8;
	[tilespmem:$0x1D000] =	vst v63  }
0x61: {  	_ =	swait.ge [sflag:s13], $0x4000  }
0x62: {  	[sflag:s13] =	ssyncset.done $0x0  }
0x63: {  	s10 =	rddreg [dreg:$0x9];
	[sflag:s13] =	ssyncadd.s32 $0xFFFFC000  }
0x64: {  	[tilespmem:s17], [sflag:$0x2] =	stream.indirect.gather [hbm4b:s1+s16], $0x80, s10, s16, $0xb8;
	[tilespmem:$0x1D000] =	vst v63  }
0x65: {  	_ =	swait.ge [sflag:s18], $0x4000  }
0x66: {  	[sflag:s18] =	ssyncset.done $0x0  }
0x67: {  	s11 =	rddreg [dreg:$0xa];
	[sflag:s18] =	ssyncadd.s32 $0xFFFFC000  }
0x68: {  	[spmem:s3] =	stream.indirect.scatter.add.f32 [tilespmem:s12], [sflag:$0x3], $0x80, s11, s16, $0xb8;
	[tilespmem:$0x1D000] =	vst v63  }
0x69: {  	_ =	swait.ge [sflag:s13], $0x4000  }
0x6a: {  	[sflag:s13] =	ssyncset.done $0x0  }
0x6b: {  	s9 =	rddreg [dreg:$0xb];
	[sflag:s13] =	ssyncadd.s32 $0xFFFFC000  }
0x6c: {  	[tilespmem:s12], [sflag:$0x1] =	stream.indirect.gather [hbm4b:s1+s16], $0x80, s9, s16, $0xb8;
	[tilespmem:$0x1D000] =	vst v63  }
0x6d: {  	_ =	swait.ge [sflag:s19], $0x4000  }
0x6e: {  	[sflag:s19] =	ssyncset.done $0x0  }
0x6f: {  	s10 =	rddreg [dreg:$0xc];
	[sflag:s19] =	ssyncadd.s32 $0xFFFFC000  }
0x70: {  	[spmem:s3] =	stream.indirect.scatter.add.f32 [tilespmem:s17], [sflag:$0x3], $0x80, s10, s16, $0xb8;
	[tilespmem:$0x1D000] =	vst v63  }
0x71: {  	_ =	swait.ge [sflag:s13], $0x4000  }
0x72: {  	[sflag:s13] =	ssyncset.done $0x0  }
0x73: {  	s11 =	rddreg [dreg:$0xd];
	[sflag:s13] =	ssyncadd.s32 $0xFFFFC000  }
0x74: {  	[tilespmem:s17], [sflag:$0x2] =	stream.indirect.gather [hbm4b:s1+s16], $0x80, s11, s16, $0xb8;
	[tilespmem:$0x1D000] =	vst v63  }
0x75: {  	_ =	swait.ge [sflag:s18], $0x4000  }
0x76: {  	[sflag:s18] =	ssyncset.done $0x0  }
0x77: {  	s9 =	rddreg [dreg:$0xe];
	[sflag:s18] =	ssyncadd.s32 $0xFFFFC000  }
0x78: {  	[spmem:s3] =	stream.indirect.scatter.add.f32 [tilespmem:s12], [sflag:$0x3], $0x80, s9, s16, $0xb8;
	[tilespmem:$0x1D000] =	vst v63  }
0x79: {  	_ =	swait.ge [sflag:s13], $0x4000  }
0x7a: {  	[sflag:s13] =	ssyncset.done $0x0  }
0x7b: {  	s10 =	rddreg [dreg:$0xf];
	[sflag:s13] =	ssyncadd.s32 $0xFFFFC000  }
0x7c: {  	[tilespmem:s12], [sflag:$0x1] =	stream.indirect.gather [hbm4b:s1+s16], $0x80, s10, s16, $0xb8;
	[tilespmem:$0x1D000] =	vst v63  }
0x7d: {  	_ =	swait.ge [sflag:s19], $0x4000  }
0x7e: {  	[sflag:s19] =	ssyncset.done $0x0  }
0x7f: {  	s11 =	rddreg [dreg:$0x10];
	[sflag:s19] =	ssyncadd.s32 $0xFFFFC000  }
0x80: {  	[spmem:s3] =	stream.indirect.scatter.add.f32 [tilespmem:s17], [sflag:$0x3], $0x80, s11, s16, $0xb8;
	[tilespmem:$0x1D000] =	vst v63  }
0x81: {  	_ =	swait.ge [sflag:s13], $0x4000  }
0x82: {  	[sflag:s13] =	ssyncset.done $0x0  }
0x83: {  	s9 =	rddreg [dreg:$0x11];
	[sflag:s13] =	ssyncadd.s32 $0xFFFFC000  }
0x84: {  	[tilespmem:s17], [sflag:$0x2] =	stream.indirect.gather [hbm4b:s1+s16], $0x80, s9, s16, $0xb8;
	[tilespmem:$0x1D000] =	vst v63  }
0x85: {  	_ =	swait.ge [sflag:s18], $0x4000  }
0x86: {  	[sflag:s18] =	ssyncset.done $0x0  }
0x87: {  	s10 =	rddreg [dreg:$0x12];
	[sflag:s18] =	ssyncadd.s32 $0xFFFFC000  }
0x88: {  	[spmem:s3] =	stream.indirect.scatter.add.f32 [tilespmem:s12], [sflag:$0x3], $0x80, s10, s16, $0xb8;
	[tilespmem:$0x1D000] =	vst v63  }
0x89: {  	_ =	swait.ge [sflag:s13], $0x4000  }
0x8a: {  	[sflag:s13] =	ssyncset.done $0x0  }
0x8b: {  	s11 =	rddreg [dreg:$0x13];
	[sflag:s13] =	ssyncadd.s32 $0xFFFFC000  }
0x8c: {  	[tilespmem:s12], [sflag:$0x1] =	stream.indirect.gather [hbm4b:s1+s16], $0x80, s11, s16, $0xb8;
	[tilespmem:$0x1D000] =	vst v63  }
0x8d: {  	_ =	swait.ge [sflag:s19], $0x4000  }
0x8e: {  	[sflag:s19] =	ssyncset.done $0x0  }
0x8f: {  	[sflag:s19] =	ssyncadd.s32 $0xFFFFC000  }
0x90: {  	[spmem:s3] =	stream.indirect.scatter.add.f32 [tilespmem:s17], [sflag:$0x3], $0x80, s20, s16, $0xb8;
	[tilespmem:$0x1D000] =	vst v63  }
0x91: {  	_ =	swait.ge [sflag:s13], $0x4000  }
0x92: {  	[sflag:s13] =	ssyncset.done $0x0  }
0x93: {  	[sflag:s13] =	ssyncadd.s32 $0xFFFFC000  }
0x94: {  	[tilespmem:s17], [sflag:$0x2] =	stream.indirect.gather [hbm4b:s1+s16], $0x80, s21, s16, $0xb8;
	[tilespmem:$0x1D000] =	vst v63  }
0x95: {  	_ =	swait.ge [sflag:s18], $0x4000  }
0x96: {  	[sflag:s18] =	ssyncset.done $0x0  }
0x97: {  	[sflag:s18] =	ssyncadd.s32 $0xFFFFC000  }
0x98: {  	[spmem:s3] =	stream.indirect.scatter.add.f32 [tilespmem:s12], [sflag:$0x3], $0x80, s22, s16, $0xb8;
	[tilespmem:$0x1D000] =	vst v63  }
0x99: {  	_ =	swait.ge [sflag:s13], $0x4000  }
0x9a: {  	[sflag:s13] =	ssyncset.done $0x0  }
0x9b: {  	[sflag:s13] =	ssyncadd.s32 $0xFFFFC000  }
0x9c: {  	[tilespmem:s12], [sflag:$0x1] =	stream.indirect.gather [hbm4b:s1+s16], $0x80, s23, s16, $0xb8;
	[tilespmem:$0x1D000] =	vst v63  }
0x9d: {  	_ =	swait.ge [sflag:s19], $0x4000  }
0x9e: {  	[sflag:s19] =	ssyncset.done $0x0  }
0x9f: {  	[sflag:s19] =	ssyncadd.s32 $0xFFFFC000  }
0xa0: {  	[spmem:s3] =	stream.indirect.scatter.add.f32 [tilespmem:s17], [sflag:$0x3], $0x80, s24, s16, $0xb8;
	[tilespmem:$0x1D000] =	vst v63  }
0xa1: {  	_ =	swait.ge [sflag:s13], $0x4000  }
0xa2: {  	[sflag:s13] =	ssyncset.done $0x0  }
0xa3: {  	[sflag:s13] =	ssyncadd.s32 $0xFFFFC000  }
0xa4: {  	[tilespmem:s17], [sflag:$0x2] =	stream.indirect.gather [hbm4b:s1+s16], $0x80, s25, s16, $0xb8;
	[tilespmem:$0x1D000] =	vst v63  }
0xa5: {  	_ =	swait.ge [sflag:s18], $0x4000  }
0xa6: {  	[sflag:s18] =	ssyncset.done $0x0  }
0xa7: {  	[sflag:s18] =	ssyncadd.s32 $0xFFFFC000  }
0xa8: {  	[spmem:s3] =	stream.indirect.scatter.add.f32 [tilespmem:s12], [sflag:$0x3], $0x80, s26, s16, $0xb8;
	[tilespmem:$0x1D000] =	vst v63  }
0xa9: {  	_ =	swait.ge [sflag:s13], $0x4000  }
0xaa: {  	[sflag:s13] =	ssyncset.done $0x0  }
0xab: {  	[sflag:s13] =	ssyncadd.s32 $0xFFFFC000  }
0xac: {  	[tilespmem:s12], [sflag:$0x1] =	stream.indirect.gather [hbm4b:s1+s16], $0x80, s28, s16, $0xb8;
	[tilespmem:$0x1D000] =	vst v63  }
0xad: {  	_ =	swait.ge [sflag:s19], $0x4000  }
0xae: {  	[sflag:s19] =	ssyncset.done $0x0  }
0xaf: {  	[sflag:s19] =	ssyncadd.s32 $0xFFFFC000  }
0xb0: {  	[spmem:s3] =	stream.indirect.scatter.add.f32 [tilespmem:s17], [sflag:$0x3], $0x80, s29, s16, $0xb8;
	[tilespmem:$0x1D000] =	vst v63  }
0xb1: {  	_ =	swait.ge [sflag:s13], $0x4000  }
0xb2: {  	[sflag:s13] =	ssyncset.done $0x0  }
0xb3: {  	[sflag:s13] =	ssyncadd.s32 $0xFFFFC000  }
0xb4: {  	[tilespmem:s17], [sflag:$0x2] =	stream.indirect.gather [hbm4b:s1+s16], $0x80, s30, s16, $0xb8;
	[tilespmem:$0x1D000] =	vst v63  }
0xb5: {  	_ =	swait.ge [sflag:s18], $0x4000  }
0xb6: {  	[sflag:s18] =	ssyncset.done $0x0  }
0xb7: {  	[sflag:s18] =	ssyncadd.s32 $0xFFFFC000  }
0xb8: {  	[spmem:s3] =	stream.indirect.scatter.add.f32 [tilespmem:s12], [sflag:$0x3], $0x80, s31, s16, $0xb8;
	[tilespmem:$0x1D000] =	vst v63  }
0xb9: {  	_ =	swait.ge [sflag:s13], $0x4000  }
0xba: {  	[sflag:s13] =	ssyncset.done $0x0  }
0xbb: {  	[sflag:s13] =	ssyncadd.s32 $0xFFFFC000  }
0xbc: {  	[tilespmem:s12], [sflag:$0x1] =	stream.indirect.gather [hbm4b:s1+s16], $0x80, s2, s16, $0xb8;
	[tilespmem:$0x1D000] =	vst v63  }
0xbd: {  	_ =	swait.ge [sflag:s19], $0x4000  }
0xbe: {  	[sflag:s19] =	ssyncset.done $0x0  }
0xbf: {  	[sflag:s19] =	ssyncadd.s32 $0xFFFFC000  }
0xc0: {  	[spmem:s3] =	stream.indirect.scatter.add.f32 [tilespmem:s17], [sflag:$0x3], $0x80, s0, s16, $0xb8;
	[tilespmem:$0x1D000] =	vst v63  }
0xc1: {  	_ =	swait.ge [sflag:s13], $0x4000  }
0xc2: {  	[sflag:s13] =	ssyncset.done $0x0  }
0xc3: {  	[sflag:s13] =	ssyncadd.s32 $0xFFFFC000  }
0xc4: {  	[tilespmem:s17], [sflag:$0x2] =	stream.indirect.gather [hbm4b:s1+s16], $0x80, s6, s16, $0xb8;
	[tilespmem:$0x1D000] =	vst v63  }
0xc5: {  	_ =	swait.ge [sflag:s18], $0x4000  }
0xc6: {  	[sflag:s18] =	ssyncset.done $0x0  }
0xc7: {  	[sflag:s18] =	ssyncadd.s32 $0xFFFFC000  }
0xc8: {  	[spmem:s3] =	stream.indirect.scatter.add.f32 [tilespmem:s12], [sflag:$0x3], $0x80, s7, s16, $0xb8;
	[tilespmem:$0x1D000] =	vst v63  }
0xc9: {  	_ =	swait.ge [sflag:s13], $0x4000  }
0xca: {  	[sflag:s13] =	ssyncset.done $0x0  }
0xcb: {  	[sflag:s13] =	ssyncadd.s32 $0xFFFFC000  }
0xcc: {  	_ =	swait.ge [sflag:s19], $0x4000  }
0xcd: {  	[sflag:s19] =	ssyncset.done $0x0  }
0xce: {  	[sflag:s19] =	ssyncadd.s32 $0xFFFFC000  }
0xcf: {  	[spmem:s3] =	stream.indirect.scatter.add.f32 [tilespmem:s17], [sflag:$0x3], $0x80, s8, s16, $0xb8;
	[tilespmem:$0x1D000] =	vst v63  }
0xd0: {  	s10 =	simm.s32 $0x100;
	_ =	swait.ge [sflag:s13], $0x4000  }
0xd1: {  	s11 =	simm.s32 $0x200;
	s5 =	rddreg [dreg:$0x5];
	[sflag:s13] =	ssyncset.done $0x0  }
.LBB2_4:
0xd2: {  	[sflag:s13] =	ssyncadd.s32 $0xFFFFC000;
	s5 =	sadd.s32 s10, s5  }
0xd3: {  	[tilespmem:s14], [sflag:$0x3] =	stream.linear.gather [hbm4b:s5+s4], $0x800, $0x38;
	[tilespmem:$0x1D000] =	vst v63  }
0xd4: {  	_ =	swait.ge [sflag:s13], $0x800  }
0xd5: {  	s5 =	rddreg [dreg:$0x4];
	[sflag:s13] =	ssyncset.done $0x0  }
0xd6: {  	[sflag:s13] =	ssyncadd.s32 $0xFFFFF800;
	s5 =	sadd.s32 s10, s5  }
0xd7: {  	[tilespmem:s15], [sflag:$0x3] =	stream.linear.gather [hbm4b:s5+s4], $0x800, $0x38;
	[tilespmem:$0x1D000] =	vst v63  }
0xd8: {  	_ =	swait.ge [sflag:s13], $0x800  }
0xd9: {  	[sflag:s13] =	ssyncset.done $0x0  }
0xda: {  	s9 =	smov.u32 s11;
	[sflag:s13] =	ssyncadd.s32 $0xFFFFF800  }
0xdb: {  	[tilespmem:s12], [sflag:$0x1] =	stream.indirect.gather [hbm4b:s1+s16], $0x80, s14, s16, $0xb8;
	[tilespmem:$0x1D000] =	vst v63  }
0xdc: {  	s10 =	smov.u32 s9;
	s9 =	rddreg [dreg:$0x6]  }
0xdd: {  	[tilespmem:s17], [sflag:$0x2] =	stream.indirect.gather [hbm4b:s1+s16], $0x80, s9, s16, $0xb8;
	[tilespmem:$0x1D000] =	vst v63  }
0xde: {  	_ =	swait.ge [sflag:s18], $0x4000  }
0xdf: {  	[sflag:s18] =	ssyncset.done $0x0  }
0xe0: {  	[sflag:s18] =	ssyncadd.s32 $0xFFFFC000  }
0xe1: {  	[spmem:s3] =	stream.indirect.scatter.add.f32 [tilespmem:s12], [sflag:$0x3], $0x80, s15, s16, $0xb8;
	[tilespmem:$0x1D000] =	vst v63  }
0xe2: {  	_ =	swait.ge [sflag:s13], $0x4000  }
0xe3: {  	[sflag:s13] =	ssyncset.done $0x0  }
0xe4: {  	s9 =	rddreg [dreg:$0x7];
	[sflag:s13] =	ssyncadd.s32 $0xFFFFC000  }
0xe5: {  	[tilespmem:s12], [sflag:$0x1] =	stream.indirect.gather [hbm4b:s1+s16], $0x80, s9, s16, $0xb8;
	[tilespmem:$0x1D000] =	vst v63  }
0xe6: {  	_ =	swait.ge [sflag:s19], $0x4000  }
0xe7: {  	[sflag:s19] =	ssyncset.done $0x0  }
0xe8: {  	s9 =	rddreg [dreg:$0x8];
	[sflag:s19] =	ssyncadd.s32 $0xFFFFC000  }
0xe9: {  	[spmem:s3] =	stream.indirect.scatter.add.f32 [tilespmem:s17], [sflag:$0x3], $0x80, s9, s16, $0xb8;
	[tilespmem:$0x1D000] =	vst v63  }
0xea: {  	_ =	swait.ge [sflag:s13], $0x4000  }
0xeb: {  	[sflag:s13] =	ssyncset.done $0x0  }
0xec: {  	s9 =	rddreg [dreg:$0x9];
	[sflag:s13] =	ssyncadd.s32 $0xFFFFC000  }
0xed: {  	[tilespmem:s17], [sflag:$0x2] =	stream.indirect.gather [hbm4b:s1+s16], $0x80, s9, s16, $0xb8;
	[tilespmem:$0x1D000] =	vst v63  }
0xee: {  	_ =	swait.ge [sflag:s18], $0x4000  }
0xef: {  	[sflag:s18] =	ssyncset.done $0x0  }
0xf0: {  	s9 =	rddreg [dreg:$0xa];
	[sflag:s18] =	ssyncadd.s32 $0xFFFFC000  }
0xf1: {  	[spmem:s3] =	stream.indirect.scatter.add.f32 [tilespmem:s12], [sflag:$0x3], $0x80, s9, s16, $0xb8;
	[tilespmem:$0x1D000] =	vst v63  }
0xf2: {  	_ =	swait.ge [sflag:s13], $0x4000  }
0xf3: {  	[sflag:s13] =	ssyncset.done $0x0  }
0xf4: {  	s9 =	rddreg [dreg:$0xb];
	[sflag:s13] =	ssyncadd.s32 $0xFFFFC000  }
0xf5: {  	[tilespmem:s12], [sflag:$0x1] =	stream.indirect.gather [hbm4b:s1+s16], $0x80, s9, s16, $0xb8;
	[tilespmem:$0x1D000] =	vst v63  }
0xf6: {  	_ =	swait.ge [sflag:s19], $0x4000  }
0xf7: {  	[sflag:s19] =	ssyncset.done $0x0  }
0xf8: {  	s9 =	rddreg [dreg:$0xc];
	[sflag:s19] =	ssyncadd.s32 $0xFFFFC000  }
0xf9: {  	[spmem:s3] =	stream.indirect.scatter.add.f32 [tilespmem:s17], [sflag:$0x3], $0x80, s9, s16, $0xb8;
	[tilespmem:$0x1D000] =	vst v63  }
0xfa: {  	_ =	swait.ge [sflag:s13], $0x4000  }
0xfb: {  	[sflag:s13] =	ssyncset.done $0x0  }
0xfc: {  	s9 =	rddreg [dreg:$0xd];
	[sflag:s13] =	ssyncadd.s32 $0xFFFFC000  }
0xfd: {  	[tilespmem:s17], [sflag:$0x2] =	stream.indirect.gather [hbm4b:s1+s16], $0x80, s9, s16, $0xb8;
	[tilespmem:$0x1D000] =	vst v63  }
0xfe: {  	_ =	swait.ge [sflag:s18], $0x4000  }
0xff: {  	[sflag:s18] =	ssyncset.done $0x0  }
0x100: {  	s9 =	rddreg [dreg:$0xe];
	[sflag:s18] =	ssyncadd.s32 $0xFFFFC000  }
0x101: {  	[spmem:s3] =	stream.indirect.scatter.add.f32 [tilespmem:s12], [sflag:$0x3], $0x80, s9, s16, $0xb8;
	[tilespmem:$0x1D000] =	vst v63  }
0x102: {  	_ =	swait.ge [sflag:s13], $0x4000  }
0x103: {  	[sflag:s13] =	ssyncset.done $0x0  }
0x104: {  	s9 =	rddreg [dreg:$0xf];
	[sflag:s13] =	ssyncadd.s32 $0xFFFFC000  }
0x105: {  	[tilespmem:s12], [sflag:$0x1] =	stream.indirect.gather [hbm4b:s1+s16], $0x80, s9, s16, $0xb8;
	[tilespmem:$0x1D000] =	vst v63  }
0x106: {  	_ =	swait.ge [sflag:s19], $0x4000  }
0x107: {  	[sflag:s19] =	ssyncset.done $0x0  }
0x108: {  	s9 =	rddreg [dreg:$0x10];
	[sflag:s19] =	ssyncadd.s32 $0xFFFFC000  }
0x109: {  	[spmem:s3] =	stream.indirect.scatter.add.f32 [tilespmem:s17], [sflag:$0x3], $0x80, s9, s16, $0xb8;
	[tilespmem:$0x1D000] =	vst v63  }
0x10a: {  	_ =	swait.ge [sflag:s13], $0x4000  }
0x10b: {  	[sflag:s13] =	ssyncset.done $0x0  }
0x10c: {  	s9 =	rddreg [dreg:$0x11];
	[sflag:s13] =	ssyncadd.s32 $0xFFFFC000  }
0x10d: {  	[tilespmem:s17], [sflag:$0x2] =	stream.indirect.gather [hbm4b:s1+s16], $0x80, s9, s16, $0xb8;
	[tilespmem:$0x1D000] =	vst v63  }
0x10e: {  	_ =	swait.ge [sflag:s18], $0x4000  }
0x10f: {  	[sflag:s18] =	ssyncset.done $0x0  }
0x110: {  	s9 =	rddreg [dreg:$0x12];
	[sflag:s18] =	ssyncadd.s32 $0xFFFFC000  }
0x111: {  	[spmem:s3] =	stream.indirect.scatter.add.f32 [tilespmem:s12], [sflag:$0x3], $0x80, s9, s16, $0xb8;
	[tilespmem:$0x1D000] =	vst v63  }
0x112: {  	_ =	swait.ge [sflag:s13], $0x4000  }
0x113: {  	[sflag:s13] =	ssyncset.done $0x0  }
0x114: {  	s9 =	rddreg [dreg:$0x13];
	[sflag:s13] =	ssyncadd.s32 $0xFFFFC000  }
0x115: {  	[tilespmem:s12], [sflag:$0x1] =	stream.indirect.gather [hbm4b:s1+s16], $0x80, s9, s16, $0xb8;
	[tilespmem:$0x1D000] =	vst v63  }
0x116: {  	_ =	swait.ge [sflag:s19], $0x4000  }
0x117: {  	[sflag:s19] =	ssyncset.done $0x0  }
0x118: {  	[sflag:s19] =	ssyncadd.s32 $0xFFFFC000  }
0x119: {  	[spmem:s3] =	stream.indirect.scatter.add.f32 [tilespmem:s17], [sflag:$0x3], $0x80, s20, s16, $0xb8;
	[tilespmem:$0x1D000] =	vst v63  }
0x11a: {  	_ =	swait.ge [sflag:s13], $0x4000  }
0x11b: {  	[sflag:s13] =	ssyncset.done $0x0  }
0x11c: {  	[sflag:s13] =	ssyncadd.s32 $0xFFFFC000  }
0x11d: {  	[tilespmem:s17], [sflag:$0x2] =	stream.indirect.gather [hbm4b:s1+s16], $0x80, s21, s16, $0xb8;
	[tilespmem:$0x1D000] =	vst v63  }
0x11e: {  	_ =	swait.ge [sflag:s18], $0x4000  }
0x11f: {  	[sflag:s18] =	ssyncset.done $0x0  }
0x120: {  	[sflag:s18] =	ssyncadd.s32 $0xFFFFC000  }
0x121: {  	[spmem:s3] =	stream.indirect.scatter.add.f32 [tilespmem:s12], [sflag:$0x3], $0x80, s22, s16, $0xb8;
	[tilespmem:$0x1D000] =	vst v63  }
0x122: {  	_ =	swait.ge [sflag:s13], $0x4000  }
0x123: {  	[sflag:s13] =	ssyncset.done $0x0  }
0x124: {  	[sflag:s13] =	ssyncadd.s32 $0xFFFFC000  }
0x125: {  	[tilespmem:s12], [sflag:$0x1] =	stream.indirect.gather [hbm4b:s1+s16], $0x80, s23, s16, $0xb8;
	[tilespmem:$0x1D000] =	vst v63  }
0x126: {  	_ =	swait.ge [sflag:s19], $0x4000  }
0x127: {  	[sflag:s19] =	ssyncset.done $0x0  }
0x128: {  	[sflag:s19] =	ssyncadd.s32 $0xFFFFC000  }
0x129: {  	[spmem:s3] =	stream.indirect.scatter.add.f32 [tilespmem:s17], [sflag:$0x3], $0x80, s24, s16, $0xb8;
	[tilespmem:$0x1D000] =	vst v63  }
0x12a: {  	_ =	swait.ge [sflag:s13], $0x4000  }
0x12b: {  	[sflag:s13] =	ssyncset.done $0x0  }
0x12c: {  	[sflag:s13] =	ssyncadd.s32 $0xFFFFC000  }
0x12d: {  	[tilespmem:s17], [sflag:$0x2] =	stream.indirect.gather [hbm4b:s1+s16], $0x80, s25, s16, $0xb8;
	[tilespmem:$0x1D000] =	vst v63  }
0x12e: {  	_ =	swait.ge [sflag:s18], $0x4000  }
0x12f: {  	[sflag:s18] =	ssyncset.done $0x0  }
0x130: {  	[sflag:s18] =	ssyncadd.s32 $0xFFFFC000  }
0x131: {  	[spmem:s3] =	stream.indirect.scatter.add.f32 [tilespmem:s12], [sflag:$0x3], $0x80, s26, s16, $0xb8;
	[tilespmem:$0x1D000] =	vst v63  }
0x132: {  	_ =	swait.ge [sflag:s13], $0x4000  }
0x133: {  	[sflag:s13] =	ssyncset.done $0x0  }
0x134: {  	[sflag:s13] =	ssyncadd.s32 $0xFFFFC000  }
0x135: {  	[tilespmem:s12], [sflag:$0x1] =	stream.indirect.gather [hbm4b:s1+s16], $0x80, s28, s16, $0xb8;
	[tilespmem:$0x1D000] =	vst v63  }
0x136: {  	_ =	swait.ge [sflag:s19], $0x4000  }
0x137: {  	[sflag:s19] =	ssyncset.done $0x0  }
0x138: {  	[sflag:s19] =	ssyncadd.s32 $0xFFFFC000  }
0x139: {  	[spmem:s3] =	stream.indirect.scatter.add.f32 [tilespmem:s17], [sflag:$0x3], $0x80, s29, s16, $0xb8;
	[tilespmem:$0x1D000] =	vst v63  }
0x13a: {  	_ =	swait.ge [sflag:s13], $0x4000  }
0x13b: {  	[sflag:s13] =	ssyncset.done $0x0  }
0x13c: {  	[sflag:s13] =	ssyncadd.s32 $0xFFFFC000  }
0x13d: {  	[tilespmem:s17], [sflag:$0x2] =	stream.indirect.gather [hbm4b:s1+s16], $0x80, s30, s16, $0xb8;
	[tilespmem:$0x1D000] =	vst v63  }
0x13e: {  	_ =	swait.ge [sflag:s18], $0x4000  }
0x13f: {  	[sflag:s18] =	ssyncset.done $0x0  }
0x140: {  	[sflag:s18] =	ssyncadd.s32 $0xFFFFC000  }
0x141: {  	[spmem:s3] =	stream.indirect.scatter.add.f32 [tilespmem:s12], [sflag:$0x3], $0x80, s31, s16, $0xb8;
	[tilespmem:$0x1D000] =	vst v63  }
0x142: {  	_ =	swait.ge [sflag:s13], $0x4000  }
0x143: {  	[sflag:s13] =	ssyncset.done $0x0  }
0x144: {  	[sflag:s13] =	ssyncadd.s32 $0xFFFFC000  }
0x145: {  	[tilespmem:s12], [sflag:$0x1] =	stream.indirect.gather [hbm4b:s1+s16], $0x80, s2, s16, $0xb8;
	[tilespmem:$0x1D000] =	vst v63  }
0x146: {  	_ =	swait.ge [sflag:s19], $0x4000  }
0x147: {  	[sflag:s19] =	ssyncset.done $0x0  }
0x148: {  	[sflag:s19] =	ssyncadd.s32 $0xFFFFC000  }
0x149: {  	[spmem:s3] =	stream.indirect.scatter.add.f32 [tilespmem:s17], [sflag:$0x3], $0x80, s0, s16, $0xb8;
	[tilespmem:$0x1D000] =	vst v63  }
0x14a: {  	_ =	swait.ge [sflag:s13], $0x4000  }
0x14b: {  	[sflag:s13] =	ssyncset.done $0x0  }
0x14c: {  	[sflag:s13] =	ssyncadd.s32 $0xFFFFC000  }
0x14d: {  	[tilespmem:s17], [sflag:$0x2] =	stream.indirect.gather [hbm4b:s1+s16], $0x80, s6, s16, $0xb8;
	[tilespmem:$0x1D000] =	vst v63  }
0x14e: {  	_ =	swait.ge [sflag:s18], $0x4000  }
0x14f: {  	[sflag:s18] =	ssyncset.done $0x0  }
0x150: {  	[sflag:s18] =	ssyncadd.s32 $0xFFFFC000  }
0x151: {  	[spmem:s3] =	stream.indirect.scatter.add.f32 [tilespmem:s12], [sflag:$0x3], $0x80, s7, s16, $0xb8;
	[tilespmem:$0x1D000] =	vst v63  }
0x152: {  	_ =	swait.ge [sflag:s13], $0x4000  }
0x153: {  	[sflag:s13] =	ssyncset.done $0x0  }
0x154: {  	[sflag:s13] =	ssyncadd.s32 $0xFFFFC000  }
0x155: {  	p0 =	sne.s32 s11, $0x400;
	_ =	swait.ge [sflag:s19], $0x4000  }
.Ltmp1:
0x156: {  	[sflag:s19] =	ssyncset.done $0x0;
	(pc) =	sbr.rel @p0 .LBB2_4-.Ltmp1, $4  }
0x157: {  	[sflag:s19] =	ssyncadd.s32 $0xFFFFC000  }
0x158: {  	[spmem:s3] =	stream.indirect.scatter.add.f32 [tilespmem:s17], [sflag:$0x3], $0x80, s8, s16, $0xb8;
	[tilespmem:$0x1D000] =	vst v63  }
0x159: {  	_ =	swait.ge [sflag:s13], $0x4000  }
0x15a: {  	s11 =	sadd.s32 $0x100, s11;
	s5 =	rddreg [dreg:$0x5];
	[sflag:s13] =	ssyncset.done $0x0  }
0x15b: {  	[sflag:s13] =	ssyncadd.s32 $0xFFFFC000;
	s5 =	sadd.s32 s10, s5  }
0x15c: {  	[tilespmem:s14], [sflag:$0x3] =	stream.linear.gather [hbm4b:s5+s4], $0x800, $0x38;
	[tilespmem:$0x1D000] =	vst v63  }
0x15d: {  	_ =	swait.ge [sflag:s13], $0x800  }
0x15e: {  	s9 =	rddreg [dreg:$0x4];
	[sflag:s13] =	ssyncset.done $0x0  }
0x15f: {  	[sflag:s13] =	ssyncadd.s32 $0xFFFFF800;
	s5 =	sadd.s32 s10, s9  }
0x160: {  	[tilespmem:s15], [sflag:$0x3] =	stream.linear.gather [hbm4b:s5+s4], $0x800, $0x38;
	[tilespmem:$0x1D000] =	vst v63  }
0x161: {  	_ =	swait.ge [sflag:s13], $0x800  }
0x162: {  	[sflag:s13] =	ssyncset.done $0x0  }
0x163: {  	[sflag:s13] =	ssyncadd.s32 $0xFFFFF800  }
0x164: {  	[tilespmem:s12], [sflag:$0x1] =	stream.indirect.gather [hbm4b:s1+s16], $0x80, s14, s16, $0xb8;
	[tilespmem:$0x1D000] =	vst v63  }
0x165: {  	s11 =	rddreg [dreg:$0x6]  }
0x166: {  	[tilespmem:s17], [sflag:$0x2] =	stream.indirect.gather [hbm4b:s1+s16], $0x80, s11, s16, $0xb8;
	[tilespmem:$0x1D000] =	vst v63  }
0x167: {  	_ =	swait.ge [sflag:s18], $0x4000  }
0x168: {  	[sflag:s18] =	ssyncset.done $0x0  }
0x169: {  	[sflag:s18] =	ssyncadd.s32 $0xFFFFC000  }
0x16a: {  	[spmem:s3] =	stream.indirect.scatter.add.f32 [tilespmem:s12], [sflag:$0x3], $0x80, s15, s16, $0xb8;
	[tilespmem:$0x1D000] =	vst v63  }
0x16b: {  	_ =	swait.ge [sflag:s13], $0x4000  }
0x16c: {  	[sflag:s13] =	ssyncset.done $0x0  }
0x16d: {  	s9 =	rddreg [dreg:$0x7];
	[sflag:s13] =	ssyncadd.s32 $0xFFFFC000  }
0x16e: {  	[tilespmem:s12], [sflag:$0x1] =	stream.indirect.gather [hbm4b:s1+s16], $0x80, s9, s16, $0xb8;
	[tilespmem:$0x1D000] =	vst v63  }
0x16f: {  	_ =	swait.ge [sflag:s19], $0x4000  }
0x170: {  	[sflag:s19] =	ssyncset.done $0x0  }
0x171: {  	s10 =	rddreg [dreg:$0x8];
	[sflag:s19] =	ssyncadd.s32 $0xFFFFC000  }
0x172: {  	[spmem:s3] =	stream.indirect.scatter.add.f32 [tilespmem:s17], [sflag:$0x3], $0x80, s10, s16, $0xb8;
	[tilespmem:$0x1D000] =	vst v63  }
0x173: {  	_ =	swait.ge [sflag:s13], $0x4000  }
0x174: {  	[sflag:s13] =	ssyncset.done $0x0  }
0x175: {  	s11 =	rddreg [dreg:$0x9];
	[sflag:s13] =	ssyncadd.s32 $0xFFFFC000  }
0x176: {  	[tilespmem:s17], [sflag:$0x2] =	stream.indirect.gather [hbm4b:s1+s16], $0x80, s11, s16, $0xb8;
	[tilespmem:$0x1D000] =	vst v63  }
0x177: {  	_ =	swait.ge [sflag:s18], $0x4000  }
0x178: {  	[sflag:s18] =	ssyncset.done $0x0  }
0x179: {  	s9 =	rddreg [dreg:$0xa];
	[sflag:s18] =	ssyncadd.s32 $0xFFFFC000  }
0x17a: {  	[spmem:s3] =	stream.indirect.scatter.add.f32 [tilespmem:s12], [sflag:$0x3], $0x80, s9, s16, $0xb8;
	[tilespmem:$0x1D000] =	vst v63  }
0x17b: {  	_ =	swait.ge [sflag:s13], $0x4000  }
0x17c: {  	[sflag:s13] =	ssyncset.done $0x0  }
0x17d: {  	s10 =	rddreg [dreg:$0xb];
	[sflag:s13] =	ssyncadd.s32 $0xFFFFC000  }
0x17e: {  	[tilespmem:s12], [sflag:$0x1] =	stream.indirect.gather [hbm4b:s1+s16], $0x80, s10, s16, $0xb8;
	[tilespmem:$0x1D000] =	vst v63  }
0x17f: {  	_ =	swait.ge [sflag:s19], $0x4000  }
0x180: {  	[sflag:s19] =	ssyncset.done $0x0  }
0x181: {  	s11 =	rddreg [dreg:$0xc];
	[sflag:s19] =	ssyncadd.s32 $0xFFFFC000  }
0x182: {  	[spmem:s3] =	stream.indirect.scatter.add.f32 [tilespmem:s17], [sflag:$0x3], $0x80, s11, s16, $0xb8;
	[tilespmem:$0x1D000] =	vst v63  }
0x183: {  	_ =	swait.ge [sflag:s13], $0x4000  }
0x184: {  	[sflag:s13] =	ssyncset.done $0x0  }
0x185: {  	s9 =	rddreg [dreg:$0xd];
	[sflag:s13] =	ssyncadd.s32 $0xFFFFC000  }
0x186: {  	[tilespmem:s17], [sflag:$0x2] =	stream.indirect.gather [hbm4b:s1+s16], $0x80, s9, s16, $0xb8;
	[tilespmem:$0x1D000] =	vst v63  }
0x187: {  	_ =	swait.ge [sflag:s18], $0x4000  }
0x188: {  	[sflag:s18] =	ssyncset.done $0x0  }
0x189: {  	s10 =	rddreg [dreg:$0xe];
	[sflag:s18] =	ssyncadd.s32 $0xFFFFC000  }
0x18a: {  	[spmem:s3] =	stream.indirect.scatter.add.f32 [tilespmem:s12], [sflag:$0x3], $0x80, s10, s16, $0xb8;
	[tilespmem:$0x1D000] =	vst v63  }
0x18b: {  	_ =	swait.ge [sflag:s13], $0x4000  }
0x18c: {  	[sflag:s13] =	ssyncset.done $0x0  }
0x18d: {  	s11 =	rddreg [dreg:$0xf];
	[sflag:s13] =	ssyncadd.s32 $0xFFFFC000  }
0x18e: {  	[tilespmem:s12], [sflag:$0x1] =	stream.indirect.gather [hbm4b:s1+s16], $0x80, s11, s16, $0xb8;
	[tilespmem:$0x1D000] =	vst v63  }
0x18f: {  	_ =	swait.ge [sflag:s19], $0x4000  }
0x190: {  	[sflag:s19] =	ssyncset.done $0x0  }
0x191: {  	s9 =	rddreg [dreg:$0x10];
	[sflag:s19] =	ssyncadd.s32 $0xFFFFC000  }
0x192: {  	[spmem:s3] =	stream.indirect.scatter.add.f32 [tilespmem:s17], [sflag:$0x3], $0x80, s9, s16, $0xb8;
	[tilespmem:$0x1D000] =	vst v63  }
0x193: {  	_ =	swait.ge [sflag:s13], $0x4000  }
0x194: {  	[sflag:s13] =	ssyncset.done $0x0  }
0x195: {  	s10 =	rddreg [dreg:$0x11];
	[sflag:s13] =	ssyncadd.s32 $0xFFFFC000  }
0x196: {  	[tilespmem:s17], [sflag:$0x2] =	stream.indirect.gather [hbm4b:s1+s16], $0x80, s10, s16, $0xb8;
	[tilespmem:$0x1D000] =	vst v63  }
0x197: {  	_ =	swait.ge [sflag:s18], $0x4000  }
0x198: {  	[sflag:s18] =	ssyncset.done $0x0  }
0x199: {  	s11 =	rddreg [dreg:$0x12];
	[sflag:s18] =	ssyncadd.s32 $0xFFFFC000  }
0x19a: {  	[spmem:s3] =	stream.indirect.scatter.add.f32 [tilespmem:s12], [sflag:$0x3], $0x80, s11, s16, $0xb8;
	[tilespmem:$0x1D000] =	vst v63  }
0x19b: {  	_ =	swait.ge [sflag:s13], $0x4000  }
0x19c: {  	[sflag:s13] =	ssyncset.done $0x0  }
0x19d: {  	s9 =	rddreg [dreg:$0x13];
	[sflag:s13] =	ssyncadd.s32 $0xFFFFC000  }
0x19e: {  	[tilespmem:s12], [sflag:$0x1] =	stream.indirect.gather [hbm4b:s1+s16], $0x80, s9, s16, $0xb8;
	[tilespmem:$0x1D000] =	vst v63  }
0x19f: {  	_ =	swait.ge [sflag:s19], $0x4000  }
0x1a0: {  	[sflag:s19] =	ssyncset.done $0x0  }
0x1a1: {  	[sflag:s19] =	ssyncadd.s32 $0xFFFFC000  }
0x1a2: {  	[spmem:s3] =	stream.indirect.scatter.add.f32 [tilespmem:s17], [sflag:$0x3], $0x80, s20, s16, $0xb8;
	[tilespmem:$0x1D000] =	vst v63  }
0x1a3: {  	_ =	swait.ge [sflag:s13], $0x4000  }
0x1a4: {  	[sflag:s13] =	ssyncset.done $0x0  }
0x1a5: {  	[sflag:s13] =	ssyncadd.s32 $0xFFFFC000  }
0x1a6: {  	[tilespmem:s17], [sflag:$0x2] =	stream.indirect.gather [hbm4b:s1+s16], $0x80, s21, s16, $0xb8;
	[tilespmem:$0x1D000] =	vst v63  }
0x1a7: {  	_ =	swait.ge [sflag:s18], $0x4000  }
0x1a8: {  	[sflag:s18] =	ssyncset.done $0x0  }
0x1a9: {  	[sflag:s18] =	ssyncadd.s32 $0xFFFFC000  }
0x1aa: {  	[spmem:s3] =	stream.indirect.scatter.add.f32 [tilespmem:s12], [sflag:$0x3], $0x80, s22, s16, $0xb8;
	[tilespmem:$0x1D000] =	vst v63  }
0x1ab: {  	_ =	swait.ge [sflag:s13], $0x4000  }
0x1ac: {  	[sflag:s13] =	ssyncset.done $0x0  }
0x1ad: {  	[sflag:s13] =	ssyncadd.s32 $0xFFFFC000  }
0x1ae: {  	[tilespmem:s12], [sflag:$0x1] =	stream.indirect.gather [hbm4b:s1+s16], $0x80, s23, s16, $0xb8;
	[tilespmem:$0x1D000] =	vst v63  }
0x1af: {  	_ =	swait.ge [sflag:s19], $0x4000  }
0x1b0: {  	[sflag:s19] =	ssyncset.done $0x0  }
0x1b1: {  	[sflag:s19] =	ssyncadd.s32 $0xFFFFC000  }
0x1b2: {  	[spmem:s3] =	stream.indirect.scatter.add.f32 [tilespmem:s17], [sflag:$0x3], $0x80, s24, s16, $0xb8;
	[tilespmem:$0x1D000] =	vst v63  }
0x1b3: {  	_ =	swait.ge [sflag:s13], $0x4000  }
0x1b4: {  	[sflag:s13] =	ssyncset.done $0x0  }
0x1b5: {  	[sflag:s13] =	ssyncadd.s32 $0xFFFFC000  }
0x1b6: {  	[tilespmem:s17], [sflag:$0x2] =	stream.indirect.gather [hbm4b:s1+s16], $0x80, s25, s16, $0xb8;
	[tilespmem:$0x1D000] =	vst v63  }
0x1b7: {  	_ =	swait.ge [sflag:s18], $0x4000  }
0x1b8: {  	[sflag:s18] =	ssyncset.done $0x0  }
0x1b9: {  	[sflag:s18] =	ssyncadd.s32 $0xFFFFC000  }
0x1ba: {  	[spmem:s3] =	stream.indirect.scatter.add.f32 [tilespmem:s12], [sflag:$0x3], $0x80, s26, s16, $0xb8;
	[tilespmem:$0x1D000] =	vst v63  }
0x1bb: {  	_ =	swait.ge [sflag:s13], $0x4000  }
0x1bc: {  	[sflag:s13] =	ssyncset.done $0x0  }
0x1bd: {  	[sflag:s13] =	ssyncadd.s32 $0xFFFFC000  }
0x1be: {  	[tilespmem:s12], [sflag:$0x1] =	stream.indirect.gather [hbm4b:s1+s16], $0x80, s28, s16, $0xb8;
	[tilespmem:$0x1D000] =	vst v63  }
0x1bf: {  	_ =	swait.ge [sflag:s19], $0x4000  }
0x1c0: {  	[sflag:s19] =	ssyncset.done $0x0  }
0x1c1: {  	[sflag:s19] =	ssyncadd.s32 $0xFFFFC000  }
0x1c2: {  	[spmem:s3] =	stream.indirect.scatter.add.f32 [tilespmem:s17], [sflag:$0x3], $0x80, s29, s16, $0xb8;
	[tilespmem:$0x1D000] =	vst v63  }
0x1c3: {  	_ =	swait.ge [sflag:s13], $0x4000  }
0x1c4: {  	[sflag:s13] =	ssyncset.done $0x0  }
0x1c5: {  	[sflag:s13] =	ssyncadd.s32 $0xFFFFC000  }
0x1c6: {  	[tilespmem:s17], [sflag:$0x2] =	stream.indirect.gather [hbm4b:s1+s16], $0x80, s30, s16, $0xb8;
	[tilespmem:$0x1D000] =	vst v63  }
0x1c7: {  	_ =	swait.ge [sflag:s18], $0x4000  }
0x1c8: {  	[sflag:s18] =	ssyncset.done $0x0  }
0x1c9: {  	[sflag:s18] =	ssyncadd.s32 $0xFFFFC000  }
0x1ca: {  	[spmem:s3] =	stream.indirect.scatter.add.f32 [tilespmem:s12], [sflag:$0x3], $0x80, s31, s16, $0xb8;
	[tilespmem:$0x1D000] =	vst v63  }
0x1cb: {  	_ =	swait.ge [sflag:s13], $0x4000  }
0x1cc: {  	[sflag:s13] =	ssyncset.done $0x0  }
0x1cd: {  	[sflag:s13] =	ssyncadd.s32 $0xFFFFC000  }
0x1ce: {  	[tilespmem:s12], [sflag:$0x1] =	stream.indirect.gather [hbm4b:s1+s16], $0x80, s2, s16, $0xb8;
	[tilespmem:$0x1D000] =	vst v63  }
0x1cf: {  	_ =	swait.ge [sflag:s19], $0x4000  }
0x1d0: {  	[sflag:s19] =	ssyncset.done $0x0  }
0x1d1: {  	[sflag:s19] =	ssyncadd.s32 $0xFFFFC000  }
0x1d2: {  	[spmem:s3] =	stream.indirect.scatter.add.f32 [tilespmem:s17], [sflag:$0x3], $0x80, s0, s16, $0xb8;
	[tilespmem:$0x1D000] =	vst v63  }
0x1d3: {  	_ =	swait.ge [sflag:s13], $0x4000  }
0x1d4: {  	[sflag:s13] =	ssyncset.done $0x0  }
0x1d5: {  	[sflag:s13] =	ssyncadd.s32 $0xFFFFC000  }
0x1d6: {  	[tilespmem:s17], [sflag:$0x2] =	stream.indirect.gather [hbm4b:s1+s16], $0x80, s6, s16, $0xb8;
	[tilespmem:$0x1D000] =	vst v63  }
0x1d7: {  	_ =	swait.ge [sflag:s18], $0x4000  }
0x1d8: {  	[sflag:s18] =	ssyncset.done $0x0  }
0x1d9: {  	[sflag:s18] =	ssyncadd.s32 $0xFFFFC000  }
0x1da: {  	[spmem:s3] =	stream.indirect.scatter.add.f32 [tilespmem:s12], [sflag:$0x3], $0x80, s7, s16, $0xb8;
	[tilespmem:$0x1D000] =	vst v63  }
0x1db: {  	_ =	swait.ge [sflag:s13], $0x4000  }
0x1dc: {  	[sflag:s13] =	ssyncset.done $0x0  }
0x1dd: {  	[sflag:s13] =	ssyncadd.s32 $0xFFFFC000  }
0x1de: {  	_ =	swait.ge [sflag:s19], $0x4000  }
0x1df: {  	[sflag:s19] =	ssyncset.done $0x0  }
0x1e0: {  	[sflag:s19] =	ssyncadd.s32 $0xFFFFC000  }
0x1e1: {  	[spmem:s3] =	stream.indirect.scatter.add.f32 [tilespmem:s17], [sflag:$0x3], $0x80, s8, s16, $0xb8;
	[tilespmem:$0x1D000] =	vst v63  }
0x1e2: {  	_ =	swait.ge [sflag:s13], $0x4000  }
0x1e3: {  	[sflag:s13] =	ssyncset.done $0x0  }
0x1e4: {  	[sflag:s13] =	ssyncadd.s32 $0xFFFFC000  }
0x1e5: {  	s10 =	stileid.u32;
	[bflag:$0x0] =	sbarrier.arrive $0xFFFF  }
0x1e6: {  	s5 =	sshll.u32 s10, $0x6;
	s9 =	rddreg [dreg:$0x14]  }
0x1e7: {  	s5 =	sor.u32 $0x1C03, s5;
	s11 =	rddreg [dreg:$0x19];
	s9 =	sshrl.u32 s9, $0x3  }
0x1e8: {  	[hbm:s11], [sflag:s5] =	dma.local [spmem:s9], $0x2800  }
0x1e9: {  	_ =	swait.ge [sflag:s13], $0x2800  }
0x1ea: {  	s10 =	rddreg [dreg:$0x1b]  }
0x1eb: {  	s11 =	rddreg [dreg:$0x1a];
	s9 =	sadd.s32 $0x1, s10  }
0x1ec: {  	p0 =	sne.s32 s9, s11  }
.Ltmp2:
0x1ed: {  	_ = 	snop;
	(pc) =	sbr.rel @p0 .LBB2_1-.Ltmp2, $3  }
0x1ee: {  	_ =	sdelay $0x1  }
0x1ef: {  	[sflag:s13] =	ssyncset.done $0x0  }
0x1f0: {  	[sflag:s13] =	ssyncadd.s32 $0xFFFFD800  }
0x1f1: {  	_ =	sfence.sel $0x180000  }
0x1f2: {  	[bflag:$0x0] =	sbarrier.arrive $0xFFFF  }
0x1f3: {  	_ =	strace $0x9000004D  }
0x1f4: {  	s0 =	stileid.u32;
	[bflag:$0x2] =	sbarrier.arrive $0xFFFF  }
0x1f5: {  	p0 =	sne.s32 s0, $0x0;
	s0 =	rddreg [dreg:$0x3]  }
0x1f6: {  	s0 =	sadd.s32 @!p0 $0x100000, s0  }
0x1f7: {  	[sflag:s0] =	ssyncadd.tile.s32 @!p0 $0x1;
	_ =	shalt  }
.Lfunc_end2:
_tile_overlayer_lowered:
.L_overlay_start_2:
0x1f8: {  	(tag) =	ssettag $0x2  }
0x1f9: {  	s0 =	rddreg [dreg:$0x0];
	s2 =	stileid.u32  }
0x1fa: {  	s1 =	rddreg [dreg:$0x1];
	p0 =	sne.s32 s2, $0x0  }
0x1fb: {  	s3 =	rddreg [dreg:$0x2];
	[bflag:$0x3] =	sbarrier.arrive $0xFFFF;
	s2 =	simm.s32 @!p0 $0x1C03  }
0x1fc: {  	[timem:s3], [sflag:s2] =	dma.local @!p0 [hbm:s0], s1  }
0x1fd: {  	s0 =	simm.s32 @!p0 $0x3  }
0x1fe: {  	_ =	swait.ge @!p0 [sflag:s0], s1  }
0x1ff: {  	s1 =	ssub.s32 @!p0 $0x0, s1;
	[sflag:s0] =	ssyncset.done @!p0 $0x0  }
0x200: {  	[sflag:s0] =	ssyncadd.s32 @!p0 s1  }
0x201: {  	[bflag:$0x3] =	sbarrier.arrive $0xFFFF  }
0x202: {  	_ =	shalt  }

// kernel: kernel.8.cloned.1.call-start
scs
__scs_entry_jumppad:
0x0: {  	(pc) =	sbr.rel $0x88, $3  }
0x1: {  	(tag) =	ssettag $0x0;
	lr =	simm.s32 $0x1  }
0x2: {  	[smem:$0x3F9B] =	sst lr;
	_ =	strace $0xD0000000  }
0x3: {  	_ = 	snop  }
0x4: {  	_ = 	snop  }
0x5: {  	_ = 	snop  }
0x6: {  	_ = 	snop  }
0x7: {  	_ = 	snop  }
__scs_overlays_trampoline_lowered:
0x8: {  	[smem:$0x3FAA] =	sst s0  }
0x9: {  	[smem:$0x3FAB] =	sst s1  }
0xa: {  	[smem:$0x3FAC] =	sst s2  }
0xb: {  	[smem:$0x3FAD] =	sst s3  }
0xc: {  	[smem:$0x3FAE] =	sst s4  }
0xd: {  	[smem:$0x3FAF] =	sst s5  }
0xe: {  	[smem:$0x3FB0] =	sst s6  }
0xf: {  	[smem:$0x3FB1] =	sst s7  }
0x10: {  	[smem:$0x3FB2] =	sst s8  }
0x11: {  	[smem:$0x3FB3] =	sst s9;
	s0 =	simm.s32 @!p0 $0x0  }
0x12: {  	s1 =	sld [smem:$0x3F99];
	s0 =	simm.s32 @p0 $0x1  }
0x13: {  	[smem:$0x3FB4] =	sst s0;
	s0 =	simm.s32 @!p1 $0x0  }
0x14: {  	s2 =	sld [smem:$0x3F98];
	s0 =	simm.s32 @p1 $0x1  }
0x15: {  	[smem:$0x3FB5] =	sst s0;
	s0 =	simm.s32 @!p2 $0x0  }
0x16: {  	s3 =	sld [smem:$0x3FDB];
	s0 =	simm.s32 @p2 $0x1  }
0x17: {  	s4 =	simm.s32 $0x1BF5;
	[smem:$0x3FB7] =	sst s0  }
0x18: {  	s0 =	sld [smem:$0x3F9A];
	_ =	swait.ge [sflag:s4], $0x0  }
0x19: {  	s7 =	sld [smem:$0x3F9B]  }
0x1a: {  	s8 =	sadd.s32 $0xFFFFE003, lr  }
0x1b: {  	s9 =	sadd.s32 $0xFFFFFEF7, lr;
	s5 =	simm.s32 $0xFFFFFFFF;
	p2 =	slt.u32 s8, $0xFFFFF086  }
0x1c: {  	p1 =	slt.u32 s9, $0xF7A;
	s5 =	simm.s32 @!p2 $0x0  }
0x1d: {  	s5 =	simm.s32 @p1 $0x1;
	p0 =	seq.s32 s7, s2  }
0x1e: {  	s7 =	smul.u32 @!p0 $0xF7A, s2;
	p2 =	seq.s32 @!p0 s5, $0x0  }
0x1f: {  	s9 =	smul.u32 $0xF7A, s1;
	s8 =	simm.s32 @!p0 $0x1BF5;
	p2 =	por !p2, p0  }
0x20: {  	[sflag:s8] =	ssyncset.s32 @!p0 $0xFFFFF086;
	s6 =	sadd.s32 @!p0 s3, s7;
	s7 =	simm.s32 @!p0 $0x108  }
0x21: {  	s3 =	sadd.s32 s3, s9;
	s6 =	sadd.s32 @!p0 $0x88, s6;
	s7 =	simm.s32 @p2 $0x1082  }
0x22: {  	[simem:s7], [sflag:s8] =	dma.local @!p0 [hbm:s6], $0xF7A  }
0x23: {  	s9 =	sor.u32 $0xD0000000, s2;
	s6 =	simm.s32 $0x108;
	_ =	swait.ge @!p0 [sflag:s8], $0x0  }
0x24: {  	s3 =	sadd.s32 $0x88, s3;
	s6 =	simm.s32 @!p1 $0x1082;
	[sflag:s4] =	ssyncset.s32 $0xFFFFF086  }
0x25: {  	[simem:s6], [sflag:s4] =	dma.local [hbm:s3], $0xF7A  }
0x26: {  	[smem:$0x3F9B] =	sst s1;
	(tag) =	ssettag s2;
	_ =	strace s9  }
0x27: {  	s1 =	sld [smem:$0x3FAB]  }
0x28: {  	s2 =	sld [smem:$0x3FAC]  }
0x29: {  	s4 =	sld [smem:$0x3FAE]  }
0x2a: {  	p0 =	seq.s32 s5, $0x0;
	s5 =	sld [smem:$0x3FAF]  }
0x2b: {  	s6 =	sld [smem:$0x3FB0]  }
0x2c: {  	s7 =	sld [smem:$0x3FB1]  }
0x2d: {  	s3 =	simm.s32 $0x108;
	s8 =	sld [smem:$0x3FB2]  }
0x2e: {  	s3 =	simm.s32 @!p0 $0x1082;
	s9 =	sld [smem:$0x3FB3]  }
0x2f: {  	lr =	sadd.s32 s0, s3;
	s0 =	sld [smem:$0x3FAA]  }
0x30: {  	s3 =	sld [smem:$0x3FAD]  }
0x31: {  	[smem:$0x3FB6] =	sst s10  }
0x32: {  	s10 =	sld [smem:$0x3FB4];
	_ =	sdelay $0x3  }
0x33: {  	p0 =	seq.s32 s10, $0x1;
	s10 =	sld [smem:$0x3FB6];
	_ =	sdelay $0x3  }
0x34: {  	[smem:$0x3FB6] =	sst s10  }
0x35: {  	s10 =	sld [smem:$0x3FB5];
	_ =	sdelay $0x3  }
0x36: {  	p1 =	seq.s32 s10, $0x1;
	s10 =	sld [smem:$0x3FB6];
	_ =	sdelay $0x3  }
0x37: {  	[smem:$0x3FB6] =	sst s10  }
0x38: {  	s10 =	sld [smem:$0x3FB7]  }
0x39: {  	_ = 	snop;
	(pc) =	sbr.ind lr, $3  }
0x3a: {  	_ = 	snop  }
0x3b: {  	_ = 	snop  }
0x3c: {  	p2 =	seq.s32 s10, $0x1;
	s10 =	sld [smem:$0x3FB6]  }
0x3d: {  	_ =	shalt  }
0x3e: {  	_ =	shalt  }
0x3f: {  	_ =	shalt  }
0x40: {  	_ =	shalt  }
0x41: {  	_ =	shalt  }
0x42: {  	_ =	shalt  }
0x43: {  	_ =	shalt  }
0x44: {  	_ =	shalt  }
0x45: {  	_ =	shalt  }
0x46: {  	_ =	shalt  }
0x47: {  	_ =	shalt  }
0x48: {  	_ =	shalt  }
0x49: {  	_ =	shalt  }
0x4a: {  	_ =	shalt  }
0x4b: {  	_ =	shalt  }
0x4c: {  	_ =	shalt  }
0x4d: {  	_ =	shalt  }
0x4e: {  	_ =	shalt  }
0x4f: {  	_ =	shalt  }
0x50: {  	_ =	shalt  }
0x51: {  	_ =	shalt  }
0x52: {  	_ =	shalt  }
0x53: {  	_ =	shalt  }
0x54: {  	_ =	shalt  }
0x55: {  	_ =	shalt  }
0x56: {  	_ =	shalt  }
0x57: {  	_ =	shalt  }
0x58: {  	_ =	shalt  }
0x59: {  	_ =	shalt  }
0x5a: {  	_ =	shalt  }
0x5b: {  	_ =	shalt  }
0x5c: {  	_ =	shalt  }
0x5d: {  	_ =	shalt  }
0x5e: {  	_ =	shalt  }
0x5f: {  	_ =	shalt  }
0x60: {  	_ =	shalt  }
0x61: {  	_ =	shalt  }
0x62: {  	_ =	shalt  }
0x63: {  	_ =	shalt  }
0x64: {  	_ =	shalt  }
0x65: {  	_ =	shalt  }
0x66: {  	_ =	shalt  }
0x67: {  	_ =	shalt  }
0x68: {  	_ =	shalt  }
0x69: {  	_ =	shalt  }
0x6a: {  	_ =	shalt  }
0x6b: {  	_ =	shalt  }
0x6c: {  	_ =	shalt  }
0x6d: {  	_ =	shalt  }
0x6e: {  	_ =	shalt  }
0x6f: {  	_ =	shalt  }
0x70: {  	_ =	shalt  }
0x71: {  	_ =	shalt  }
0x72: {  	_ =	shalt  }
0x73: {  	_ =	shalt  }
0x74: {  	_ =	shalt  }
0x75: {  	_ =	shalt  }
0x76: {  	_ =	shalt  }
0x77: {  	_ =	shalt  }
0x78: {  	_ =	shalt  }
0x79: {  	_ =	shalt  }
0x7a: {  	_ =	shalt  }
0x7b: {  	_ =	shalt  }
0x7c: {  	_ =	shalt  }
0x7d: {  	_ =	shalt  }
0x7e: {  	_ =	shalt  }
0x7f: {  	_ =	shalt  }
0x80: {  	_ =	shalt  }
0x81: {  	_ =	shalt  }
0x82: {  	_ =	shalt  }
0x83: {  	_ =	shalt  }
0x84: {  	_ =	shalt  }
0x85: {  	_ =	shalt  }
0x86: {  	_ =	shalt  }
0x87: {  	_ =	shalt  }
.Lfunc_end0:
.L_simem_size_0:
called_computation_lowered:
.L_overlay_start_0:
0x88: {  	s2 =	sld [smem:$0x3FD9]  }
0x89: {  	s3 =	sld [smem:$0x3FFE];
	_ =	sdelay $0x1  }
0x8a: {  	s1 =	srdreg.scid  }
0x8b: {  	s0 =	sand.u32 $0x1, s1  }
0x8c: {  	s16 =	sshll.u32 s0, $0xA;
	s2 =	sadd.s32 s3, s2  }
0x8d: {  	s2 =	sadd.s32 s2, s16  }
0x8e: {  	[smem:$0x3FC2] =	sst s2  }
0x8f: {  	_ = 	snop  }
0x90: {  	(tm) =	ssettm $0x1  }
0x91: {  	s17 =	sld [smem:$0x3FFB];
	_ =	sdelay $0x3  }
0x92: {  	_ =	strace s17  }
0x93: {  	s2 =	sld [smem:$0x3FFC];
	_ =	sdelay $0x3  }
0x94: {  	_ =	strace s2  }
0x95: {  	s2 =	sld [smem:$0x3FFD];
	_ =	sdelay $0x3  }
0x96: {  	_ =	strace s2  }
0x97: {  	_ =	strace $0x8FFFFFFF  }
0x98: {  	s18 =	sld [smem:$0x3FDB];
	_ =	sdelay $0x1  }
0x99: {  	s19 =	simm.s32 $_scs_section_size  }
0x9a: {  	s4 =	simm.s32 $_size__tile_overlayer_lowered;
	s5 =	simm.s32 $_tile_overlayer_lowered  }
0x9b: {  	s22 =	simm.s32 $0x1BFF;
	s21 =	sshll.u32 s5, $0x1;
	s2 =	sadd.s32 s19, s18  }
0x9c: {  	s6 =	simm.s32 $0x0;
	s20 =	sshll.u32 s4, $0x1;
	s4 =	sadd.s32 s21, s2  }
0x9d: {  	[timem:s6], [sflag:s22] =	dma.local [hbm:s4], s20  }
0x9e: {  	_ =	swait.ge [sflag:s22], s20  }
0x9f: {  	s3 =	ssub.s32 $0x0, s20;
	[sflag:s22] =	ssyncset.done $0x0  }
0xa0: {  	[sflag:s22] =	ssyncadd.s32 s3;
	_ =	sdelay $0x1  }
0xa1: {  	s23 =	simm.s32 $0x1B8B  }
0xa2: {  	_ =	swait.ge [sflag:s23], $0x1  }
0xa3: {  	[sflag:s23] =	ssyncset.done $0x0  }
0xa4: {  	s25 =	simm.s32 $0x1B8E;
	s24 =	sld [smem:$0x3FFE];
	[sflag:s23] =	ssyncadd.s32 $0xFFFFFFFF  }
0xa5: {  	s26 =	simm.s32 $execute0_lowered;
	[smem:$0x3FD2] =	sst s25  }
0xa6: {  	s4 =	sshll.u32 s26, $0x1;
	_ =	strace $0x80000046;
	[dreg:$0x1] =	wrdreg $0xFFFFFFFF  }
0xa7: {  	s28 =	simm.s32 $_size_execute0_lowered;
	s2 =	sadd.s32 s2, s4;
	[dreg:$0x0] =	wrdreg $0x0  }
0xa8: {  	s4 =	sshll.u32 s28, $0x1;
	[dreg:$0x2] =	wrdreg s2  }
0xa9: {  	[dreg:$0x3] =	wrdreg s4  }
0xaa: {  	[dreg:$0x4] =	wrdreg $0xC0  }
0xab: {  	_ =	task [dreg:s6], $0x5FFFF  }
0xac: {  	[dreg:$0x1] =	wrdreg $0xFFFFFFFF  }
0xad: {  	[dreg:$0x0] =	wrdreg $0x60  }
0xae: {  	[dreg:$0x2] =	wrdreg s24  }
0xaf: {  	[dreg:$0x3] =	wrdreg $0x0  }
0xb0: {  	[dreg:$0x4] =	wrdreg $0x9  }
0xb1: {  	_ =	task.clear_ibuf [dreg:s6], $0x5FFFF;
	_ =	strace $0x90000046  }
0xb2: {  	s29 =	simm.s32 $0x9;
	_ =	strace $0x80000048  }
0xb3: {  	_ =	swait.ge [sflag:s29], $0x1  }
0xb4: {  	[sflag:s29] =	ssyncadd.s32 $0xFFFFFFFF  }
0xb5: {  	_ =	strace $0x90000048  }
0xb6: {  	_ =	sfence  }
0xb7: {  	s30 =	sld [smem:$0x0];
	_ =	sdelay $0x2  }
0xb8: {  	s31 =	sshll.u32 s1, $0xD;
	s1 =	sshrl.u32 s1, $0x2  }
0xb9: {  	s3 =	sand.u32 $0x4000, s31;
	s1 =	sadd.s32 s1, s30  }
0xba: {  	s0 =	sor.u32 s3, s0;
	s1 =	sshll.u32 s1, $0x11  }
0xbb: {  	s0 =	sor.u32 s1, s0  }
0xbc: {  	s0 =	sadd.s32 $0x8F2B, s0  }
0xbd: {  	[sflag:s0] =	ssyncadd.remote.s32 $0x1  }
0xbe: {  	_ =	sfence.sel $0xFFFF  }
0xbf: {  	[dreg:$0x0] =	wrdreg $0xFFFFFFFF;
	(pc) =	sbr.abs _section_cstart, $3  }
0xc0: {  	[dreg:$0x1] =	wrdreg $0xFFFFFFFF  }
0xc1: {  	_ =	task.clear_ibuf [dreg:s6], $0x2FFFF;
	_ =	strace $0x9FFFFFFF  }
0xc2: {  	(tm) =	ssettm $0x7FFFFFFF  }
0xc3: {  	_ =	shalt  }
tec
execute0_lowered:
.L_overlay_start_1:
0x0: {  	(tag) =	ssettag $0x1  }
0x1: {  	s5 =	rddreg [dreg:$0x0]  }
0x2: {  	s0 =	srdreg.scid;
	s2 =	rddreg [dreg:$0x1]  }
0x3: {  	s3 =	simm.s32 $0x0;
	s13 =	simm.s32 $0x1;
	s4 =	sand.u32 $0x1, s0  }
0x4: {  	s14 =	simm.s32 $0x2800;
	s0 =	stileid.u32;
	s7 =	smul.u32 $0x140000, s4  }
0x5: {  	s15 =	simm.s32 $0x80;
	s16 =	simm.s32 $0x5000;
	s8 =	smul.u32 $0x14000, s0  }
0x6: {  	[smem:$0x7FF] =	sst s3;
	s1 =	sshll.u32 s4, $0x4;
	s9 =	smul.u32 $0x50000, s0  }
0x7: {  	s4 =	ssub.s32 $0x2, s4;
	s17 =	sshll.u32 s0, $0x6;
	s1 =	sor.u32 s0, s1  }
0x8: {  	s30 =	sshrl.u32 s4, $0x1;
	s17 =	sor.u32 $0x1C01, s17;
	s6 =	smul.u32 $0x500, s1  }
0x9: {  	s1 =	rddreg [dreg:$0x2];
	_ =	strace $0x80000047;
	s31 =	sshrl.u32 s9, $0x2  }
0xa: {  	s29 =	sadd.s32 s8, s7;
	s12 =	ssub.s32 s4, s30;
	s4 =	sadd.s32 s31, s2  }
0xb: {  	s10 =	sadd.s32 s6, s5;
	s6 =	sshrl.u32 s29, $0x3;
	s7 =	sadd.s32 $0xC000, s4  }
0xc: {  	s8 =	sadd.s32 $0x10000, s4;
	s18 =	sshrl.u32 s4, $0x3;
	s11 =	sadd.s32 s6, s5  }
0xd: {  	s5 =	sadd.s32 $0x4000, s4;
	s6 =	sadd.s32 $0x8000, s4;
	s9 =	sadd.s32 $0xCA00, s10  }
0xe: {  	v0 =	vimm.f32 $6.250000000e-02;
	v1 =	vimm.f32 $0.0e+00;
	s10 =	sadd.s32 $0x16A00, s11;
	s11 =	smax.u32 s12, $0x1;
	s12 =	simm.s32 $0x9000  }
.LBB2_1:
0xf: {  	s19 =	simm.s32 $0x200;
	s20 =	simm.s32 $0x0  }
.LBB2_2:
0x10: {  	p0 =	sne.s32 s19, $0xFE00;
	[tilespmem:s20+$0x5000] =	vst v0;
	s21 =	smov.u32 s19;
	s19 =	sadd.s32 $0x200, s19  }
.Ltmp0:
0x11: {  	[tilespmem:s20+$0x9000] =	vst v1;
	(pc) =	sbr.rel @p0 .LBB2_2-.Ltmp0, $2  }
0x12: {  	_ =	sdelay $0x2  }
0x13: {  	s20 =	sshra.s32 s21, $0x2  }
0x14: {  	[tilespmem:s20+$0x5000] =	vst v0  }
0x15: {  	[tilespmem:s20+$0x9000] =	vst v1  }
0x16: {  	[spmem:s4] =	stream.linear.scatter [tilespmem:s12], [sflag:$0x1], $0x4000, $0x38;
	[tilespmem:$0xD000] =	vst v63  }
0x17: {  	_ =	swait.ge [sflag:s13], $0x4000  }
0x18: {  	[sflag:s13] =	ssyncset.done $0x0  }
0x19: {  	[sflag:s13] =	ssyncadd.s32 $0xFFFFC000  }
0x1a: {  	[spmem:s5] =	stream.linear.scatter [tilespmem:s12], [sflag:$0x1], $0x4000, $0x38;
	[tilespmem:$0xD000] =	vst v63  }
0x1b: {  	_ =	swait.ge [sflag:s13], $0x4000  }
0x1c: {  	[sflag:s13] =	ssyncset.done $0x0  }
0x1d: {  	[sflag:s13] =	ssyncadd.s32 $0xFFFFC000  }
0x1e: {  	[spmem:s6] =	stream.linear.scatter [tilespmem:s12], [sflag:$0x1], $0x4000, $0x38;
	[tilespmem:$0xD000] =	vst v63  }
0x1f: {  	_ =	swait.ge [sflag:s13], $0x4000  }
0x20: {  	[sflag:s13] =	ssyncset.done $0x0  }
0x21: {  	[sflag:s13] =	ssyncadd.s32 $0xFFFFC000  }
0x22: {  	[spmem:s7] =	stream.linear.scatter [tilespmem:s12], [sflag:$0x1], $0x4000, $0x38;
	[tilespmem:$0xD000] =	vst v63  }
0x23: {  	_ =	swait.ge [sflag:s13], $0x4000  }
0x24: {  	[sflag:s13] =	ssyncset.done $0x0  }
0x25: {  	[sflag:s13] =	ssyncadd.s32 $0xFFFFC000  }
0x26: {  	[spmem:s8] =	stream.linear.scatter [tilespmem:s12], [sflag:$0x1], $0x4000, $0x38;
	[tilespmem:$0xD000] =	vst v63  }
0x27: {  	_ =	swait.ge [sflag:s13], $0x4000  }
0x28: {  	[sflag:s13] =	ssyncset.done $0x0  }
0x29: {  	[sflag:s13] =	ssyncadd.s32 $0xFFFFC000  }
0x2a: {  	s19 =	simm.s32 $0x0;
	[bflag:$0x0] =	sbarrier.arrive $0xFFFF  }
0x2b: {  	[tilespmem:s14], [sflag:$0x1] =	stream.linear.gather [hbm4b:s9+s19], $0x2800, $0x38;
	[tilespmem:$0xD000] =	vst v63  }
0x2c: {  	_ =	swait.ge [sflag:s13], $0x2800  }
0x2d: {  	[sflag:s13] =	ssyncset.done $0x0  }
0x2e: {  	s31 =	simm.s32 $0x2800;
	[sflag:s13] =	ssyncadd.s32 $0xFFFFD800  }
0x2f: {  	[spmem:s2] =	stream.indirect.scatter.add.f32 [tilespmem:s16], [sflag:$0x1], $0x10, s31, s15, $0xb8;
	[tilespmem:$0xD000] =	vst v63  }
0x30: {  	s19 =	simm.s32 $0x200;
	_ =	swait.ge [sflag:s13], $0x800  }
.LBB2_4:
0x31: {  	s20 =	sshra.s32 s19, $0x2;
	[sflag:s13] =	ssyncset.done $0x0;
	p0 =	sne.s32 s19, $0x9E00  }
.Ltmp1:
0x32: {  	s20 =	sadd.s32 $0x2800, s20;
	[sflag:s13] =	ssyncadd.s32 $0xFFFFF800;
	(pc) =	sbr.rel @p0 .LBB2_4-.Ltmp1, $3  }
0x33: {  	[spmem:s2] =	stream.indirect.scatter.add.f32 [tilespmem:s16], [sflag:$0x1], $0x10, s20, s15, $0xb8;
	[tilespmem:$0xD000] =	vst v63  }
0x34: {  	s19 =	sadd.s32 $0x200, s19;
	_ =	sdelay $0x1  }
0x35: {  	_ =	swait.ge [sflag:s13], $0x800  }
0x36: {  	[sflag:s13] =	ssyncset.done $0x0;
	s3 =	sadd.s32 $0x1, s3  }
0x37: {  	[sflag:s13] =	ssyncadd.s32 $0xFFFFF800;
	p0 =	sne.s32 s3, s11  }
.Ltmp2:
0x38: {  	[bflag:$0x0] =	sbarrier.arrive $0xFFFF;
	(pc) =	sbr.rel @p0 .LBB2_1-.Ltmp2, $4  }
0x39: {  	[hbm:s10], [sflag:s17] =	dma.local [spmem:s18], $0x2800  }
0x3a: {  	_ =	swait.ge [sflag:s13], $0x2800  }
0x3b: {  	[sflag:s13] =	ssyncset.done $0x0  }
0x3c: {  	[sflag:s13] =	ssyncadd.s32 $0xFFFFD800  }
0x3d: {  	_ =	sfence.sel $0x180000  }
0x3e: {  	[bflag:$0x0] =	sbarrier.arrive $0xFFFF  }
0x3f: {  	p0 =	sne.s32 s0, $0x0;
	_ =	strace $0x90000047  }
0x40: {  	s0 =	sadd.s32 @!p0 $0x100000, s1;
	[bflag:$0x2] =	sbarrier.arrive $0xFFFF  }
0x41: {  	[sflag:s0] =	ssyncadd.tile.s32 @!p0 $0x1;
	_ =	shalt  }
.Lfunc_end2:
_tile_overlayer_lowered:
.L_overlay_start_2:
0x42: {  	(tag) =	ssettag $0x2  }
0x43: {  	s0 =	rddreg [dreg:$0x0];
	s2 =	stileid.u32  }
0x44: {  	s1 =	rddreg [dreg:$0x1];
	p0 =	sne.s32 s2, $0x0  }
0x45: {  	s3 =	rddreg [dreg:$0x2];
	[bflag:$0x3] =	sbarrier.arrive $0xFFFF;
	s2 =	simm.s32 @!p0 $0x1C01  }
0x46: {  	[timem:s3], [sflag:s2] =	dma.local @!p0 [hbm:s0], s1  }
0x47: {  	s0 =	simm.s32 @!p0 $0x1  }
0x48: {  	_ =	swait.ge @!p0 [sflag:s0], s1  }
0x49: {  	s1 =	ssub.s32 @!p0 $0x0, s1;
	[sflag:s0] =	ssyncset.done @!p0 $0x0  }
0x4a: {  	[sflag:s0] =	ssyncadd.s32 @!p0 s1  }
0x4b: {  	[bflag:$0x3] =	sbarrier.arrive $0xFFFF  }
0x4c: {  	_ =	shalt  }

</sc_bundles>
